<compile_context>
chip_gen: v7x
topology: tpu7x:2x2x1
jax: 0.10.2.dev20260603
libtpu: 0.0.44.dev20260713+nightly
codegen_flags: <defaults>
</compile_context>

<pallas_src>
import functools

import jax
import jax.numpy as jnp
from jax import lax
from jax.experimental import pallas as pl
from jax.experimental.pallas import tpu as pltpu
from jax.experimental.pallas import tpu_sc as plsc

N = 10000
E = 320000
D = 128
H = 64

NC = 2
NS = 16
NW = NC * NS
EPT = E // NW
K = 80
NCH = EPT // K
RPT = N // NS

BM = 2000



def _sc_mesh():
    return plsc.VectorSubcoreMesh(
        core_axis_name="c", subcore_axis_name="s", num_cores=NC, num_subcores=NS
    )


@functools.cache
def _deg_kernel_build():
    return pl.kernel(
        _deg_body,
        out_type=jax.ShapeDtypeStruct((NC * N,), jnp.float32),
        mesh=_sc_mesh(),
        scratch_types=[
            pltpu.VMEM((NCH, K), jnp.int32),
            pltpu.VMEM((K,), jnp.float32),
            pltpu.VMEM((640,), jnp.float32),
            pltpu.VMEM_SHARED((N,), jnp.float32),
        ],
    )


def _deg_body(dst_hbm, out_hbm, didx, ones, zbuf, acc):
    c = lax.axis_index("c")
    s = lax.axis_index("s")
    wid = c * NS + s
    row0 = s * 624
    for j in range(640 // 16):
        zbuf[pl.ds(j * 16, 16)] = jnp.zeros((16,), jnp.float32)
    for j in range(K // 16):
        ones[pl.ds(j * 16, 16)] = jnp.ones((16,), jnp.float32)
    pltpu.sync_copy(zbuf, acc.at[pl.ds(row0, 640)])
    pltpu.sync_copy(dst_hbm.at[wid], didx)
    plsc.subcore_barrier()

    def body(i, carry):
        pltpu.sync_copy(ones, acc.at[didx.at[i]], add=True)
        return carry

    lax.fori_loop(0, NCH, body, 0)
    plsc.subcore_barrier()
    pltpu.sync_copy(acc.at[pl.ds(row0, 640)], zbuf)
    pltpu.sync_copy(zbuf, out_hbm.at[pl.ds(c * N + row0, 640)])


@functools.cache
def _agg_kernel_build():
    return pl.kernel(
        _agg_body,
        out_type=jax.ShapeDtypeStruct((NC, N, 128), jnp.float32),
        mesh=_sc_mesh(),
        scratch_types=[
            pltpu.VMEM((NCH, K), jnp.int32),
            pltpu.VMEM((NCH, K), jnp.int32),
            pltpu.VMEM((6, K, H), jnp.float32),
            pltpu.VMEM((320, H), jnp.float32),
            pltpu.VMEM_SHARED((N, H), jnp.float32),
            pltpu.SemaphoreType.DMA,
            pltpu.SemaphoreType.DMA,
            pltpu.SemaphoreType.DMA,
            pltpu.SemaphoreType.DMA,
            pltpu.SemaphoreType.DMA,
            pltpu.SemaphoreType.DMA,
        ],
        compiler_params=pltpu.CompilerParams(use_tc_tiling_on_sc=False),
    )


def _agg_body(src_hbm, dst_hbm, msc_hbm, zrows_hbm, out_hbm,
              sidx, didx, rows, stage, acc,
              sem0, sem1, sem2, sem3, sem4, sem5):
    c = lax.axis_index("c")
    s = lax.axis_index("s")
    wid = c * NS + s
    row0 = s * 624

    @pl.when(c == 0)
    def _():
        for j in range(2):
            pltpu.sync_copy(msc_hbm.at[pl.ds(row0 + j * 320, 320)], stage)
            pltpu.sync_copy(stage, acc.at[pl.ds(row0 + j * 320, 320)])

    @pl.when(c != 0)
    def _():
        pltpu.sync_copy(zrows_hbm, stage)
        for j in range(2):
            pltpu.sync_copy(stage, acc.at[pl.ds(row0 + j * 320, 320)])

    pltpu.sync_copy(src_hbm.at[wid], sidx)
    pltpu.sync_copy(dst_hbm.at[wid], didx)
    plsc.subcore_barrier()

    gsems = (sem0, sem1, sem2, sem3, sem4, sem5)
    NB = 6
    for b in range(NB - 1):
        pltpu.async_copy(msc_hbm.at[sidx.at[b]], rows.at[b], gsems[b])

    def _phase(i, b):
        fb = (b + NB - 1) % NB

        @pl.when(i + NB - 1 < NCH)
        def _():
            pltpu.async_copy(msc_hbm.at[sidx.at[i + NB - 1]], rows.at[fb],
                             gsems[fb])

        pltpu.make_async_copy(msc_hbm.at[sidx.at[i]], rows.at[b],
                              gsems[b]).wait()
        pltpu.sync_copy(rows.at[b], acc.at[didx.at[i]], add=True)

    def body(i, carry):
        for b in range(NB):
            @pl.when(lax.rem(i, NB) == b)
            def _(b=b):
                _phase(i, b)

        return carry

    lax.fori_loop(0, NCH, body, 0)
    plsc.subcore_barrier()
    for j in range(2):
        pltpu.sync_copy(acc.at[pl.ds(row0 + j * 320, 320)], stage)
        pltpu.sync_copy(stage,
                        out_hbm.at[c, pl.ds(row0 + j * 320, 320), pl.ds(0, H)])



def _dinv_of(degt_ref):
    d = degt_ref[...]
    return lax.rsqrt(1.0 + d[:, :1] + d[:, 1:2])


def _mm_body(x_ref, w_ref, out_ref):
    out_ref[...] = jnp.dot(x_ref[...], w_ref[...],
                           preferred_element_type=jnp.float32)


def _scale_body(degt_ref, m_ref, out_ref):
    out_ref[...] = m_ref[...] * _dinv_of(degt_ref)


def _mid_body(degt_ref, aggp_ref, b0_ref, w1_ref, h1_ref, msc1_ref):
    dinv = _dinv_of(degt_ref)
    agg = aggp_ref[0, :, :H] + aggp_ref[1, :, :H]
    h1 = jnp.maximum(agg * dinv + b0_ref[...], 0.0)
    h1_ref[...] = h1
    msc1_ref[...] = (
        jnp.dot(h1, w1_ref[...], preferred_element_type=jnp.float32) * dinv
    )


def _fin_body(degt_ref, h1_ref, aggp_ref, b1_ref, wout_ref, bout_ref,
              out_ref):
    dinv = _dinv_of(degt_ref)
    agg = aggp_ref[0, :, :H] + aggp_ref[1, :, :H]
    h2 = h1_ref[...] + jnp.maximum(agg * dinv + b1_ref[...], 0.0)
    out_ref[...] = (
        jnp.dot(h2, wout_ref[...], preferred_element_type=jnp.float32)
        + bout_ref[...]
    )


def kernel(x, edge_index, W0, b0, W1, b1, Wout, bout):
    x = x.astype(jnp.float32)
    src3 = edge_index[0].reshape(NW, NCH, K)
    dst3 = edge_index[1].reshape(NW, NCH, K)
    b0r = b0.reshape(1, H)
    b1r = b1.reshape(1, H)
    boutr = bout.reshape(1, 2)

    degp = _deg_kernel_build()(dst3)
    degt = jnp.transpose(degp.reshape(NC, N))

    nblk = N // BM
    m0 = pl.pallas_call(
        _mm_body,
        grid=(nblk,),
        in_specs=[
            pl.BlockSpec((BM, D), lambda i: (i, 0)),
            pl.BlockSpec((D, H), lambda i: (0, 0)),
        ],
        out_specs=pl.BlockSpec((BM, H), lambda i: (i, 0)),
        out_shape=jax.ShapeDtypeStruct((N, H), jnp.float32),
    )(x, W0)

    msc0 = pl.pallas_call(
        _scale_body,
        grid=(nblk,),
        in_specs=[
            pl.BlockSpec((BM, 2), lambda i: (i, 0)),
            pl.BlockSpec((BM, H), lambda i: (i, 0)),
        ],
        out_specs=pl.BlockSpec((BM, H), lambda i: (i, 0)),
        out_shape=jax.ShapeDtypeStruct((N, H), jnp.float32),
    )(degt, m0)

    zrows = jnp.zeros((320, H), jnp.float32)
    agg0 = _agg_kernel_build()(src3, dst3, msc0, zrows)

    h1, msc1 = pl.pallas_call(
        _mid_body,
        grid=(nblk,),
        in_specs=[
            pl.BlockSpec((BM, 2), lambda i: (i, 0)),
            pl.BlockSpec((2, BM, 128), lambda i: (0, i, 0)),
            pl.BlockSpec((1, H), lambda i: (0, 0)),
            pl.BlockSpec((H, H), lambda i: (0, 0)),
        ],
        out_specs=[
            pl.BlockSpec((BM, H), lambda i: (i, 0)),
            pl.BlockSpec((BM, H), lambda i: (i, 0)),
        ],
        out_shape=[
            jax.ShapeDtypeStruct((N, H), jnp.float32),
            jax.ShapeDtypeStruct((N, H), jnp.float32),
        ],
    )(degt, agg0, b0r, W1)

    agg1 = _agg_kernel_build()(src3, dst3, msc1, zrows)

    coords = pl.pallas_call(
        _fin_body,
        grid=(nblk,),
        in_specs=[
            pl.BlockSpec((BM, 2), lambda i: (i, 0)),
            pl.BlockSpec((BM, H), lambda i: (i, 0)),
            pl.BlockSpec((2, BM, 128), lambda i: (0, i, 0)),
            pl.BlockSpec((1, H), lambda i: (0, 0)),
            pl.BlockSpec((H, 2), lambda i: (0, 0)),
            pl.BlockSpec((1, 2), lambda i: (0, 0)),
        ],
        out_specs=pl.BlockSpec((BM, 2), lambda i: (i, 0)),
        out_shape=jax.ShapeDtypeStruct((N, 2), jnp.float32),
    )(degt, h1, agg1, b1r, Wout, boutr)

    return coords

# --- scband reference (transcript-rebuilt; emitter-appended) ---
"""Pipeline reference for scband-gcn-43980465111672 (READ-ONLY COPY).

The authoritative reference and input builder live on the scoring server;
editing this copy changes nothing except your own understanding.
"""

import jax, jax.numpy as jnp
import numpy as np

N = 10000
E = 320000
D = 128
H = 64


def setup_inputs(seed: int = 0) -> dict:
    key = jax.random.key(seed)
    ks = jax.random.split(key, 10)
    x = jax.random.normal(ks[0], (N, D), dtype=jnp.float32)
    edge_index = jax.random.randint(ks[1], (2, E), 0, N, dtype=jnp.int32)
    # xavier_uniform with gain=0.5 for linear weights, zeros for biases
    def xavier(k, fan_in, fan_out, gain=0.5):
        limit = gain * np.sqrt(6.0 / (fan_in + fan_out))
        return jax.random.uniform(k, (fan_in, fan_out), jnp.float32, -limit, limit)
    W0 = xavier(ks[2], D, H)
    b0 = jnp.zeros((H,), jnp.float32)
    W1 = xavier(ks[3], H, H)
    b1 = jnp.zeros((H,), jnp.float32)
    Wout = xavier(ks[4], H, 2)
    bout = jnp.zeros((2,), jnp.float32)
    return {"x": x, "edge_index": edge_index, "W0": W0, "b0": b0,
            "W1": W1, "b1": b1, "Wout": Wout, "bout": bout}


def _gcn_conv(h, src, dst, norm, W, b):
    # h' = scatter_add(norm * (h @ W)[src] -> dst) + b
    m = h @ W
    msg = m[src] * norm[:, None]
    out = jax.ops.segment_sum(msg, dst, num_segments=N)
    return out + b


def reference(x, edge_index, W0, b0, W1, b1, Wout, bout):
    x = x.astype(jnp.float32)
    # add self loops (GCNConv default add_self_loops=True, normalize=True)
    loops = jnp.arange(N, dtype=edge_index.dtype)
    src = jnp.concatenate([edge_index[0], loops])
    dst = jnp.concatenate([edge_index[1], loops])
    deg = jnp.zeros((N,), jnp.float32).at[dst].add(1.0)
    dinv = jnp.where(deg > 0, 1.0 / jnp.sqrt(deg), 0.0)
    norm = dinv[src] * dinv[dst]
    # layer 0
    h = jax.nn.relu(_gcn_conv(x, src, dst, norm, W0, b0))
    # dropout is identity in eval mode
    # middle layers with residual (num_layers=3 -> one middle conv)
    h_new = jax.nn.relu(_gcn_conv(h, src, dst, norm, W1, b1))
    h = h + h_new
    coords = h @ Wout + bout
    return coords

if __name__ == "__main__":
    import jax
    _d = setup_inputs()
    print(jax.jit(kernel)(*tuple(_d.values())))

</pallas_src>

<mosaic_0001>
#map = affine_map<(d0, d1) -> (0, 0, 0)>
#map1 = affine_map<(d0, d1) -> (0, 0)>
module attributes {stable_mosaic.version = 14 : i64} {
  func.func @_agg_body(%arg0: i32, %arg1: i32, %arg2: memref<32x125x80xi32, #tpu.memory_space<hbm>>, %arg3: memref<32x125x80xi32, #tpu.memory_space<hbm>>, %arg4: memref<10000x64xf32, #tpu.memory_space<hbm>>, %arg5: memref<320x64xf32, #tpu.memory_space<hbm>>, %arg6: memref<2x10000x128xf32, #tpu.memory_space<hbm>>, %arg7: memref<125x80xi32, #tpu.memory_space<vmem>>, %arg8: memref<125x80xi32, #tpu.memory_space<vmem>>, %arg9: memref<6x80x64xf32, #tpu.memory_space<vmem>>, %arg10: memref<320x64xf32, #tpu.memory_space<vmem>>, %arg11: memref<10000x64xf32, #tpu.memory_space<vmem_shared>>, %arg12: memref<!tpu.dma_semaphore, #tpu.memory_space<semaphore_mem>>, %arg13: memref<!tpu.dma_semaphore, #tpu.memory_space<semaphore_mem>>, %arg14: memref<!tpu.dma_semaphore, #tpu.memory_space<semaphore_mem>>, %arg15: memref<!tpu.dma_semaphore, #tpu.memory_space<semaphore_mem>>, %arg16: memref<!tpu.dma_semaphore, #tpu.memory_space<semaphore_mem>>, %arg17: memref<!tpu.dma_semaphore, #tpu.memory_space<semaphore_mem>>) attributes {dimension_semantics = [#tpu.dimension_semantics<core_parallel>, #tpu.dimension_semantics<subcore_parallel>], iteration_bounds = array<i64: 2, 16>, scalar_prefetch = 0 : i64, scratch_operands = 11 : i64, tpu.core_type = #tpu.core_type<sc_vector_subcore>, window_params = [{transform_indices = #map}, {transform_indices = #map}, {transform_indices = #map1}, {transform_indices = #map1}, {transform_indices = #map}]} {
    %mul3A = arith.constant 16 : i32
    %mul3A_0 = arith.muli %arg0, %mul3A : i32
    %add3A = arith.addi %mul3A_0, %arg1 : i32
    %mul3A_1 = arith.constant 624 : i32
    %mul3A_2 = arith.muli %arg1, %mul3A_1 : i32
    %eq3A = arith.constant 0 : i32
    %eq3A_3 = arith.cmpi eq, %arg0, %eq3A : i32
    %convert_element_type3A = arith.extui %eq3A_3 : i1 to i32
    %cond3A = arith.constant 0 : i32
    %cond3A_4 = arith.cmpi ne, %convert_element_type3A, %cond3A : i32
    scf.if %cond3A_4 {
      %add3A_82 = arith.constant 0 : i32
      %add3A_83 = arith.addi %mul3A_2, %add3A_82 : i32
      "tpu.region"() ({
        %run_scoped3A = tpu.sem_alloc : memref<!tpu.dma_semaphore, #tpu.memory_space<semaphore_mem>>
        %dma_start3A_90 = arith.constant 0 : i32
        %dma_start3A_91 = tpu.memref_slice %arg4[%add3A_83, %dma_start3A_90] : memref<10000x64xf32, #tpu.memory_space<hbm>> -> memref<320x64xf32, #tpu.memory_space<hbm>>
        %dma_start3A_92 = arith.constant 0 : i32
        %dma_start3A_93 = tpu.memref_slice %arg4[%add3A_83, %dma_start3A_92] : memref<10000x64xf32, #tpu.memory_space<hbm>> -> memref<320x64xf32, #tpu.memory_space<hbm>>
        tpu.enqueue_dma source(%dma_start3A_93 : memref<320x64xf32, #tpu.memory_space<hbm>>) target(%arg10 : memref<320x64xf32, #tpu.memory_space<vmem>>) target_semaphore(%run_scoped3A : memref<!tpu.dma_semaphore, #tpu.memory_space<semaphore_mem>>)
        %dma_wait3A = arith.constant 0 : i32
        %dma_wait3A_94 = tpu.memref_slice %arg4[%add3A_83, %dma_wait3A] : memref<10000x64xf32, #tpu.memory_space<hbm>> -> memref<320x64xf32, #tpu.memory_space<hbm>>
        %dma_wait3A_95 = arith.constant 0 : i32
        %dma_wait3A_96 = tpu.memref_slice %arg4[%add3A_83, %dma_wait3A_95] : memref<10000x64xf32, #tpu.memory_space<hbm>> -> memref<320x64xf32, #tpu.memory_space<hbm>>
        tpu.wait_dma2 semaphore(%run_scoped3A : memref<!tpu.dma_semaphore, #tpu.memory_space<semaphore_mem>>) src(%dma_wait3A_96 : memref<320x64xf32, #tpu.memory_space<hbm>>) dst(%arg10 : memref<320x64xf32, #tpu.memory_space<vmem>>)
        tpu.yield
      }) : () -> ()
      %add3A_84 = arith.constant 0 : i32
      %add3A_85 = arith.addi %mul3A_2, %add3A_84 : i32
      "tpu.region"() ({
        %run_scoped3A = tpu.sem_alloc : memref<!tpu.dma_semaphore, #tpu.memory_space<semaphore_mem>>
        %dma_start3A_90 = arith.constant 0 : i32
        %dma_start3A_91 = tpu.memref_slice %arg11[%add3A_85, %dma_start3A_90] : memref<10000x64xf32, #tpu.memory_space<vmem_shared>> -> memref<320x64xf32, #tpu.memory_space<vmem_shared>>
        %dma_start3A_92 = arith.constant 0 : i32
        %dma_start3A_93 = tpu.memref_slice %arg11[%add3A_85, %dma_start3A_92] : memref<10000x64xf32, #tpu.memory_space<vmem_shared>> -> memref<320x64xf32, #tpu.memory_space<vmem_shared>>
        tpu.enqueue_dma source(%arg10 : memref<320x64xf32, #tpu.memory_space<vmem>>) target(%dma_start3A_93 : memref<320x64xf32, #tpu.memory_space<vmem_shared>>) target_semaphore(%run_scoped3A : memref<!tpu.dma_semaphore, #tpu.memory_space<semaphore_mem>>)
        %dma_wait3A = arith.constant 0 : i32
        %dma_wait3A_94 = tpu.memref_slice %arg11[%add3A_85, %dma_wait3A] : memref<10000x64xf32, #tpu.memory_space<vmem_shared>> -> memref<320x64xf32, #tpu.memory_space<vmem_shared>>
        %dma_wait3A_95 = arith.constant 0 : i32
        %dma_wait3A_96 = tpu.memref_slice %arg11[%add3A_85, %dma_wait3A_95] : memref<10000x64xf32, #tpu.memory_space<vmem_shared>> -> memref<320x64xf32, #tpu.memory_space<vmem_shared>>
        tpu.wait_dma2 semaphore(%run_scoped3A : memref<!tpu.dma_semaphore, #tpu.memory_space<semaphore_mem>>) src(%arg10 : memref<320x64xf32, #tpu.memory_space<vmem>>) dst(%dma_wait3A_96 : memref<320x64xf32, #tpu.memory_space<vmem_shared>>)
        tpu.yield
      }) : () -> ()
      %add3A_86 = arith.constant 320 : i32
      %add3A_87 = arith.addi %mul3A_2, %add3A_86 : i32
      "tpu.region"() ({
        %run_scoped3A = tpu.sem_alloc : memref<!tpu.dma_semaphore, #tpu.memory_space<semaphore_mem>>
        %dma_start3A_90 = arith.constant 0 : i32
        %dma_start3A_91 = tpu.memref_slice %arg4[%add3A_87, %dma_start3A_90] : memref<10000x64xf32, #tpu.memory_space<hbm>> -> memref<320x64xf32, #tpu.memory_space<hbm>>
        %dma_start3A_92 = arith.constant 0 : i32
        %dma_start3A_93 = tpu.memref_slice %arg4[%add3A_87, %dma_start3A_92] : memref<10000x64xf32, #tpu.memory_space<hbm>> -> memref<320x64xf32, #tpu.memory_space<hbm>>
        tpu.enqueue_dma source(%dma_start3A_93 : memref<320x64xf32, #tpu.memory_space<hbm>>) target(%arg10 : memref<320x64xf32, #tpu.memory_space<vmem>>) target_semaphore(%run_scoped3A : memref<!tpu.dma_semaphore, #tpu.memory_space<semaphore_mem>>)
        %dma_wait3A = arith.constant 0 : i32
        %dma_wait3A_94 = tpu.memref_slice %arg4[%add3A_87, %dma_wait3A] : memref<10000x64xf32, #tpu.memory_space<hbm>> -> memref<320x64xf32, #tpu.memory_space<hbm>>
        %dma_wait3A_95 = arith.constant 0 : i32
        %dma_wait3A_96 = tpu.memref_slice %arg4[%add3A_87, %dma_wait3A_95] : memref<10000x64xf32, #tpu.memory_space<hbm>> -> memref<320x64xf32, #tpu.memory_space<hbm>>
        tpu.wait_dma2 semaphore(%run_scoped3A : memref<!tpu.dma_semaphore, #tpu.memory_space<semaphore_mem>>) src(%dma_wait3A_96 : memref<320x64xf32, #tpu.memory_space<hbm>>) dst(%arg10 : memref<320x64xf32, #tpu.memory_space<vmem>>)
        tpu.yield
      }) : () -> ()
      %add3A_88 = arith.constant 320 : i32
      %add3A_89 = arith.addi %mul3A_2, %add3A_88 : i32
      "tpu.region"() ({
        %run_scoped3A = tpu.sem_alloc : memref<!tpu.dma_semaphore, #tpu.memory_space<semaphore_mem>>
        %dma_start3A_90 = arith.constant 0 : i32
        %dma_start3A_91 = tpu.memref_slice %arg11[%add3A_89, %dma_start3A_90] : memref<10000x64xf32, #tpu.memory_space<vmem_shared>> -> memref<320x64xf32, #tpu.memory_space<vmem_shared>>
        %dma_start3A_92 = arith.constant 0 : i32
        %dma_start3A_93 = tpu.memref_slice %arg11[%add3A_89, %dma_start3A_92] : memref<10000x64xf32, #tpu.memory_space<vmem_shared>> -> memref<320x64xf32, #tpu.memory_space<vmem_shared>>
        tpu.enqueue_dma source(%arg10 : memref<320x64xf32, #tpu.memory_space<vmem>>) target(%dma_start3A_93 : memref<320x64xf32, #tpu.memory_space<vmem_shared>>) target_semaphore(%run_scoped3A : memref<!tpu.dma_semaphore, #tpu.memory_space<semaphore_mem>>)
        %dma_wait3A = arith.constant 0 : i32
        %dma_wait3A_94 = tpu.memref_slice %arg11[%add3A_89, %dma_wait3A] : memref<10000x64xf32, #tpu.memory_space<vmem_shared>> -> memref<320x64xf32, #tpu.memory_space<vmem_shared>>
        %dma_wait3A_95 = arith.constant 0 : i32
        %dma_wait3A_96 = tpu.memref_slice %arg11[%add3A_89, %dma_wait3A_95] : memref<10000x64xf32, #tpu.memory_space<vmem_shared>> -> memref<320x64xf32, #tpu.memory_space<vmem_shared>>
        tpu.wait_dma2 semaphore(%run_scoped3A : memref<!tpu.dma_semaphore, #tpu.memory_space<semaphore_mem>>) src(%arg10 : memref<320x64xf32, #tpu.memory_space<vmem>>) dst(%dma_wait3A_96 : memref<320x64xf32, #tpu.memory_space<vmem_shared>>)
        tpu.yield
      }) : () -> ()
    } else {
    }
    %ne3A = arith.constant 0 : i32
    %ne3A_5 = arith.cmpi ne, %arg0, %ne3A : i32
    %convert_element_type3A_6 = arith.extui %ne3A_5 : i1 to i32
    %cond3A_7 = arith.constant 0 : i32
    %cond3A_8 = arith.cmpi ne, %convert_element_type3A_6, %cond3A_7 : i32
    scf.if %cond3A_8 {
      "tpu.region"() ({
        %run_scoped3A = tpu.sem_alloc : memref<!tpu.dma_semaphore, #tpu.memory_space<semaphore_mem>>
        tpu.enqueue_dma source(%arg5 : memref<320x64xf32, #tpu.memory_space<hbm>>) target(%arg10 : memref<320x64xf32, #tpu.memory_space<vmem>>) target_semaphore(%run_scoped3A : memref<!tpu.dma_semaphore, #tpu.memory_space<semaphore_mem>>)
        tpu.wait_dma2 semaphore(%run_scoped3A : memref<!tpu.dma_semaphore, #tpu.memory_space<semaphore_mem>>) src(%arg5 : memref<320x64xf32, #tpu.memory_space<hbm>>) dst(%arg10 : memref<320x64xf32, #tpu.memory_space<vmem>>)
        tpu.yield
      }) : () -> ()
      %add3A_82 = arith.constant 0 : i32
      %add3A_83 = arith.addi %mul3A_2, %add3A_82 : i32
      "tpu.region"() ({
        %run_scoped3A = tpu.sem_alloc : memref<!tpu.dma_semaphore, #tpu.memory_space<semaphore_mem>>
        %dma_start3A_86 = arith.constant 0 : i32
        %dma_start3A_87 = tpu.memref_slice %arg11[%add3A_83, %dma_start3A_86] : memref<10000x64xf32, #tpu.memory_space<vmem_shared>> -> memref<320x64xf32, #tpu.memory_space<vmem_shared>>
        %dma_start3A_88 = arith.constant 0 : i32
        %dma_start3A_89 = tpu.memref_slice %arg11[%add3A_83, %dma_start3A_88] : memref<10000x64xf32, #tpu.memory_space<vmem_shared>> -> memref<320x64xf32, #tpu.memory_space<vmem_shared>>
        tpu.enqueue_dma source(%arg10 : memref<320x64xf32, #tpu.memory_space<vmem>>) target(%dma_start3A_89 : memref<320x64xf32, #tpu.memory_space<vmem_shared>>) target_semaphore(%run_scoped3A : memref<!tpu.dma_semaphore, #tpu.memory_space<semaphore_mem>>)
        %dma_wait3A = arith.constant 0 : i32
        %dma_wait3A_90 = tpu.memref_slice %arg11[%add3A_83, %dma_wait3A] : memref<10000x64xf32, #tpu.memory_space<vmem_shared>> -> memref<320x64xf32, #tpu.memory_space<vmem_shared>>
        %dma_wait3A_91 = arith.constant 0 : i32
        %dma_wait3A_92 = tpu.memref_slice %arg11[%add3A_83, %dma_wait3A_91] : memref<10000x64xf32, #tpu.memory_space<vmem_shared>> -> memref<320x64xf32, #tpu.memory_space<vmem_shared>>
        tpu.wait_dma2 semaphore(%run_scoped3A : memref<!tpu.dma_semaphore, #tpu.memory_space<semaphore_mem>>) src(%arg10 : memref<320x64xf32, #tpu.memory_space<vmem>>) dst(%dma_wait3A_92 : memref<320x64xf32, #tpu.memory_space<vmem_shared>>)
        tpu.yield
      }) : () -> ()
      %add3A_84 = arith.constant 320 : i32
      %add3A_85 = arith.addi %mul3A_2, %add3A_84 : i32
      "tpu.region"() ({
        %run_scoped3A = tpu.sem_alloc : memref<!tpu.dma_semaphore, #tpu.memory_space<semaphore_mem>>
        %dma_start3A_86 = arith.constant 0 : i32
        %dma_start3A_87 = tpu.memref_slice %arg11[%add3A_85, %dma_start3A_86] : memref<10000x64xf32, #tpu.memory_space<vmem_shared>> -> memref<320x64xf32, #tpu.memory_space<vmem_shared>>
        %dma_start3A_88 = arith.constant 0 : i32
        %dma_start3A_89 = tpu.memref_slice %arg11[%add3A_85, %dma_start3A_88] : memref<10000x64xf32, #tpu.memory_space<vmem_shared>> -> memref<320x64xf32, #tpu.memory_space<vmem_shared>>
        tpu.enqueue_dma source(%arg10 : memref<320x64xf32, #tpu.memory_space<vmem>>) target(%dma_start3A_89 : memref<320x64xf32, #tpu.memory_space<vmem_shared>>) target_semaphore(%run_scoped3A : memref<!tpu.dma_semaphore, #tpu.memory_space<semaphore_mem>>)
        %dma_wait3A = arith.constant 0 : i32
        %dma_wait3A_90 = tpu.memref_slice %arg11[%add3A_85, %dma_wait3A] : memref<10000x64xf32, #tpu.memory_space<vmem_shared>> -> memref<320x64xf32, #tpu.memory_space<vmem_shared>>
        %dma_wait3A_91 = arith.constant 0 : i32
        %dma_wait3A_92 = tpu.memref_slice %arg11[%add3A_85, %dma_wait3A_91] : memref<10000x64xf32, #tpu.memory_space<vmem_shared>> -> memref<320x64xf32, #tpu.memory_space<vmem_shared>>
        tpu.wait_dma2 semaphore(%run_scoped3A : memref<!tpu.dma_semaphore, #tpu.memory_space<semaphore_mem>>) src(%arg10 : memref<320x64xf32, #tpu.memory_space<vmem>>) dst(%dma_wait3A_92 : memref<320x64xf32, #tpu.memory_space<vmem_shared>>)
        tpu.yield
      }) : () -> ()
    } else {
    }
    "tpu.region"() ({
      %run_scoped3A = tpu.sem_alloc : memref<!tpu.dma_semaphore, #tpu.memory_space<semaphore_mem>>
      %dma_start3A_82 = arith.constant 0 : i32
      %dma_start3A_83 = arith.constant 0 : i32
      %dma_start3A_84 = tpu.memref_slice %arg2[%add3A, %dma_start3A_82, %dma_start3A_83] : memref<32x125x80xi32, #tpu.memory_space<hbm>> -> memref<1x125x80xi32, #tpu.memory_space<hbm>>
      %dma_start3A_85 = tpu.memref_squeeze %dma_start3A_84 : memref<1x125x80xi32, #tpu.memory_space<hbm>> -> memref<125x80xi32, #tpu.memory_space<hbm>>
      %dma_start3A_86 = arith.constant 0 : i32
      %dma_start3A_87 = arith.constant 0 : i32
      %dma_start3A_88 = tpu.memref_slice %arg2[%add3A, %dma_start3A_86, %dma_start3A_87] : memref<32x125x80xi32, #tpu.memory_space<hbm>> -> memref<1x125x80xi32, #tpu.memory_space<hbm>>
      %dma_start3A_89 = tpu.memref_squeeze %dma_start3A_88 : memref<1x125x80xi32, #tpu.memory_space<hbm>> -> memref<125x80xi32, #tpu.memory_space<hbm>>
      tpu.enqueue_dma source(%dma_start3A_89 : memref<125x80xi32, #tpu.memory_space<hbm>>) target(%arg7 : memref<125x80xi32, #tpu.memory_space<vmem>>) target_semaphore(%run_scoped3A : memref<!tpu.dma_semaphore, #tpu.memory_space<semaphore_mem>>)
      %dma_wait3A = arith.constant 0 : i32
      %dma_wait3A_90 = arith.constant 0 : i32
      %dma_wait3A_91 = tpu.memref_slice %arg2[%add3A, %dma_wait3A, %dma_wait3A_90] : memref<32x125x80xi32, #tpu.memory_space<hbm>> -> memref<1x125x80xi32, #tpu.memory_space<hbm>>
      %dma_wait3A_92 = tpu.memref_squeeze %dma_wait3A_91 : memref<1x125x80xi32, #tpu.memory_space<hbm>> -> memref<125x80xi32, #tpu.memory_space<hbm>>
      %dma_wait3A_93 = arith.constant 0 : i32
      %dma_wait3A_94 = arith.constant 0 : i32
      %dma_wait3A_95 = tpu.memref_slice %arg2[%add3A, %dma_wait3A_93, %dma_wait3A_94] : memref<32x125x80xi32, #tpu.memory_space<hbm>> -> memref<1x125x80xi32, #tpu.memory_space<hbm>>
      %dma_wait3A_96 = tpu.memref_squeeze %dma_wait3A_95 : memref<1x125x80xi32, #tpu.memory_space<hbm>> -> memref<125x80xi32, #tpu.memory_space<hbm>>
      tpu.wait_dma2 semaphore(%run_scoped3A : memref<!tpu.dma_semaphore, #tpu.memory_space<semaphore_mem>>) src(%dma_wait3A_96 : memref<125x80xi32, #tpu.memory_space<hbm>>) dst(%arg7 : memref<125x80xi32, #tpu.memory_space<vmem>>)
      tpu.yield
    }) : () -> ()
    "tpu.region"() ({
      %run_scoped3A = tpu.sem_alloc : memref<!tpu.dma_semaphore, #tpu.memory_space<semaphore_mem>>
      %dma_start3A_82 = arith.constant 0 : i32
      %dma_start3A_83 = arith.constant 0 : i32
      %dma_start3A_84 = tpu.memref_slice %arg3[%add3A, %dma_start3A_82, %dma_start3A_83] : memref<32x125x80xi32, #tpu.memory_space<hbm>> -> memref<1x125x80xi32, #tpu.memory_space<hbm>>
      %dma_start3A_85 = tpu.memref_squeeze %dma_start3A_84 : memref<1x125x80xi32, #tpu.memory_space<hbm>> -> memref<125x80xi32, #tpu.memory_space<hbm>>
      %dma_start3A_86 = arith.constant 0 : i32
      %dma_start3A_87 = arith.constant 0 : i32
      %dma_start3A_88 = tpu.memref_slice %arg3[%add3A, %dma_start3A_86, %dma_start3A_87] : memref<32x125x80xi32, #tpu.memory_space<hbm>> -> memref<1x125x80xi32, #tpu.memory_space<hbm>>
      %dma_start3A_89 = tpu.memref_squeeze %dma_start3A_88 : memref<1x125x80xi32, #tpu.memory_space<hbm>> -> memref<125x80xi32, #tpu.memory_space<hbm>>
      tpu.enqueue_dma source(%dma_start3A_89 : memref<125x80xi32, #tpu.memory_space<hbm>>) target(%arg8 : memref<125x80xi32, #tpu.memory_space<vmem>>) target_semaphore(%run_scoped3A : memref<!tpu.dma_semaphore, #tpu.memory_space<semaphore_mem>>)
      %dma_wait3A = arith.constant 0 : i32
      %dma_wait3A_90 = arith.constant 0 : i32
      %dma_wait3A_91 = tpu.memref_slice %arg3[%add3A, %dma_wait3A, %dma_wait3A_90] : memref<32x125x80xi32, #tpu.memory_space<hbm>> -> memref<1x125x80xi32, #tpu.memory_space<hbm>>
      %dma_wait3A_92 = tpu.memref_squeeze %dma_wait3A_91 : memref<1x125x80xi32, #tpu.memory_space<hbm>> -> memref<125x80xi32, #tpu.memory_space<hbm>>
      %dma_wait3A_93 = arith.constant 0 : i32
      %dma_wait3A_94 = arith.constant 0 : i32
      %dma_wait3A_95 = tpu.memref_slice %arg3[%add3A, %dma_wait3A_93, %dma_wait3A_94] : memref<32x125x80xi32, #tpu.memory_space<hbm>> -> memref<1x125x80xi32, #tpu.memory_space<hbm>>
      %dma_wait3A_96 = tpu.memref_squeeze %dma_wait3A_95 : memref<1x125x80xi32, #tpu.memory_space<hbm>> -> memref<125x80xi32, #tpu.memory_space<hbm>>
      tpu.wait_dma2 semaphore(%run_scoped3A : memref<!tpu.dma_semaphore, #tpu.memory_space<semaphore_mem>>) src(%dma_wait3A_96 : memref<125x80xi32, #tpu.memory_space<hbm>>) dst(%arg8 : memref<125x80xi32, #tpu.memory_space<vmem>>)
      tpu.yield
    }) : () -> ()
    %barrier3A = arith.constant 0 : index
    tpu.barrier barrier_id(%barrier3A)
    %dma_start3A = arith.constant 0 : i32
    %dma_start3A_9 = arith.constant 0 : i32
    %dma_start3A_10 = arith.constant 0 : i32
    %dma_start3A_11 = arith.constant 0 : i32
    %dma_start3A_12 = tpu.memref_slice %arg9[%dma_start3A_9, %dma_start3A_10, %dma_start3A_11] : memref<6x80x64xf32, #tpu.memory_space<vmem>> -> memref<1x80x64xf32, #tpu.memory_space<vmem>>
    %dma_start3A_13 = tpu.memref_squeeze %dma_start3A_12 : memref<1x80x64xf32, #tpu.memory_space<vmem>> -> memref<80x64xf32, #tpu.memory_space<vmem>>
    %dma_start3A_14 = arith.constant 0 : i32
    %dma_start3A_15 = tpu.memref_slice %arg7[%dma_start3A, %dma_start3A_14] : memref<125x80xi32, #tpu.memory_space<vmem>> -> memref<1x80xi32, #tpu.memory_space<vmem>>
    %dma_start3A_16 = tpu.memref_squeeze %dma_start3A_15 : memref<1x80xi32, #tpu.memory_space<vmem>> -> memref<80xi32, #tpu.memory_space<vmem>>
    %dma_start3A_17 = arith.constant 0 : i32
    %dma_start3A_18 = arith.constant 0 : i32
    %dma_start3A_19 = tpu.memref_slice %arg4[%dma_start3A_17, %dma_start3A_18] : memref<10000x64xf32, #tpu.memory_space<hbm>> -> memref<10000x64xf32, #tpu.memory_space<hbm>>
    tpu.enqueue_indirect_dma source(%dma_start3A_19 : memref<10000x64xf32, #tpu.memory_space<hbm>>) target(%dma_start3A_13 : memref<80x64xf32, #tpu.memory_space<vmem>>) offsets(%dma_start3A_16 : memref<80xi32, #tpu.memory_space<vmem>>) semaphore(%arg12 : memref<!tpu.dma_semaphore, #tpu.memory_space<semaphore_mem>>)
    %dma_start3A_20 = arith.constant 1 : i32
    %dma_start3A_21 = arith.constant 1 : i32
    %dma_start3A_22 = arith.constant 0 : i32
    %dma_start3A_23 = arith.constant 0 : i32
    %dma_start3A_24 = tpu.memref_slice %arg9[%dma_start3A_21, %dma_start3A_22, %dma_start3A_23] : memref<6x80x64xf32, #tpu.memory_space<vmem>> -> memref<1x80x64xf32, #tpu.memory_space<vmem>>
    %dma_start3A_25 = tpu.memref_squeeze %dma_start3A_24 : memref<1x80x64xf32, #tpu.memory_space<vmem>> -> memref<80x64xf32, #tpu.memory_space<vmem>>
    %dma_start3A_26 = arith.constant 0 : i32
    %dma_start3A_27 = tpu.memref_slice %arg7[%dma_start3A_20, %dma_start3A_26] : memref<125x80xi32, #tpu.memory_space<vmem>> -> memref<1x80xi32, #tpu.memory_space<vmem>>
    %dma_start3A_28 = tpu.memref_squeeze %dma_start3A_27 : memref<1x80xi32, #tpu.memory_space<vmem>> -> memref<80xi32, #tpu.memory_space<vmem>>
    %dma_start3A_29 = arith.constant 0 : i32
    %dma_start3A_30 = arith.constant 0 : i32
    %dma_start3A_31 = tpu.memref_slice %arg4[%dma_start3A_29, %dma_start3A_30] : memref<10000x64xf32, #tpu.memory_space<hbm>> -> memref<10000x64xf32, #tpu.memory_space<hbm>>
    tpu.enqueue_indirect_dma source(%dma_start3A_31 : memref<10000x64xf32, #tpu.memory_space<hbm>>) target(%dma_start3A_25 : memref<80x64xf32, #tpu.memory_space<vmem>>) offsets(%dma_start3A_28 : memref<80xi32, #tpu.memory_space<vmem>>) semaphore(%arg13 : memref<!tpu.dma_semaphore, #tpu.memory_space<semaphore_mem>>)
    %dma_start3A_32 = arith.constant 2 : i32
    %dma_start3A_33 = arith.constant 2 : i32
    %dma_start3A_34 = arith.constant 0 : i32
    %dma_start3A_35 = arith.constant 0 : i32
    %dma_start3A_36 = tpu.memref_slice %arg9[%dma_start3A_33, %dma_start3A_34, %dma_start3A_35] : memref<6x80x64xf32, #tpu.memory_space<vmem>> -> memref<1x80x64xf32, #tpu.memory_space<vmem>>
    %dma_start3A_37 = tpu.memref_squeeze %dma_start3A_36 : memref<1x80x64xf32, #tpu.memory_space<vmem>> -> memref<80x64xf32, #tpu.memory_space<vmem>>
    %dma_start3A_38 = arith.constant 0 : i32
    %dma_start3A_39 = tpu.memref_slice %arg7[%dma_start3A_32, %dma_start3A_38] : memref<125x80xi32, #tpu.memory_space<vmem>> -> memref<1x80xi32, #tpu.memory_space<vmem>>
    %dma_start3A_40 = tpu.memref_squeeze %dma_start3A_39 : memref<1x80xi32, #tpu.memory_space<vmem>> -> memref<80xi32, #tpu.memory_space<vmem>>
    %dma_start3A_41 = arith.constant 0 : i32
    %dma_start3A_42 = arith.constant 0 : i32
    %dma_start3A_43 = tpu.memref_slice %arg4[%dma_start3A_41, %dma_start3A_42] : memref<10000x64xf32, #tpu.memory_space<hbm>> -> memref<10000x64xf32, #tpu.memory_space<hbm>>
    tpu.enqueue_indirect_dma source(%dma_start3A_43 : memref<10000x64xf32, #tpu.memory_space<hbm>>) target(%dma_start3A_37 : memref<80x64xf32, #tpu.memory_space<vmem>>) offsets(%dma_start3A_40 : memref<80xi32, #tpu.memory_space<vmem>>) semaphore(%arg14 : memref<!tpu.dma_semaphore, #tpu.memory_space<semaphore_mem>>)
    %dma_start3A_44 = arith.constant 3 : i32
    %dma_start3A_45 = arith.constant 3 : i32
    %dma_start3A_46 = arith.constant 0 : i32
    %dma_start3A_47 = arith.constant 0 : i32
    %dma_start3A_48 = tpu.memref_slice %arg9[%dma_start3A_45, %dma_start3A_46, %dma_start3A_47] : memref<6x80x64xf32, #tpu.memory_space<vmem>> -> memref<1x80x64xf32, #tpu.memory_space<vmem>>
    %dma_start3A_49 = tpu.memref_squeeze %dma_start3A_48 : memref<1x80x64xf32, #tpu.memory_space<vmem>> -> memref<80x64xf32, #tpu.memory_space<vmem>>
    %dma_start3A_50 = arith.constant 0 : i32
    %dma_start3A_51 = tpu.memref_slice %arg7[%dma_start3A_44, %dma_start3A_50] : memref<125x80xi32, #tpu.memory_space<vmem>> -> memref<1x80xi32, #tpu.memory_space<vmem>>
    %dma_start3A_52 = tpu.memref_squeeze %dma_start3A_51 : memref<1x80xi32, #tpu.memory_space<vmem>> -> memref<80xi32, #tpu.memory_space<vmem>>
    %dma_start3A_53 = arith.constant 0 : i32
    %dma_start3A_54 = arith.constant 0 : i32
    %dma_start3A_55 = tpu.memref_slice %arg4[%dma_start3A_53, %dma_start3A_54] : memref<10000x64xf32, #tpu.memory_space<hbm>> -> memref<10000x64xf32, #tpu.memory_space<hbm>>
    tpu.enqueue_indirect_dma source(%dma_start3A_55 : memref<10000x64xf32, #tpu.memory_space<hbm>>) target(%dma_start3A_49 : memref<80x64xf32, #tpu.memory_space<vmem>>) offsets(%dma_start3A_52 : memref<80xi32, #tpu.memory_space<vmem>>) semaphore(%arg15 : memref<!tpu.dma_semaphore, #tpu.memory_space<semaphore_mem>>)
    %dma_start3A_56 = arith.constant 4 : i32
    %dma_start3A_57 = arith.constant 4 : i32
    %dma_start3A_58 = arith.constant 0 : i32
    %dma_start3A_59 = arith.constant 0 : i32
    %dma_start3A_60 = tpu.memref_slice %arg9[%dma_start3A_57, %dma_start3A_58, %dma_start3A_59] : memref<6x80x64xf32, #tpu.memory_space<vmem>> -> memref<1x80x64xf32, #tpu.memory_space<vmem>>
    %dma_start3A_61 = tpu.memref_squeeze %dma_start3A_60 : memref<1x80x64xf32, #tpu.memory_space<vmem>> -> memref<80x64xf32, #tpu.memory_space<vmem>>
    %dma_start3A_62 = arith.constant 0 : i32
    %dma_start3A_63 = tpu.memref_slice %arg7[%dma_start3A_56, %dma_start3A_62] : memref<125x80xi32, #tpu.memory_space<vmem>> -> memref<1x80xi32, #tpu.memory_space<vmem>>
    %dma_start3A_64 = tpu.memref_squeeze %dma_start3A_63 : memref<1x80xi32, #tpu.memory_space<vmem>> -> memref<80xi32, #tpu.memory_space<vmem>>
    %dma_start3A_65 = arith.constant 0 : i32
    %dma_start3A_66 = arith.constant 0 : i32
    %dma_start3A_67 = tpu.memref_slice %arg4[%dma_start3A_65, %dma_start3A_66] : memref<10000x64xf32, #tpu.memory_space<hbm>> -> memref<10000x64xf32, #tpu.memory_space<hbm>>
    tpu.enqueue_indirect_dma source(%dma_start3A_67 : memref<10000x64xf32, #tpu.memory_space<hbm>>) target(%dma_start3A_61 : memref<80x64xf32, #tpu.memory_space<vmem>>) offsets(%dma_start3A_64 : memref<80xi32, #tpu.memory_space<vmem>>) semaphore(%arg16 : memref<!tpu.dma_semaphore, #tpu.memory_space<semaphore_mem>>)
    %scan3A = arith.constant 0 : i32
    %scan3A_68 = arith.constant 0 : i32
    %scan3A_69 = arith.constant 125 : i32
    %scan3A_70 = arith.addi %scan3A_68, %scan3A_69 : i32
    %scan3A_71 = arith.constant 1 : i32
    scf.for %scan3A_82 = %scan3A_68 to %scan3A_70 step %scan3A_71  : i32 {
      %rem3A = arith.constant 6 : i32
      %rem3A_83 = arith.remsi %scan3A_82, %rem3A : i32
      %eq3A_84 = arith.constant 0 : i32
      %eq3A_85 = arith.cmpi eq, %rem3A_83, %eq3A_84 : i32
      %convert_element_type3A_86 = arith.extui %eq3A_85 : i1 to i32
      %cond3A_87 = arith.constant 0 : i32
      %cond3A_88 = arith.cmpi ne, %convert_element_type3A_86, %cond3A_87 : i32
      scf.if %cond3A_88 {
        %add3A_124 = arith.constant 6 : i32
        %add3A_125 = arith.addi %scan3A_82, %add3A_124 : i32
        %sub3A = arith.constant 1 : i32
        %sub3A_126 = arith.subi %add3A_125, %sub3A : i32
        %lt3A = arith.constant 125 : i32
        %lt3A_127 = arith.cmpi slt, %sub3A_126, %lt3A : i32
        %convert_element_type3A_128 = arith.extui %lt3A_127 : i1 to i32
        %cond3A_129 = arith.constant 0 : i32
        %cond3A_130 = arith.cmpi ne, %convert_element_type3A_128, %cond3A_129 : i32
        scf.if %cond3A_130 {
          %add3A_141 = arith.constant 6 : i32
          %add3A_142 = arith.addi %scan3A_82, %add3A_141 : i32
          %sub3A_143 = arith.constant 1 : i32
          %sub3A_144 = arith.subi %add3A_142, %sub3A_143 : i32
          %dma_start3A_145 = arith.constant 5 : i32
          %dma_start3A_146 = arith.constant 0 : i32
          %dma_start3A_147 = arith.constant 0 : i32
          %dma_start3A_148 = tpu.memref_slice %arg9[%dma_start3A_145, %dma_start3A_146, %dma_start3A_147] : memref<6x80x64xf32, #tpu.memory_space<vmem>> -> memref<1x80x64xf32, #tpu.memory_space<vmem>>
          %dma_start3A_149 = tpu.memref_squeeze %dma_start3A_148 : memref<1x80x64xf32, #tpu.memory_space<vmem>> -> memref<80x64xf32, #tpu.memory_space<vmem>>
          %dma_start3A_150 = arith.constant 0 : i32
          %dma_start3A_151 = tpu.memref_slice %arg7[%sub3A_144, %dma_start3A_150] : memref<125x80xi32, #tpu.memory_space<vmem>> -> memref<1x80xi32, #tpu.memory_space<vmem>>
          %dma_start3A_152 = tpu.memref_squeeze %dma_start3A_151 : memref<1x80xi32, #tpu.memory_space<vmem>> -> memref<80xi32, #tpu.memory_space<vmem>>
          %dma_start3A_153 = arith.constant 0 : i32
          %dma_start3A_154 = arith.constant 0 : i32
          %dma_start3A_155 = tpu.memref_slice %arg4[%dma_start3A_153, %dma_start3A_154] : memref<10000x64xf32, #tpu.memory_space<hbm>> -> memref<10000x64xf32, #tpu.memory_space<hbm>>
          tpu.enqueue_indirect_dma source(%dma_start3A_155 : memref<10000x64xf32, #tpu.memory_space<hbm>>) target(%dma_start3A_149 : memref<80x64xf32, #tpu.memory_space<vmem>>) offsets(%dma_start3A_152 : memref<80xi32, #tpu.memory_space<vmem>>) semaphore(%arg17 : memref<!tpu.dma_semaphore, #tpu.memory_space<semaphore_mem>>)
        } else {
        }
        %dma_wait3A = arith.constant 0 : i32
        %dma_wait3A_131 = arith.constant 0 : i32
        %dma_wait3A_132 = arith.constant 0 : i32
        %dma_wait3A_133 = tpu.memref_slice %arg9[%dma_wait3A, %dma_wait3A_131, %dma_wait3A_132] : memref<6x80x64xf32, #tpu.memory_space<vmem>> -> memref<1x80x64xf32, #tpu.memory_space<vmem>>
        %dma_wait3A_134 = tpu.memref_squeeze %dma_wait3A_133 : memref<1x80x64xf32, #tpu.memory_space<vmem>> -> memref<80x64xf32, #tpu.memory_space<vmem>>
        %dma_wait3A_135 = arith.constant 0 : i32
        %dma_wait3A_136 = tpu.memref_slice %arg7[%scan3A_82, %dma_wait3A_135] : memref<125x80xi32, #tpu.memory_space<vmem>> -> memref<1x80xi32, #tpu.memory_space<vmem>>
        %dma_wait3A_137 = tpu.memref_squeeze %dma_wait3A_136 : memref<1x80xi32, #tpu.memory_space<vmem>> -> memref<80xi32, #tpu.memory_space<vmem>>
        %dma_wait3A_138 = arith.constant 0 : i32
        %dma_wait3A_139 = arith.constant 0 : i32
        %dma_wait3A_140 = tpu.memref_slice %arg4[%dma_wait3A_138, %dma_wait3A_139] : memref<10000x64xf32, #tpu.memory_space<hbm>> -> memref<10000x64xf32, #tpu.memory_space<hbm>>
        tpu.wait_indirect_dma semaphore(%arg12 : memref<!tpu.dma_semaphore, #tpu.memory_space<semaphore_mem>>) src(%dma_wait3A_140 : memref<10000x64xf32, #tpu.memory_space<hbm>>) dst(%dma_wait3A_134 : memref<80x64xf32, #tpu.memory_space<vmem>>)
        %run_scoped3A = arith.constant 0 : i32
        "tpu.region"() ({
          %run_scoped3A_141 = tpu.sem_alloc : memref<!tpu.dma_semaphore, #tpu.memory_space<semaphore_mem>>
          %dma_start3A_142 = arith.constant 0 : i32
          %dma_start3A_143 = arith.constant 0 : i32
          %dma_start3A_144 = tpu.memref_slice %arg9[%run_scoped3A, %dma_start3A_142, %dma_start3A_143] : memref<6x80x64xf32, #tpu.memory_space<vmem>> -> memref<1x80x64xf32, #tpu.memory_space<vmem>>
          %dma_start3A_145 = tpu.memref_squeeze %dma_start3A_144 : memref<1x80x64xf32, #tpu.memory_space<vmem>> -> memref<80x64xf32, #tpu.memory_space<vmem>>
          %dma_start3A_146 = arith.constant 0 : i32
          %dma_start3A_147 = tpu.memref_slice %arg8[%scan3A_82, %dma_start3A_146] : memref<125x80xi32, #tpu.memory_space<vmem>> -> memref<1x80xi32, #tpu.memory_space<vmem>>
          %dma_start3A_148 = tpu.memref_squeeze %dma_start3A_147 : memref<1x80xi32, #tpu.memory_space<vmem>> -> memref<80xi32, #tpu.memory_space<vmem>>
          %dma_start3A_149 = arith.constant 0 : i32
          %dma_start3A_150 = arith.constant 0 : i32
          %dma_start3A_151 = tpu.memref_slice %arg11[%dma_start3A_149, %dma_start3A_150] : memref<10000x64xf32, #tpu.memory_space<vmem_shared>> -> memref<10000x64xf32, #tpu.memory_space<vmem_shared>>
          tpu.enqueue_indirect_dma source(%dma_start3A_145 : memref<80x64xf32, #tpu.memory_space<vmem>>) target(%dma_start3A_151 : memref<10000x64xf32, #tpu.memory_space<vmem_shared>>) offsets(%dma_start3A_148 : memref<80xi32, #tpu.memory_space<vmem>>) semaphore(%run_scoped3A_141 : memref<!tpu.dma_semaphore, #tpu.memory_space<semaphore_mem>>) {add = true}
          %dma_wait3A_152 = arith.constant 0 : i32
          %dma_wait3A_153 = arith.constant 0 : i32
          %dma_wait3A_154 = tpu.memref_slice %arg9[%run_scoped3A, %dma_wait3A_152, %dma_wait3A_153] : memref<6x80x64xf32, #tpu.memory_space<vmem>> -> memref<1x80x64xf32, #tpu.memory_space<vmem>>
          %dma_wait3A_155 = tpu.memref_squeeze %dma_wait3A_154 : memref<1x80x64xf32, #tpu.memory_space<vmem>> -> memref<80x64xf32, #tpu.memory_space<vmem>>
          %dma_wait3A_156 = arith.constant 0 : i32
          %dma_wait3A_157 = tpu.memref_slice %arg8[%scan3A_82, %dma_wait3A_156] : memref<125x80xi32, #tpu.memory_space<vmem>> -> memref<1x80xi32, #tpu.memory_space<vmem>>
          %dma_wait3A_158 = tpu.memref_squeeze %dma_wait3A_157 : memref<1x80xi32, #tpu.memory_space<vmem>> -> memref<80xi32, #tpu.memory_space<vmem>>
          %dma_wait3A_159 = arith.constant 0 : i32
          %dma_wait3A_160 = arith.constant 0 : i32
          %dma_wait3A_161 = tpu.memref_slice %arg11[%dma_wait3A_159, %dma_wait3A_160] : memref<10000x64xf32, #tpu.memory_space<vmem_shared>> -> memref<10000x64xf32, #tpu.memory_space<vmem_shared>>
          tpu.wait_indirect_dma semaphore(%run_scoped3A_141 : memref<!tpu.dma_semaphore, #tpu.memory_space<semaphore_mem>>) src(%dma_wait3A_155 : memref<80x64xf32, #tpu.memory_space<vmem>>) dst(%dma_wait3A_161 : memref<10000x64xf32, #tpu.memory_space<vmem_shared>>)
          tpu.yield
        }) : () -> ()
      } else {
      }
      %rem3A_89 = arith.constant 6 : i32
      %rem3A_90 = arith.remsi %scan3A_82, %rem3A_89 : i32
      %eq3A_91 = arith.constant 1 : i32
      %eq3A_92 = arith.cmpi eq, %rem3A_90, %eq3A_91 : i32
      %convert_element_type3A_93 = arith.extui %eq3A_92 : i1 to i32
      %cond3A_94 = arith.constant 0 : i32
      %cond3A_95 = arith.cmpi ne, %convert_element_type3A_93, %cond3A_94 : i32
      scf.if %cond3A_95 {
        %add3A_124 = arith.constant 6 : i32
        %add3A_125 = arith.addi %scan3A_82, %add3A_124 : i32
        %sub3A = arith.constant 1 : i32
        %sub3A_126 = arith.subi %add3A_125, %sub3A : i32
        %lt3A = arith.constant 125 : i32
        %lt3A_127 = arith.cmpi slt, %sub3A_126, %lt3A : i32
        %convert_element_type3A_128 = arith.extui %lt3A_127 : i1 to i32
        %cond3A_129 = arith.constant 0 : i32
        %cond3A_130 = arith.cmpi ne, %convert_element_type3A_128, %cond3A_129 : i32
        scf.if %cond3A_130 {
          %add3A_141 = arith.constant 6 : i32
          %add3A_142 = arith.addi %scan3A_82, %add3A_141 : i32
          %sub3A_143 = arith.constant 1 : i32
          %sub3A_144 = arith.subi %add3A_142, %sub3A_143 : i32
          %dma_start3A_145 = arith.constant 0 : i32
          %dma_start3A_146 = arith.constant 0 : i32
          %dma_start3A_147 = arith.constant 0 : i32
          %dma_start3A_148 = tpu.memref_slice %arg9[%dma_start3A_145, %dma_start3A_146, %dma_start3A_147] : memref<6x80x64xf32, #tpu.memory_space<vmem>> -> memref<1x80x64xf32, #tpu.memory_space<vmem>>
          %dma_start3A_149 = tpu.memref_squeeze %dma_start3A_148 : memref<1x80x64xf32, #tpu.memory_space<vmem>> -> memref<80x64xf32, #tpu.memory_space<vmem>>
          %dma_start3A_150 = arith.constant 0 : i32
          %dma_start3A_151 = tpu.memref_slice %arg7[%sub3A_144, %dma_start3A_150] : memref<125x80xi32, #tpu.memory_space<vmem>> -> memref<1x80xi32, #tpu.memory_space<vmem>>
          %dma_start3A_152 = tpu.memref_squeeze %dma_start3A_151 : memref<1x80xi32, #tpu.memory_space<vmem>> -> memref<80xi32, #tpu.memory_space<vmem>>
          %dma_start3A_153 = arith.constant 0 : i32
          %dma_start3A_154 = arith.constant 0 : i32
          %dma_start3A_155 = tpu.memref_slice %arg4[%dma_start3A_153, %dma_start3A_154] : memref<10000x64xf32, #tpu.memory_space<hbm>> -> memref<10000x64xf32, #tpu.memory_space<hbm>>
          tpu.enqueue_indirect_dma source(%dma_start3A_155 : memref<10000x64xf32, #tpu.memory_space<hbm>>) target(%dma_start3A_149 : memref<80x64xf32, #tpu.memory_space<vmem>>) offsets(%dma_start3A_152 : memref<80xi32, #tpu.memory_space<vmem>>) semaphore(%arg12 : memref<!tpu.dma_semaphore, #tpu.memory_space<semaphore_mem>>)
        } else {
        }
        %dma_wait3A = arith.constant 1 : i32
        %dma_wait3A_131 = arith.constant 0 : i32
        %dma_wait3A_132 = arith.constant 0 : i32
        %dma_wait3A_133 = tpu.memref_slice %arg9[%dma_wait3A, %dma_wait3A_131, %dma_wait3A_132] : memref<6x80x64xf32, #tpu.memory_space<vmem>> -> memref<1x80x64xf32, #tpu.memory_space<vmem>>
        %dma_wait3A_134 = tpu.memref_squeeze %dma_wait3A_133 : memref<1x80x64xf32, #tpu.memory_space<vmem>> -> memref<80x64xf32, #tpu.memory_space<vmem>>
        %dma_wait3A_135 = arith.constant 0 : i32
        %dma_wait3A_136 = tpu.memref_slice %arg7[%scan3A_82, %dma_wait3A_135] : memref<125x80xi32, #tpu.memory_space<vmem>> -> memref<1x80xi32, #tpu.memory_space<vmem>>
        %dma_wait3A_137 = tpu.memref_squeeze %dma_wait3A_136 : memref<1x80xi32, #tpu.memory_space<vmem>> -> memref<80xi32, #tpu.memory_space<vmem>>
        %dma_wait3A_138 = arith.constant 0 : i32
        %dma_wait3A_139 = arith.constant 0 : i32
        %dma_wait3A_140 = tpu.memref_slice %arg4[%dma_wait3A_138, %dma_wait3A_139] : memref<10000x64xf32, #tpu.memory_space<hbm>> -> memref<10000x64xf32, #tpu.memory_space<hbm>>
        tpu.wait_indirect_dma semaphore(%arg13 : memref<!tpu.dma_semaphore, #tpu.memory_space<semaphore_mem>>) src(%dma_wait3A_140 : memref<10000x64xf32, #tpu.memory_space<hbm>>) dst(%dma_wait3A_134 : memref<80x64xf32, #tpu.memory_space<vmem>>)
        %run_scoped3A = arith.constant 1 : i32
        "tpu.region"() ({
          %run_scoped3A_141 = tpu.sem_alloc : memref<!tpu.dma_semaphore, #tpu.memory_space<semaphore_mem>>
          %dma_start3A_142 = arith.constant 0 : i32
          %dma_start3A_143 = arith.constant 0 : i32
          %dma_start3A_144 = tpu.memref_slice %arg9[%run_scoped3A, %dma_start3A_142, %dma_start3A_143] : memref<6x80x64xf32, #tpu.memory_space<vmem>> -> memref<1x80x64xf32, #tpu.memory_space<vmem>>
          %dma_start3A_145 = tpu.memref_squeeze %dma_start3A_144 : memref<1x80x64xf32, #tpu.memory_space<vmem>> -> memref<80x64xf32, #tpu.memory_space<vmem>>
          %dma_start3A_146 = arith.constant 0 : i32
          %dma_start3A_147 = tpu.memref_slice %arg8[%scan3A_82, %dma_start3A_146] : memref<125x80xi32, #tpu.memory_space<vmem>> -> memref<1x80xi32, #tpu.memory_space<vmem>>
          %dma_start3A_148 = tpu.memref_squeeze %dma_start3A_147 : memref<1x80xi32, #tpu.memory_space<vmem>> -> memref<80xi32, #tpu.memory_space<vmem>>
          %dma_start3A_149 = arith.constant 0 : i32
          %dma_start3A_150 = arith.constant 0 : i32
          %dma_start3A_151 = tpu.memref_slice %arg11[%dma_start3A_149, %dma_start3A_150] : memref<10000x64xf32, #tpu.memory_space<vmem_shared>> -> memref<10000x64xf32, #tpu.memory_space<vmem_shared>>
          tpu.enqueue_indirect_dma source(%dma_start3A_145 : memref<80x64xf32, #tpu.memory_space<vmem>>) target(%dma_start3A_151 : memref<10000x64xf32, #tpu.memory_space<vmem_shared>>) offsets(%dma_start3A_148 : memref<80xi32, #tpu.memory_space<vmem>>) semaphore(%run_scoped3A_141 : memref<!tpu.dma_semaphore, #tpu.memory_space<semaphore_mem>>) {add = true}
          %dma_wait3A_152 = arith.constant 0 : i32
          %dma_wait3A_153 = arith.constant 0 : i32
          %dma_wait3A_154 = tpu.memref_slice %arg9[%run_scoped3A, %dma_wait3A_152, %dma_wait3A_153] : memref<6x80x64xf32, #tpu.memory_space<vmem>> -> memref<1x80x64xf32, #tpu.memory_space<vmem>>
          %dma_wait3A_155 = tpu.memref_squeeze %dma_wait3A_154 : memref<1x80x64xf32, #tpu.memory_space<vmem>> -> memref<80x64xf32, #tpu.memory_space<vmem>>
          %dma_wait3A_156 = arith.constant 0 : i32
          %dma_wait3A_157 = tpu.memref_slice %arg8[%scan3A_82, %dma_wait3A_156] : memref<125x80xi32, #tpu.memory_space<vmem>> -> memref<1x80xi32, #tpu.memory_space<vmem>>
          %dma_wait3A_158 = tpu.memref_squeeze %dma_wait3A_157 : memref<1x80xi32, #tpu.memory_space<vmem>> -> memref<80xi32, #tpu.memory_space<vmem>>
          %dma_wait3A_159 = arith.constant 0 : i32
          %dma_wait3A_160 = arith.constant 0 : i32
          %dma_wait3A_161 = tpu.memref_slice %arg11[%dma_wait3A_159, %dma_wait3A_160] : memref<10000x64xf32, #tpu.memory_space<vmem_shared>> -> memref<10000x64xf32, #tpu.memory_space<vmem_shared>>
          tpu.wait_indirect_dma semaphore(%run_scoped3A_141 : memref<!tpu.dma_semaphore, #tpu.memory_space<semaphore_mem>>) src(%dma_wait3A_155 : memref<80x64xf32, #tpu.memory_space<vmem>>) dst(%dma_wait3A_161 : memref<10000x64xf32, #tpu.memory_space<vmem_shared>>)
          tpu.yield
        }) : () -> ()
      } else {
      }
      %rem3A_96 = arith.constant 6 : i32
      %rem3A_97 = arith.remsi %scan3A_82, %rem3A_96 : i32
      %eq3A_98 = arith.constant 2 : i32
      %eq3A_99 = arith.cmpi eq, %rem3A_97, %eq3A_98 : i32
      %convert_element_type3A_100 = arith.extui %eq3A_99 : i1 to i32
      %cond3A_101 = arith.constant 0 : i32
      %cond3A_102 = arith.cmpi ne, %convert_element_type3A_100, %cond3A_101 : i32
      scf.if %cond3A_102 {
        %add3A_124 = arith.constant 6 : i32
        %add3A_125 = arith.addi %scan3A_82, %add3A_124 : i32
        %sub3A = arith.constant 1 : i32
        %sub3A_126 = arith.subi %add3A_125, %sub3A : i32
        %lt3A = arith.constant 125 : i32
        %lt3A_127 = arith.cmpi slt, %sub3A_126, %lt3A : i32
        %convert_element_type3A_128 = arith.extui %lt3A_127 : i1 to i32
        %cond3A_129 = arith.constant 0 : i32
        %cond3A_130 = arith.cmpi ne, %convert_element_type3A_128, %cond3A_129 : i32
        scf.if %cond3A_130 {
          %add3A_141 = arith.constant 6 : i32
          %add3A_142 = arith.addi %scan3A_82, %add3A_141 : i32
          %sub3A_143 = arith.constant 1 : i32
          %sub3A_144 = arith.subi %add3A_142, %sub3A_143 : i32
          %dma_start3A_145 = arith.constant 1 : i32
          %dma_start3A_146 = arith.constant 0 : i32
          %dma_start3A_147 = arith.constant 0 : i32
          %dma_start3A_148 = tpu.memref_slice %arg9[%dma_start3A_145, %dma_start3A_146, %dma_start3A_147] : memref<6x80x64xf32, #tpu.memory_space<vmem>> -> memref<1x80x64xf32, #tpu.memory_space<vmem>>
          %dma_start3A_149 = tpu.memref_squeeze %dma_start3A_148 : memref<1x80x64xf32, #tpu.memory_space<vmem>> -> memref<80x64xf32, #tpu.memory_space<vmem>>
          %dma_start3A_150 = arith.constant 0 : i32
          %dma_start3A_151 = tpu.memref_slice %arg7[%sub3A_144, %dma_start3A_150] : memref<125x80xi32, #tpu.memory_space<vmem>> -> memref<1x80xi32, #tpu.memory_space<vmem>>
          %dma_start3A_152 = tpu.memref_squeeze %dma_start3A_151 : memref<1x80xi32, #tpu.memory_space<vmem>> -> memref<80xi32, #tpu.memory_space<vmem>>
          %dma_start3A_153 = arith.constant 0 : i32
          %dma_start3A_154 = arith.constant 0 : i32
          %dma_start3A_155 = tpu.memref_slice %arg4[%dma_start3A_153, %dma_start3A_154] : memref<10000x64xf32, #tpu.memory_space<hbm>> -> memref<10000x64xf32, #tpu.memory_space<hbm>>
          tpu.enqueue_indirect_dma source(%dma_start3A_155 : memref<10000x64xf32, #tpu.memory_space<hbm>>) target(%dma_start3A_149 : memref<80x64xf32, #tpu.memory_space<vmem>>) offsets(%dma_start3A_152 : memref<80xi32, #tpu.memory_space<vmem>>) semaphore(%arg13 : memref<!tpu.dma_semaphore, #tpu.memory_space<semaphore_mem>>)
        } else {
        }
        %dma_wait3A = arith.constant 2 : i32
        %dma_wait3A_131 = arith.constant 0 : i32
        %dma_wait3A_132 = arith.constant 0 : i32
        %dma_wait3A_133 = tpu.memref_slice %arg9[%dma_wait3A, %dma_wait3A_131, %dma_wait3A_132] : memref<6x80x64xf32, #tpu.memory_space<vmem>> -> memref<1x80x64xf32, #tpu.memory_space<vmem>>
        %dma_wait3A_134 = tpu.memref_squeeze %dma_wait3A_133 : memref<1x80x64xf32, #tpu.memory_space<vmem>> -> memref<80x64xf32, #tpu.memory_space<vmem>>
        %dma_wait3A_135 = arith.constant 0 : i32
        %dma_wait3A_136 = tpu.memref_slice %arg7[%scan3A_82, %dma_wait3A_135] : memref<125x80xi32, #tpu.memory_space<vmem>> -> memref<1x80xi32, #tpu.memory_space<vmem>>
        %dma_wait3A_137 = tpu.memref_squeeze %dma_wait3A_136 : memref<1x80xi32, #tpu.memory_space<vmem>> -> memref<80xi32, #tpu.memory_space<vmem>>
        %dma_wait3A_138 = arith.constant 0 : i32
        %dma_wait3A_139 = arith.constant 0 : i32
        %dma_wait3A_140 = tpu.memref_slice %arg4[%dma_wait3A_138, %dma_wait3A_139] : memref<10000x64xf32, #tpu.memory_space<hbm>> -> memref<10000x64xf32, #tpu.memory_space<hbm>>
        tpu.wait_indirect_dma semaphore(%arg14 : memref<!tpu.dma_semaphore, #tpu.memory_space<semaphore_mem>>) src(%dma_wait3A_140 : memref<10000x64xf32, #tpu.memory_space<hbm>>) dst(%dma_wait3A_134 : memref<80x64xf32, #tpu.memory_space<vmem>>)
        %run_scoped3A = arith.constant 2 : i32
        "tpu.region"() ({
          %run_scoped3A_141 = tpu.sem_alloc : memref<!tpu.dma_semaphore, #tpu.memory_space<semaphore_mem>>
          %dma_start3A_142 = arith.constant 0 : i32
          %dma_start3A_143 = arith.constant 0 : i32
          %dma_start3A_144 = tpu.memref_slice %arg9[%run_scoped3A, %dma_start3A_142, %dma_start3A_143] : memref<6x80x64xf32, #tpu.memory_space<vmem>> -> memref<1x80x64xf32, #tpu.memory_space<vmem>>
          %dma_start3A_145 = tpu.memref_squeeze %dma_start3A_144 : memref<1x80x64xf32, #tpu.memory_space<vmem>> -> memref<80x64xf32, #tpu.memory_space<vmem>>
          %dma_start3A_146 = arith.constant 0 : i32
          %dma_start3A_147 = tpu.memref_slice %arg8[%scan3A_82, %dma_start3A_146] : memref<125x80xi32, #tpu.memory_space<vmem>> -> memref<1x80xi32, #tpu.memory_space<vmem>>
          %dma_start3A_148 = tpu.memref_squeeze %dma_start3A_147 : memref<1x80xi32, #tpu.memory_space<vmem>> -> memref<80xi32, #tpu.memory_space<vmem>>
          %dma_start3A_149 = arith.constant 0 : i32
          %dma_start3A_150 = arith.constant 0 : i32
          %dma_start3A_151 = tpu.memref_slice %arg11[%dma_start3A_149, %dma_start3A_150] : memref<10000x64xf32, #tpu.memory_space<vmem_shared>> -> memref<10000x64xf32, #tpu.memory_space<vmem_shared>>
          tpu.enqueue_indirect_dma source(%dma_start3A_145 : memref<80x64xf32, #tpu.memory_space<vmem>>) target(%dma_start3A_151 : memref<10000x64xf32, #tpu.memory_space<vmem_shared>>) offsets(%dma_start3A_148 : memref<80xi32, #tpu.memory_space<vmem>>) semaphore(%run_scoped3A_141 : memref<!tpu.dma_semaphore, #tpu.memory_space<semaphore_mem>>) {add = true}
          %dma_wait3A_152 = arith.constant 0 : i32
          %dma_wait3A_153 = arith.constant 0 : i32
          %dma_wait3A_154 = tpu.memref_slice %arg9[%run_scoped3A, %dma_wait3A_152, %dma_wait3A_153] : memref<6x80x64xf32, #tpu.memory_space<vmem>> -> memref<1x80x64xf32, #tpu.memory_space<vmem>>
          %dma_wait3A_155 = tpu.memref_squeeze %dma_wait3A_154 : memref<1x80x64xf32, #tpu.memory_space<vmem>> -> memref<80x64xf32, #tpu.memory_space<vmem>>
          %dma_wait3A_156 = arith.constant 0 : i32
          %dma_wait3A_157 = tpu.memref_slice %arg8[%scan3A_82, %dma_wait3A_156] : memref<125x80xi32, #tpu.memory_space<vmem>> -> memref<1x80xi32, #tpu.memory_space<vmem>>
          %dma_wait3A_158 = tpu.memref_squeeze %dma_wait3A_157 : memref<1x80xi32, #tpu.memory_space<vmem>> -> memref<80xi32, #tpu.memory_space<vmem>>
          %dma_wait3A_159 = arith.constant 0 : i32
          %dma_wait3A_160 = arith.constant 0 : i32
          %dma_wait3A_161 = tpu.memref_slice %arg11[%dma_wait3A_159, %dma_wait3A_160] : memref<10000x64xf32, #tpu.memory_space<vmem_shared>> -> memref<10000x64xf32, #tpu.memory_space<vmem_shared>>
          tpu.wait_indirect_dma semaphore(%run_scoped3A_141 : memref<!tpu.dma_semaphore, #tpu.memory_space<semaphore_mem>>) src(%dma_wait3A_155 : memref<80x64xf32, #tpu.memory_space<vmem>>) dst(%dma_wait3A_161 : memref<10000x64xf32, #tpu.memory_space<vmem_shared>>)
          tpu.yield
        }) : () -> ()
      } else {
      }
      %rem3A_103 = arith.constant 6 : i32
      %rem3A_104 = arith.remsi %scan3A_82, %rem3A_103 : i32
      %eq3A_105 = arith.constant 3 : i32
      %eq3A_106 = arith.cmpi eq, %rem3A_104, %eq3A_105 : i32
      %convert_element_type3A_107 = arith.extui %eq3A_106 : i1 to i32
      %cond3A_108 = arith.constant 0 : i32
      %cond3A_109 = arith.cmpi ne, %convert_element_type3A_107, %cond3A_108 : i32
      scf.if %cond3A_109 {
        %add3A_124 = arith.constant 6 : i32
        %add3A_125 = arith.addi %scan3A_82, %add3A_124 : i32
        %sub3A = arith.constant 1 : i32
        %sub3A_126 = arith.subi %add3A_125, %sub3A : i32
        %lt3A = arith.constant 125 : i32
        %lt3A_127 = arith.cmpi slt, %sub3A_126, %lt3A : i32
        %convert_element_type3A_128 = arith.extui %lt3A_127 : i1 to i32
        %cond3A_129 = arith.constant 0 : i32
        %cond3A_130 = arith.cmpi ne, %convert_element_type3A_128, %cond3A_129 : i32
        scf.if %cond3A_130 {
          %add3A_141 = arith.constant 6 : i32
          %add3A_142 = arith.addi %scan3A_82, %add3A_141 : i32
          %sub3A_143 = arith.constant 1 : i32
          %sub3A_144 = arith.subi %add3A_142, %sub3A_143 : i32
          %dma_start3A_145 = arith.constant 2 : i32
          %dma_start3A_146 = arith.constant 0 : i32
          %dma_start3A_147 = arith.constant 0 : i32
          %dma_start3A_148 = tpu.memref_slice %arg9[%dma_start3A_145, %dma_start3A_146, %dma_start3A_147] : memref<6x80x64xf32, #tpu.memory_space<vmem>> -> memref<1x80x64xf32, #tpu.memory_space<vmem>>
          %dma_start3A_149 = tpu.memref_squeeze %dma_start3A_148 : memref<1x80x64xf32, #tpu.memory_space<vmem>> -> memref<80x64xf32, #tpu.memory_space<vmem>>
          %dma_start3A_150 = arith.constant 0 : i32
          %dma_start3A_151 = tpu.memref_slice %arg7[%sub3A_144, %dma_start3A_150] : memref<125x80xi32, #tpu.memory_space<vmem>> -> memref<1x80xi32, #tpu.memory_space<vmem>>
          %dma_start3A_152 = tpu.memref_squeeze %dma_start3A_151 : memref<1x80xi32, #tpu.memory_space<vmem>> -> memref<80xi32, #tpu.memory_space<vmem>>
          %dma_start3A_153 = arith.constant 0 : i32
          %dma_start3A_154 = arith.constant 0 : i32
          %dma_start3A_155 = tpu.memref_slice %arg4[%dma_start3A_153, %dma_start3A_154] : memref<10000x64xf32, #tpu.memory_space<hbm>> -> memref<10000x64xf32, #tpu.memory_space<hbm>>
          tpu.enqueue_indirect_dma source(%dma_start3A_155 : memref<10000x64xf32, #tpu.memory_space<hbm>>) target(%dma_start3A_149 : memref<80x64xf32, #tpu.memory_space<vmem>>) offsets(%dma_start3A_152 : memref<80xi32, #tpu.memory_space<vmem>>) semaphore(%arg14 : memref<!tpu.dma_semaphore, #tpu.memory_space<semaphore_mem>>)
        } else {
        }
        %dma_wait3A = arith.constant 3 : i32
        %dma_wait3A_131 = arith.constant 0 : i32
        %dma_wait3A_132 = arith.constant 0 : i32
        %dma_wait3A_133 = tpu.memref_slice %arg9[%dma_wait3A, %dma_wait3A_131, %dma_wait3A_132] : memref<6x80x64xf32, #tpu.memory_space<vmem>> -> memref<1x80x64xf32, #tpu.memory_space<vmem>>
        %dma_wait3A_134 = tpu.memref_squeeze %dma_wait3A_133 : memref<1x80x64xf32, #tpu.memory_space<vmem>> -> memref<80x64xf32, #tpu.memory_space<vmem>>
        %dma_wait3A_135 = arith.constant 0 : i32
        %dma_wait3A_136 = tpu.memref_slice %arg7[%scan3A_82, %dma_wait3A_135] : memref<125x80xi32, #tpu.memory_space<vmem>> -> memref<1x80xi32, #tpu.memory_space<vmem>>
        %dma_wait3A_137 = tpu.memref_squeeze %dma_wait3A_136 : memref<1x80xi32, #tpu.memory_space<vmem>> -> memref<80xi32, #tpu.memory_space<vmem>>
        %dma_wait3A_138 = arith.constant 0 : i32
        %dma_wait3A_139 = arith.constant 0 : i32
        %dma_wait3A_140 = tpu.memref_slice %arg4[%dma_wait3A_138, %dma_wait3A_139] : memref<10000x64xf32, #tpu.memory_space<hbm>> -> memref<10000x64xf32, #tpu.memory_space<hbm>>
        tpu.wait_indirect_dma semaphore(%arg15 : memref<!tpu.dma_semaphore, #tpu.memory_space<semaphore_mem>>) src(%dma_wait3A_140 : memref<10000x64xf32, #tpu.memory_space<hbm>>) dst(%dma_wait3A_134 : memref<80x64xf32, #tpu.memory_space<vmem>>)
        %run_scoped3A = arith.constant 3 : i32
        "tpu.region"() ({
          %run_scoped3A_141 = tpu.sem_alloc : memref<!tpu.dma_semaphore, #tpu.memory_space<semaphore_mem>>
          %dma_start3A_142 = arith.constant 0 : i32
          %dma_start3A_143 = arith.constant 0 : i32
          %dma_start3A_144 = tpu.memref_slice %arg9[%run_scoped3A, %dma_start3A_142, %dma_start3A_143] : memref<6x80x64xf32, #tpu.memory_space<vmem>> -> memref<1x80x64xf32, #tpu.memory_space<vmem>>
          %dma_start3A_145 = tpu.memref_squeeze %dma_start3A_144 : memref<1x80x64xf32, #tpu.memory_space<vmem>> -> memref<80x64xf32, #tpu.memory_space<vmem>>
          %dma_start3A_146 = arith.constant 0 : i32
          %dma_start3A_147 = tpu.memref_slice %arg8[%scan3A_82, %dma_start3A_146] : memref<125x80xi32, #tpu.memory_space<vmem>> -> memref<1x80xi32, #tpu.memory_space<vmem>>
          %dma_start3A_148 = tpu.memref_squeeze %dma_start3A_147 : memref<1x80xi32, #tpu.memory_space<vmem>> -> memref<80xi32, #tpu.memory_space<vmem>>
          %dma_start3A_149 = arith.constant 0 : i32
          %dma_start3A_150 = arith.constant 0 : i32
          %dma_start3A_151 = tpu.memref_slice %arg11[%dma_start3A_149, %dma_start3A_150] : memref<10000x64xf32, #tpu.memory_space<vmem_shared>> -> memref<10000x64xf32, #tpu.memory_space<vmem_shared>>
          tpu.enqueue_indirect_dma source(%dma_start3A_145 : memref<80x64xf32, #tpu.memory_space<vmem>>) target(%dma_start3A_151 : memref<10000x64xf32, #tpu.memory_space<vmem_shared>>) offsets(%dma_start3A_148 : memref<80xi32, #tpu.memory_space<vmem>>) semaphore(%run_scoped3A_141 : memref<!tpu.dma_semaphore, #tpu.memory_space<semaphore_mem>>) {add = true}
          %dma_wait3A_152 = arith.constant 0 : i32
          %dma_wait3A_153 = arith.constant 0 : i32
          %dma_wait3A_154 = tpu.memref_slice %arg9[%run_scoped3A, %dma_wait3A_152, %dma_wait3A_153] : memref<6x80x64xf32, #tpu.memory_space<vmem>> -> memref<1x80x64xf32, #tpu.memory_space<vmem>>
          %dma_wait3A_155 = tpu.memref_squeeze %dma_wait3A_154 : memref<1x80x64xf32, #tpu.memory_space<vmem>> -> memref<80x64xf32, #tpu.memory_space<vmem>>
          %dma_wait3A_156 = arith.constant 0 : i32
          %dma_wait3A_157 = tpu.memref_slice %arg8[%scan3A_82, %dma_wait3A_156] : memref<125x80xi32, #tpu.memory_space<vmem>> -> memref<1x80xi32, #tpu.memory_space<vmem>>
          %dma_wait3A_158 = tpu.memref_squeeze %dma_wait3A_157 : memref<1x80xi32, #tpu.memory_space<vmem>> -> memref<80xi32, #tpu.memory_space<vmem>>
          %dma_wait3A_159 = arith.constant 0 : i32
          %dma_wait3A_160 = arith.constant 0 : i32
          %dma_wait3A_161 = tpu.memref_slice %arg11[%dma_wait3A_159, %dma_wait3A_160] : memref<10000x64xf32, #tpu.memory_space<vmem_shared>> -> memref<10000x64xf32, #tpu.memory_space<vmem_shared>>
          tpu.wait_indirect_dma semaphore(%run_scoped3A_141 : memref<!tpu.dma_semaphore, #tpu.memory_space<semaphore_mem>>) src(%dma_wait3A_155 : memref<80x64xf32, #tpu.memory_space<vmem>>) dst(%dma_wait3A_161 : memref<10000x64xf32, #tpu.memory_space<vmem_shared>>)
          tpu.yield
        }) : () -> ()
      } else {
      }
      %rem3A_110 = arith.constant 6 : i32
      %rem3A_111 = arith.remsi %scan3A_82, %rem3A_110 : i32
      %eq3A_112 = arith.constant 4 : i32
      %eq3A_113 = arith.cmpi eq, %rem3A_111, %eq3A_112 : i32
      %convert_element_type3A_114 = arith.extui %eq3A_113 : i1 to i32
      %cond3A_115 = arith.constant 0 : i32
      %cond3A_116 = arith.cmpi ne, %convert_element_type3A_114, %cond3A_115 : i32
      scf.if %cond3A_116 {
        %add3A_124 = arith.constant 6 : i32
        %add3A_125 = arith.addi %scan3A_82, %add3A_124 : i32
        %sub3A = arith.constant 1 : i32
        %sub3A_126 = arith.subi %add3A_125, %sub3A : i32
        %lt3A = arith.constant 125 : i32
        %lt3A_127 = arith.cmpi slt, %sub3A_126, %lt3A : i32
        %convert_element_type3A_128 = arith.extui %lt3A_127 : i1 to i32
        %cond3A_129 = arith.constant 0 : i32
        %cond3A_130 = arith.cmpi ne, %convert_element_type3A_128, %cond3A_129 : i32
        scf.if %cond3A_130 {
          %add3A_141 = arith.constant 6 : i32
          %add3A_142 = arith.addi %scan3A_82, %add3A_141 : i32
          %sub3A_143 = arith.constant 1 : i32
          %sub3A_144 = arith.subi %add3A_142, %sub3A_143 : i32
          %dma_start3A_145 = arith.constant 3 : i32
          %dma_start3A_146 = arith.constant 0 : i32
          %dma_start3A_147 = arith.constant 0 : i32
          %dma_start3A_148 = tpu.memref_slice %arg9[%dma_start3A_145, %dma_start3A_146, %dma_start3A_147] : memref<6x80x64xf32, #tpu.memory_space<vmem>> -> memref<1x80x64xf32, #tpu.memory_space<vmem>>
          %dma_start3A_149 = tpu.memref_squeeze %dma_start3A_148 : memref<1x80x64xf32, #tpu.memory_space<vmem>> -> memref<80x64xf32, #tpu.memory_space<vmem>>
          %dma_start3A_150 = arith.constant 0 : i32
          %dma_start3A_151 = tpu.memref_slice %arg7[%sub3A_144, %dma_start3A_150] : memref<125x80xi32, #tpu.memory_space<vmem>> -> memref<1x80xi32, #tpu.memory_space<vmem>>
          %dma_start3A_152 = tpu.memref_squeeze %dma_start3A_151 : memref<1x80xi32, #tpu.memory_space<vmem>> -> memref<80xi32, #tpu.memory_space<vmem>>
          %dma_start3A_153 = arith.constant 0 : i32
          %dma_start3A_154 = arith.constant 0 : i32
          %dma_start3A_155 = tpu.memref_slice %arg4[%dma_start3A_153, %dma_start3A_154] : memref<10000x64xf32, #tpu.memory_space<hbm>> -> memref<10000x64xf32, #tpu.memory_space<hbm>>
          tpu.enqueue_indirect_dma source(%dma_start3A_155 : memref<10000x64xf32, #tpu.memory_space<hbm>>) target(%dma_start3A_149 : memref<80x64xf32, #tpu.memory_space<vmem>>) offsets(%dma_start3A_152 : memref<80xi32, #tpu.memory_space<vmem>>) semaphore(%arg15 : memref<!tpu.dma_semaphore, #tpu.memory_space<semaphore_mem>>)
        } else {
        }
        %dma_wait3A = arith.constant 4 : i32
        %dma_wait3A_131 = arith.constant 0 : i32
        %dma_wait3A_132 = arith.constant 0 : i32
        %dma_wait3A_133 = tpu.memref_slice %arg9[%dma_wait3A, %dma_wait3A_131, %dma_wait3A_132] : memref<6x80x64xf32, #tpu.memory_space<vmem>> -> memref<1x80x64xf32, #tpu.memory_space<vmem>>
        %dma_wait3A_134 = tpu.memref_squeeze %dma_wait3A_133 : memref<1x80x64xf32, #tpu.memory_space<vmem>> -> memref<80x64xf32, #tpu.memory_space<vmem>>
        %dma_wait3A_135 = arith.constant 0 : i32
        %dma_wait3A_136 = tpu.memref_slice %arg7[%scan3A_82, %dma_wait3A_135] : memref<125x80xi32, #tpu.memory_space<vmem>> -> memref<1x80xi32, #tpu.memory_space<vmem>>
        %dma_wait3A_137 = tpu.memref_squeeze %dma_wait3A_136 : memref<1x80xi32, #tpu.memory_space<vmem>> -> memref<80xi32, #tpu.memory_space<vmem>>
        %dma_wait3A_138 = arith.constant 0 : i32
        %dma_wait3A_139 = arith.constant 0 : i32
        %dma_wait3A_140 = tpu.memref_slice %arg4[%dma_wait3A_138, %dma_wait3A_139] : memref<10000x64xf32, #tpu.memory_space<hbm>> -> memref<10000x64xf32, #tpu.memory_space<hbm>>
        tpu.wait_indirect_dma semaphore(%arg16 : memref<!tpu.dma_semaphore, #tpu.memory_space<semaphore_mem>>) src(%dma_wait3A_140 : memref<10000x64xf32, #tpu.memory_space<hbm>>) dst(%dma_wait3A_134 : memref<80x64xf32, #tpu.memory_space<vmem>>)
        %run_scoped3A = arith.constant 4 : i32
        "tpu.region"() ({
          %run_scoped3A_141 = tpu.sem_alloc : memref<!tpu.dma_semaphore, #tpu.memory_space<semaphore_mem>>
          %dma_start3A_142 = arith.constant 0 : i32
          %dma_start3A_143 = arith.constant 0 : i32
          %dma_start3A_144 = tpu.memref_slice %arg9[%run_scoped3A, %dma_start3A_142, %dma_start3A_143] : memref<6x80x64xf32, #tpu.memory_space<vmem>> -> memref<1x80x64xf32, #tpu.memory_space<vmem>>
          %dma_start3A_145 = tpu.memref_squeeze %dma_start3A_144 : memref<1x80x64xf32, #tpu.memory_space<vmem>> -> memref<80x64xf32, #tpu.memory_space<vmem>>
          %dma_start3A_146 = arith.constant 0 : i32
          %dma_start3A_147 = tpu.memref_slice %arg8[%scan3A_82, %dma_start3A_146] : memref<125x80xi32, #tpu.memory_space<vmem>> -> memref<1x80xi32, #tpu.memory_space<vmem>>
          %dma_start3A_148 = tpu.memref_squeeze %dma_start3A_147 : memref<1x80xi32, #tpu.memory_space<vmem>> -> memref<80xi32, #tpu.memory_space<vmem>>
          %dma_start3A_149 = arith.constant 0 : i32
          %dma_start3A_150 = arith.constant 0 : i32
          %dma_start3A_151 = tpu.memref_slice %arg11[%dma_start3A_149, %dma_start3A_150] : memref<10000x64xf32, #tpu.memory_space<vmem_shared>> -> memref<10000x64xf32, #tpu.memory_space<vmem_shared>>
          tpu.enqueue_indirect_dma source(%dma_start3A_145 : memref<80x64xf32, #tpu.memory_space<vmem>>) target(%dma_start3A_151 : memref<10000x64xf32, #tpu.memory_space<vmem_shared>>) offsets(%dma_start3A_148 : memref<80xi32, #tpu.memory_space<vmem>>) semaphore(%run_scoped3A_141 : memref<!tpu.dma_semaphore, #tpu.memory_space<semaphore_mem>>) {add = true}
          %dma_wait3A_152 = arith.constant 0 : i32
          %dma_wait3A_153 = arith.constant 0 : i32
          %dma_wait3A_154 = tpu.memref_slice %arg9[%run_scoped3A, %dma_wait3A_152, %dma_wait3A_153] : memref<6x80x64xf32, #tpu.memory_space<vmem>> -> memref<1x80x64xf32, #tpu.memory_space<vmem>>
          %dma_wait3A_155 = tpu.memref_squeeze %dma_wait3A_154 : memref<1x80x64xf32, #tpu.memory_space<vmem>> -> memref<80x64xf32, #tpu.memory_space<vmem>>
          %dma_wait3A_156 = arith.constant 0 : i32
          %dma_wait3A_157 = tpu.memref_slice %arg8[%scan3A_82, %dma_wait3A_156] : memref<125x80xi32, #tpu.memory_space<vmem>> -> memref<1x80xi32, #tpu.memory_space<vmem>>
          %dma_wait3A_158 = tpu.memref_squeeze %dma_wait3A_157 : memref<1x80xi32, #tpu.memory_space<vmem>> -> memref<80xi32, #tpu.memory_space<vmem>>
          %dma_wait3A_159 = arith.constant 0 : i32
          %dma_wait3A_160 = arith.constant 0 : i32
          %dma_wait3A_161 = tpu.memref_slice %arg11[%dma_wait3A_159, %dma_wait3A_160] : memref<10000x64xf32, #tpu.memory_space<vmem_shared>> -> memref<10000x64xf32, #tpu.memory_space<vmem_shared>>
          tpu.wait_indirect_dma semaphore(%run_scoped3A_141 : memref<!tpu.dma_semaphore, #tpu.memory_space<semaphore_mem>>) src(%dma_wait3A_155 : memref<80x64xf32, #tpu.memory_space<vmem>>) dst(%dma_wait3A_161 : memref<10000x64xf32, #tpu.memory_space<vmem_shared>>)
          tpu.yield
        }) : () -> ()
      } else {
      }
      %rem3A_117 = arith.constant 6 : i32
      %rem3A_118 = arith.remsi %scan3A_82, %rem3A_117 : i32
      %eq3A_119 = arith.constant 5 : i32
      %eq3A_120 = arith.cmpi eq, %rem3A_118, %eq3A_119 : i32
      %convert_element_type3A_121 = arith.extui %eq3A_120 : i1 to i32
      %cond3A_122 = arith.constant 0 : i32
      %cond3A_123 = arith.cmpi ne, %convert_element_type3A_121, %cond3A_122 : i32
      scf.if %cond3A_123 {
        %add3A_124 = arith.constant 6 : i32
        %add3A_125 = arith.addi %scan3A_82, %add3A_124 : i32
        %sub3A = arith.constant 1 : i32
        %sub3A_126 = arith.subi %add3A_125, %sub3A : i32
        %lt3A = arith.constant 125 : i32
        %lt3A_127 = arith.cmpi slt, %sub3A_126, %lt3A : i32
        %convert_element_type3A_128 = arith.extui %lt3A_127 : i1 to i32
        %cond3A_129 = arith.constant 0 : i32
        %cond3A_130 = arith.cmpi ne, %convert_element_type3A_128, %cond3A_129 : i32
        scf.if %cond3A_130 {
          %add3A_141 = arith.constant 6 : i32
          %add3A_142 = arith.addi %scan3A_82, %add3A_141 : i32
          %sub3A_143 = arith.constant 1 : i32
          %sub3A_144 = arith.subi %add3A_142, %sub3A_143 : i32
          %dma_start3A_145 = arith.constant 4 : i32
          %dma_start3A_146 = arith.constant 0 : i32
          %dma_start3A_147 = arith.constant 0 : i32
          %dma_start3A_148 = tpu.memref_slice %arg9[%dma_start3A_145, %dma_start3A_146, %dma_start3A_147] : memref<6x80x64xf32, #tpu.memory_space<vmem>> -> memref<1x80x64xf32, #tpu.memory_space<vmem>>
          %dma_start3A_149 = tpu.memref_squeeze %dma_start3A_148 : memref<1x80x64xf32, #tpu.memory_space<vmem>> -> memref<80x64xf32, #tpu.memory_space<vmem>>
          %dma_start3A_150 = arith.constant 0 : i32
          %dma_start3A_151 = tpu.memref_slice %arg7[%sub3A_144, %dma_start3A_150] : memref<125x80xi32, #tpu.memory_space<vmem>> -> memref<1x80xi32, #tpu.memory_space<vmem>>
          %dma_start3A_152 = tpu.memref_squeeze %dma_start3A_151 : memref<1x80xi32, #tpu.memory_space<vmem>> -> memref<80xi32, #tpu.memory_space<vmem>>
          %dma_start3A_153 = arith.constant 0 : i32
          %dma_start3A_154 = arith.constant 0 : i32
          %dma_start3A_155 = tpu.memref_slice %arg4[%dma_start3A_153, %dma_start3A_154] : memref<10000x64xf32, #tpu.memory_space<hbm>> -> memref<10000x64xf32, #tpu.memory_space<hbm>>
          tpu.enqueue_indirect_dma source(%dma_start3A_155 : memref<10000x64xf32, #tpu.memory_space<hbm>>) target(%dma_start3A_149 : memref<80x64xf32, #tpu.memory_space<vmem>>) offsets(%dma_start3A_152 : memref<80xi32, #tpu.memory_space<vmem>>) semaphore(%arg16 : memref<!tpu.dma_semaphore, #tpu.memory_space<semaphore_mem>>)
        } else {
        }
        %dma_wait3A = arith.constant 5 : i32
        %dma_wait3A_131 = arith.constant 0 : i32
        %dma_wait3A_132 = arith.constant 0 : i32
        %dma_wait3A_133 = tpu.memref_slice %arg9[%dma_wait3A, %dma_wait3A_131, %dma_wait3A_132] : memref<6x80x64xf32, #tpu.memory_space<vmem>> -> memref<1x80x64xf32, #tpu.memory_space<vmem>>
        %dma_wait3A_134 = tpu.memref_squeeze %dma_wait3A_133 : memref<1x80x64xf32, #tpu.memory_space<vmem>> -> memref<80x64xf32, #tpu.memory_space<vmem>>
        %dma_wait3A_135 = arith.constant 0 : i32
        %dma_wait3A_136 = tpu.memref_slice %arg7[%scan3A_82, %dma_wait3A_135] : memref<125x80xi32, #tpu.memory_space<vmem>> -> memref<1x80xi32, #tpu.memory_space<vmem>>
        %dma_wait3A_137 = tpu.memref_squeeze %dma_wait3A_136 : memref<1x80xi32, #tpu.memory_space<vmem>> -> memref<80xi32, #tpu.memory_space<vmem>>
        %dma_wait3A_138 = arith.constant 0 : i32
        %dma_wait3A_139 = arith.constant 0 : i32
        %dma_wait3A_140 = tpu.memref_slice %arg4[%dma_wait3A_138, %dma_wait3A_139] : memref<10000x64xf32, #tpu.memory_space<hbm>> -> memref<10000x64xf32, #tpu.memory_space<hbm>>
        tpu.wait_indirect_dma semaphore(%arg17 : memref<!tpu.dma_semaphore, #tpu.memory_space<semaphore_mem>>) src(%dma_wait3A_140 : memref<10000x64xf32, #tpu.memory_space<hbm>>) dst(%dma_wait3A_134 : memref<80x64xf32, #tpu.memory_space<vmem>>)
        %run_scoped3A = arith.constant 5 : i32
        "tpu.region"() ({
          %run_scoped3A_141 = tpu.sem_alloc : memref<!tpu.dma_semaphore, #tpu.memory_space<semaphore_mem>>
          %dma_start3A_142 = arith.constant 0 : i32
          %dma_start3A_143 = arith.constant 0 : i32
          %dma_start3A_144 = tpu.memref_slice %arg9[%run_scoped3A, %dma_start3A_142, %dma_start3A_143] : memref<6x80x64xf32, #tpu.memory_space<vmem>> -> memref<1x80x64xf32, #tpu.memory_space<vmem>>
          %dma_start3A_145 = tpu.memref_squeeze %dma_start3A_144 : memref<1x80x64xf32, #tpu.memory_space<vmem>> -> memref<80x64xf32, #tpu.memory_space<vmem>>
          %dma_start3A_146 = arith.constant 0 : i32
          %dma_start3A_147 = tpu.memref_slice %arg8[%scan3A_82, %dma_start3A_146] : memref<125x80xi32, #tpu.memory_space<vmem>> -> memref<1x80xi32, #tpu.memory_space<vmem>>
          %dma_start3A_148 = tpu.memref_squeeze %dma_start3A_147 : memref<1x80xi32, #tpu.memory_space<vmem>> -> memref<80xi32, #tpu.memory_space<vmem>>
          %dma_start3A_149 = arith.constant 0 : i32
          %dma_start3A_150 = arith.constant 0 : i32
          %dma_start3A_151 = tpu.memref_slice %arg11[%dma_start3A_149, %dma_start3A_150] : memref<10000x64xf32, #tpu.memory_space<vmem_shared>> -> memref<10000x64xf32, #tpu.memory_space<vmem_shared>>
          tpu.enqueue_indirect_dma source(%dma_start3A_145 : memref<80x64xf32, #tpu.memory_space<vmem>>) target(%dma_start3A_151 : memref<10000x64xf32, #tpu.memory_space<vmem_shared>>) offsets(%dma_start3A_148 : memref<80xi32, #tpu.memory_space<vmem>>) semaphore(%run_scoped3A_141 : memref<!tpu.dma_semaphore, #tpu.memory_space<semaphore_mem>>) {add = true}
          %dma_wait3A_152 = arith.constant 0 : i32
          %dma_wait3A_153 = arith.constant 0 : i32
          %dma_wait3A_154 = tpu.memref_slice %arg9[%run_scoped3A, %dma_wait3A_152, %dma_wait3A_153] : memref<6x80x64xf32, #tpu.memory_space<vmem>> -> memref<1x80x64xf32, #tpu.memory_space<vmem>>
          %dma_wait3A_155 = tpu.memref_squeeze %dma_wait3A_154 : memref<1x80x64xf32, #tpu.memory_space<vmem>> -> memref<80x64xf32, #tpu.memory_space<vmem>>
          %dma_wait3A_156 = arith.constant 0 : i32
          %dma_wait3A_157 = tpu.memref_slice %arg8[%scan3A_82, %dma_wait3A_156] : memref<125x80xi32, #tpu.memory_space<vmem>> -> memref<1x80xi32, #tpu.memory_space<vmem>>
          %dma_wait3A_158 = tpu.memref_squeeze %dma_wait3A_157 : memref<1x80xi32, #tpu.memory_space<vmem>> -> memref<80xi32, #tpu.memory_space<vmem>>
          %dma_wait3A_159 = arith.constant 0 : i32
          %dma_wait3A_160 = arith.constant 0 : i32
          %dma_wait3A_161 = tpu.memref_slice %arg11[%dma_wait3A_159, %dma_wait3A_160] : memref<10000x64xf32, #tpu.memory_space<vmem_shared>> -> memref<10000x64xf32, #tpu.memory_space<vmem_shared>>
          tpu.wait_indirect_dma semaphore(%run_scoped3A_141 : memref<!tpu.dma_semaphore, #tpu.memory_space<semaphore_mem>>) src(%dma_wait3A_155 : memref<80x64xf32, #tpu.memory_space<vmem>>) dst(%dma_wait3A_161 : memref<10000x64xf32, #tpu.memory_space<vmem_shared>>)
          tpu.yield
        }) : () -> ()
      } else {
      }
    }
    %scan3A_72 = arith.constant 125 : i32
    %barrier3A_73 = arith.constant 0 : index
    tpu.barrier barrier_id(%barrier3A_73)
    %add3A_74 = arith.constant 0 : i32
    %add3A_75 = arith.addi %mul3A_2, %add3A_74 : i32
    "tpu.region"() ({
      %run_scoped3A = tpu.sem_alloc : memref<!tpu.dma_semaphore, #tpu.memory_space<semaphore_mem>>
      %dma_start3A_82 = arith.constant 0 : i32
      %dma_start3A_83 = tpu.memref_slice %arg11[%add3A_75, %dma_start3A_82] : memref<10000x64xf32, #tpu.memory_space<vmem_shared>> -> memref<320x64xf32, #tpu.memory_space<vmem_shared>>
      %dma_start3A_84 = arith.constant 0 : i32
      %dma_start3A_85 = tpu.memref_slice %arg11[%add3A_75, %dma_start3A_84] : memref<10000x64xf32, #tpu.memory_space<vmem_shared>> -> memref<320x64xf32, #tpu.memory_space<vmem_shared>>
      tpu.enqueue_dma source(%dma_start3A_85 : memref<320x64xf32, #tpu.memory_space<vmem_shared>>) target(%arg10 : memref<320x64xf32, #tpu.memory_space<vmem>>) target_semaphore(%run_scoped3A : memref<!tpu.dma_semaphore, #tpu.memory_space<semaphore_mem>>)
      %dma_wait3A = arith.constant 0 : i32
      %dma_wait3A_86 = tpu.memref_slice %arg11[%add3A_75, %dma_wait3A] : memref<10000x64xf32, #tpu.memory_space<vmem_shared>> -> memref<320x64xf32, #tpu.memory_space<vmem_shared>>
      %dma_wait3A_87 = arith.constant 0 : i32
      %dma_wait3A_88 = tpu.memref_slice %arg11[%add3A_75, %dma_wait3A_87] : memref<10000x64xf32, #tpu.memory_space<vmem_shared>> -> memref<320x64xf32, #tpu.memory_space<vmem_shared>>
      tpu.wait_dma2 semaphore(%run_scoped3A : memref<!tpu.dma_semaphore, #tpu.memory_space<semaphore_mem>>) src(%dma_wait3A_88 : memref<320x64xf32, #tpu.memory_space<vmem_shared>>) dst(%arg10 : memref<320x64xf32, #tpu.memory_space<vmem>>)
      tpu.yield
    }) : () -> ()
    %add3A_76 = arith.constant 0 : i32
    %add3A_77 = arith.addi %mul3A_2, %add3A_76 : i32
    "tpu.region"() ({
      %run_scoped3A = tpu.sem_alloc : memref<!tpu.dma_semaphore, #tpu.memory_space<semaphore_mem>>
      %dma_start3A_82 = arith.constant 0 : i32
      %dma_start3A_83 = tpu.memref_slice %arg6[%arg0, %add3A_77, %dma_start3A_82] : memref<2x10000x128xf32, #tpu.memory_space<hbm>> -> memref<1x320x64xf32, #tpu.memory_space<hbm>>
      %dma_start3A_84 = tpu.memref_squeeze %dma_start3A_83 : memref<1x320x64xf32, #tpu.memory_space<hbm>> -> memref<320x64xf32, #tpu.memory_space<hbm>>
      %dma_start3A_85 = arith.constant 0 : i32
      %dma_start3A_86 = tpu.memref_slice %arg6[%arg0, %add3A_77, %dma_start3A_85] : memref<2x10000x128xf32, #tpu.memory_space<hbm>> -> memref<1x320x64xf32, #tpu.memory_space<hbm>>
      %dma_start3A_87 = tpu.memref_squeeze %dma_start3A_86 : memref<1x320x64xf32, #tpu.memory_space<hbm>> -> memref<320x64xf32, #tpu.memory_space<hbm>>
      tpu.enqueue_dma source(%arg10 : memref<320x64xf32, #tpu.memory_space<vmem>>) target(%dma_start3A_87 : memref<320x64xf32, #tpu.memory_space<hbm>>) target_semaphore(%run_scoped3A : memref<!tpu.dma_semaphore, #tpu.memory_space<semaphore_mem>>)
      %dma_wait3A = arith.constant 0 : i32
      %dma_wait3A_88 = tpu.memref_slice %arg6[%arg0, %add3A_77, %dma_wait3A] : memref<2x10000x128xf32, #tpu.memory_space<hbm>> -> memref<1x320x64xf32, #tpu.memory_space<hbm>>
      %dma_wait3A_89 = tpu.memref_squeeze %dma_wait3A_88 : memref<1x320x64xf32, #tpu.memory_space<hbm>> -> memref<320x64xf32, #tpu.memory_space<hbm>>
      %dma_wait3A_90 = arith.constant 0 : i32
      %dma_wait3A_91 = tpu.memref_slice %arg6[%arg0, %add3A_77, %dma_wait3A_90] : memref<2x10000x128xf32, #tpu.memory_space<hbm>> -> memref<1x320x64xf32, #tpu.memory_space<hbm>>
      %dma_wait3A_92 = tpu.memref_squeeze %dma_wait3A_91 : memref<1x320x64xf32, #tpu.memory_space<hbm>> -> memref<320x64xf32, #tpu.memory_space<hbm>>
      tpu.wait_dma2 semaphore(%run_scoped3A : memref<!tpu.dma_semaphore, #tpu.memory_space<semaphore_mem>>) src(%arg10 : memref<320x64xf32, #tpu.memory_space<vmem>>) dst(%dma_wait3A_92 : memref<320x64xf32, #tpu.memory_space<hbm>>)
      tpu.yield
    }) : () -> ()
    %add3A_78 = arith.constant 320 : i32
    %add3A_79 = arith.addi %mul3A_2, %add3A_78 : i32
    "tpu.region"() ({
      %run_scoped3A = tpu.sem_alloc : memref<!tpu.dma_semaphore, #tpu.memory_space<semaphore_mem>>
      %dma_start3A_82 = arith.constant 0 : i32
      %dma_start3A_83 = tpu.memref_slice %arg11[%add3A_79, %dma_start3A_82] : memref<10000x64xf32, #tpu.memory_space<vmem_shared>> -> memref<320x64xf32, #tpu.memory_space<vmem_shared>>
      %dma_start3A_84 = arith.constant 0 : i32
      %dma_start3A_85 = tpu.memref_slice %arg11[%add3A_79, %dma_start3A_84] : memref<10000x64xf32, #tpu.memory_space<vmem_shared>> -> memref<320x64xf32, #tpu.memory_space<vmem_shared>>
      tpu.enqueue_dma source(%dma_start3A_85 : memref<320x64xf32, #tpu.memory_space<vmem_shared>>) target(%arg10 : memref<320x64xf32, #tpu.memory_space<vmem>>) target_semaphore(%run_scoped3A : memref<!tpu.dma_semaphore, #tpu.memory_space<semaphore_mem>>)
      %dma_wait3A = arith.constant 0 : i32
      %dma_wait3A_86 = tpu.memref_slice %arg11[%add3A_79, %dma_wait3A] : memref<10000x64xf32, #tpu.memory_space<vmem_shared>> -> memref<320x64xf32, #tpu.memory_space<vmem_shared>>
      %dma_wait3A_87 = arith.constant 0 : i32
      %dma_wait3A_88 = tpu.memref_slice %arg11[%add3A_79, %dma_wait3A_87] : memref<10000x64xf32, #tpu.memory_space<vmem_shared>> -> memref<320x64xf32, #tpu.memory_space<vmem_shared>>
      tpu.wait_dma2 semaphore(%run_scoped3A : memref<!tpu.dma_semaphore, #tpu.memory_space<semaphore_mem>>) src(%dma_wait3A_88 : memref<320x64xf32, #tpu.memory_space<vmem_shared>>) dst(%arg10 : memref<320x64xf32, #tpu.memory_space<vmem>>)
      tpu.yield
    }) : () -> ()
    %add3A_80 = arith.constant 320 : i32
    %add3A_81 = arith.addi %mul3A_2, %add3A_80 : i32
    "tpu.region"() ({
      %run_scoped3A = tpu.sem_alloc : memref<!tpu.dma_semaphore, #tpu.memory_space<semaphore_mem>>
      %dma_start3A_82 = arith.constant 0 : i32
      %dma_start3A_83 = tpu.memref_slice %arg6[%arg0, %add3A_81, %dma_start3A_82] : memref<2x10000x128xf32, #tpu.memory_space<hbm>> -> memref<1x320x64xf32, #tpu.memory_space<hbm>>
      %dma_start3A_84 = tpu.memref_squeeze %dma_start3A_83 : memref<1x320x64xf32, #tpu.memory_space<hbm>> -> memref<320x64xf32, #tpu.memory_space<hbm>>
      %dma_start3A_85 = arith.constant 0 : i32
      %dma_start3A_86 = tpu.memref_slice %arg6[%arg0, %add3A_81, %dma_start3A_85] : memref<2x10000x128xf32, #tpu.memory_space<hbm>> -> memref<1x320x64xf32, #tpu.memory_space<hbm>>
      %dma_start3A_87 = tpu.memref_squeeze %dma_start3A_86 : memref<1x320x64xf32, #tpu.memory_space<hbm>> -> memref<320x64xf32, #tpu.memory_space<hbm>>
      tpu.enqueue_dma source(%arg10 : memref<320x64xf32, #tpu.memory_space<vmem>>) target(%dma_start3A_87 : memref<320x64xf32, #tpu.memory_space<hbm>>) target_semaphore(%run_scoped3A : memref<!tpu.dma_semaphore, #tpu.memory_space<semaphore_mem>>)
      %dma_wait3A = arith.constant 0 : i32
      %dma_wait3A_88 = tpu.memref_slice %arg6[%arg0, %add3A_81, %dma_wait3A] : memref<2x10000x128xf32, #tpu.memory_space<hbm>> -> memref<1x320x64xf32, #tpu.memory_space<hbm>>
      %dma_wait3A_89 = tpu.memref_squeeze %dma_wait3A_88 : memref<1x320x64xf32, #tpu.memory_space<hbm>> -> memref<320x64xf32, #tpu.memory_space<hbm>>
      %dma_wait3A_90 = arith.constant 0 : i32
      %dma_wait3A_91 = tpu.memref_slice %arg6[%arg0, %add3A_81, %dma_wait3A_90] : memref<2x10000x128xf32, #tpu.memory_space<hbm>> -> memref<1x320x64xf32, #tpu.memory_space<hbm>>
      %dma_wait3A_92 = tpu.memref_squeeze %dma_wait3A_91 : memref<1x320x64xf32, #tpu.memory_space<hbm>> -> memref<320x64xf32, #tpu.memory_space<hbm>>
      tpu.wait_dma2 semaphore(%run_scoped3A : memref<!tpu.dma_semaphore, #tpu.memory_space<semaphore_mem>>) src(%arg10 : memref<320x64xf32, #tpu.memory_space<vmem>>) dst(%dma_wait3A_92 : memref<320x64xf32, #tpu.memory_space<hbm>>)
      tpu.yield
    }) : () -> ()
    return
  }
}

#map = affine_map<(d0, d1) -> (0, 0, 0)>
#map1 = affine_map<(d0, d1) -> (0, 0)>
module attributes {stable_mosaic.version = 14 : i64} {
  func.func @_agg_body(%arg0: i32, %arg1: i32, %arg2: memref<32x125x80xi32, #tpu.memory_space<hbm>>, %arg3: memref<32x125x80xi32, #tpu.memory_space<hbm>>, %arg4: memref<10000x64xf32, #tpu.memory_space<hbm>>, %arg5: memref<320x64xf32, #tpu.memory_space<hbm>>, %arg6: memref<2x10000x128xf32, #tpu.memory_space<hbm>>, %arg7: memref<125x80xi32, #tpu.memory_space<vmem>>, %arg8: memref<125x80xi32, #tpu.memory_space<vmem>>, %arg9: memref<6x80x64xf32, #tpu.memory_space<vmem>>, %arg10: memref<320x64xf32, #tpu.memory_space<vmem>>, %arg11: memref<10000x64xf32, #tpu.memory_space<vmem_shared>>, %arg12: memref<!tpu.dma_semaphore, #tpu.memory_space<semaphore_mem>>, %arg13: memref<!tpu.dma_semaphore, #tpu.memory_space<semaphore_mem>>, %arg14: memref<!tpu.dma_semaphore, #tpu.memory_space<semaphore_mem>>, %arg15: memref<!tpu.dma_semaphore, #tpu.memory_space<semaphore_mem>>, %arg16: memref<!tpu.dma_semaphore, #tpu.memory_space<semaphore_mem>>, %arg17: memref<!tpu.dma_semaphore, #tpu.memory_space<semaphore_mem>>) attributes {dimension_semantics = [#tpu.dimension_semantics<core_parallel>, #tpu.dimension_semantics<subcore_parallel>], iteration_bounds = array<i64: 2, 16>, scalar_prefetch = 0 : i64, scratch_operands = 11 : i64, tpu.core_type = #tpu.core_type<sc_vector_subcore>, window_params = [{transform_indices = #map}, {transform_indices = #map}, {transform_indices = #map1}, {transform_indices = #map1}, {transform_indices = #map}]} {
    %mul3A = arith.constant 16 : i32
    %mul3A_0 = arith.muli %arg0, %mul3A : i32
    %add3A = arith.addi %mul3A_0, %arg1 : i32
    %mul3A_1 = arith.constant 624 : i32
    %mul3A_2 = arith.muli %arg1, %mul3A_1 : i32
    %eq3A = arith.constant 0 : i32
    %eq3A_3 = arith.cmpi eq, %arg0, %eq3A : i32
    %convert_element_type3A = arith.extui %eq3A_3 : i1 to i32
    %cond3A = arith.constant 0 : i32
    %cond3A_4 = arith.cmpi ne, %convert_element_type3A, %cond3A : i32
    scf.if %cond3A_4 {
      %add3A_82 = arith.constant 0 : i32
      %add3A_83 = arith.addi %mul3A_2, %add3A_82 : i32
      "tpu.region"() ({
        %run_scoped3A = tpu.sem_alloc : memref<!tpu.dma_semaphore, #tpu.memory_space<semaphore_mem>>
        %dma_start3A_90 = arith.constant 0 : i32
        %dma_start3A_91 = tpu.memref_slice %arg4[%add3A_83, %dma_start3A_90] : memref<10000x64xf32, #tpu.memory_space<hbm>> -> memref<320x64xf32, #tpu.memory_space<hbm>>
        %dma_start3A_92 = arith.constant 0 : i32
        %dma_start3A_93 = tpu.memref_slice %arg4[%add3A_83, %dma_start3A_92] : memref<10000x64xf32, #tpu.memory_space<hbm>> -> memref<320x64xf32, #tpu.memory_space<hbm>>
        tpu.enqueue_dma source(%dma_start3A_93 : memref<320x64xf32, #tpu.memory_space<hbm>>) target(%arg10 : memref<320x64xf32, #tpu.memory_space<vmem>>) target_semaphore(%run_scoped3A : memref<!tpu.dma_semaphore, #tpu.memory_space<semaphore_mem>>)
        %dma_wait3A = arith.constant 0 : i32
        %dma_wait3A_94 = tpu.memref_slice %arg4[%add3A_83, %dma_wait3A] : memref<10000x64xf32, #tpu.memory_space<hbm>> -> memref<320x64xf32, #tpu.memory_space<hbm>>
        %dma_wait3A_95 = arith.constant 0 : i32
        %dma_wait3A_96 = tpu.memref_slice %arg4[%add3A_83, %dma_wait3A_95] : memref<10000x64xf32, #tpu.memory_space<hbm>> -> memref<320x64xf32, #tpu.memory_space<hbm>>
        tpu.wait_dma2 semaphore(%run_scoped3A : memref<!tpu.dma_semaphore, #tpu.memory_space<semaphore_mem>>) src(%dma_wait3A_96 : memref<320x64xf32, #tpu.memory_space<hbm>>) dst(%arg10 : memref<320x64xf32, #tpu.memory_space<vmem>>)
        tpu.yield
      }) : () -> ()
      %add3A_84 = arith.constant 0 : i32
      %add3A_85 = arith.addi %mul3A_2, %add3A_84 : i32
      "tpu.region"() ({
        %run_scoped3A = tpu.sem_alloc : memref<!tpu.dma_semaphore, #tpu.memory_space<semaphore_mem>>
        %dma_start3A_90 = arith.constant 0 : i32
        %dma_start3A_91 = tpu.memref_slice %arg11[%add3A_85, %dma_start3A_90] : memref<10000x64xf32, #tpu.memory_space<vmem_shared>> -> memref<320x64xf32, #tpu.memory_space<vmem_shared>>
        %dma_start3A_92 = arith.constant 0 : i32
        %dma_start3A_93 = tpu.memref_slice %arg11[%add3A_85, %dma_start3A_92] : memref<10000x64xf32, #tpu.memory_space<vmem_shared>> -> memref<320x64xf32, #tpu.memory_space<vmem_shared>>
        tpu.enqueue_dma source(%arg10 : memref<320x64xf32, #tpu.memory_space<vmem>>) target(%dma_start3A_93 : memref<320x64xf32, #tpu.memory_space<vmem_shared>>) target_semaphore(%run_scoped3A : memref<!tpu.dma_semaphore, #tpu.memory_space<semaphore_mem>>)
        %dma_wait3A = arith.constant 0 : i32
        %dma_wait3A_94 = tpu.memref_slice %arg11[%add3A_85, %dma_wait3A] : memref<10000x64xf32, #tpu.memory_space<vmem_shared>> -> memref<320x64xf32, #tpu.memory_space<vmem_shared>>
        %dma_wait3A_95 = arith.constant 0 : i32
        %dma_wait3A_96 = tpu.memref_slice %arg11[%add3A_85, %dma_wait3A_95] : memref<10000x64xf32, #tpu.memory_space<vmem_shared>> -> memref<320x64xf32, #tpu.memory_space<vmem_shared>>
        tpu.wait_dma2 semaphore(%run_scoped3A : memref<!tpu.dma_semaphore, #tpu.memory_space<semaphore_mem>>) src(%arg10 : memref<320x64xf32, #tpu.memory_space<vmem>>) dst(%dma_wait3A_96 : memref<320x64xf32, #tpu.memory_space<vmem_shared>>)
        tpu.yield
      }) : () -> ()
      %add3A_86 = arith.constant 320 : i32
      %add3A_87 = arith.addi %mul3A_2, %add3A_86 : i32
      "tpu.region"() ({
        %run_scoped3A = tpu.sem_alloc : memref<!tpu.dma_semaphore, #tpu.memory_space<semaphore_mem>>
        %dma_start3A_90 = arith.constant 0 : i32
        %dma_start3A_91 = tpu.memref_slice %arg4[%add3A_87, %dma_start3A_90] : memref<10000x64xf32, #tpu.memory_space<hbm>> -> memref<320x64xf32, #tpu.memory_space<hbm>>
        %dma_start3A_92 = arith.constant 0 : i32
        %dma_start3A_93 = tpu.memref_slice %arg4[%add3A_87, %dma_start3A_92] : memref<10000x64xf32, #tpu.memory_space<hbm>> -> memref<320x64xf32, #tpu.memory_space<hbm>>
        tpu.enqueue_dma source(%dma_start3A_93 : memref<320x64xf32, #tpu.memory_space<hbm>>) target(%arg10 : memref<320x64xf32, #tpu.memory_space<vmem>>) target_semaphore(%run_scoped3A : memref<!tpu.dma_semaphore, #tpu.memory_space<semaphore_mem>>)
        %dma_wait3A = arith.constant 0 : i32
        %dma_wait3A_94 = tpu.memref_slice %arg4[%add3A_87, %dma_wait3A] : memref<10000x64xf32, #tpu.memory_space<hbm>> -> memref<320x64xf32, #tpu.memory_space<hbm>>
        %dma_wait3A_95 = arith.constant 0 : i32
        %dma_wait3A_96 = tpu.memref_slice %arg4[%add3A_87, %dma_wait3A_95] : memref<10000x64xf32, #tpu.memory_space<hbm>> -> memref<320x64xf32, #tpu.memory_space<hbm>>
        tpu.wait_dma2 semaphore(%run_scoped3A : memref<!tpu.dma_semaphore, #tpu.memory_space<semaphore_mem>>) src(%dma_wait3A_96 : memref<320x64xf32, #tpu.memory_space<hbm>>) dst(%arg10 : memref<320x64xf32, #tpu.memory_space<vmem>>)
        tpu.yield
      }) : () -> ()
      %add3A_88 = arith.constant 320 : i32
      %add3A_89 = arith.addi %mul3A_2, %add3A_88 : i32
      "tpu.region"() ({
        %run_scoped3A = tpu.sem_alloc : memref<!tpu.dma_semaphore, #tpu.memory_space<semaphore_mem>>
        %dma_start3A_90 = arith.constant 0 : i32
        %dma_start3A_91 = tpu.memref_slice %arg11[%add3A_89, %dma_start3A_90] : memref<10000x64xf32, #tpu.memory_space<vmem_shared>> -> memref<320x64xf32, #tpu.memory_space<vmem_shared>>
        %dma_start3A_92 = arith.constant 0 : i32
        %dma_start3A_93 = tpu.memref_slice %arg11[%add3A_89, %dma_start3A_92] : memref<10000x64xf32, #tpu.memory_space<vmem_shared>> -> memref<320x64xf32, #tpu.memory_space<vmem_shared>>
        tpu.enqueue_dma source(%arg10 : memref<320x64xf32, #tpu.memory_space<vmem>>) target(%dma_start3A_93 : memref<320x64xf32, #tpu.memory_space<vmem_shared>>) target_semaphore(%run_scoped3A : memref<!tpu.dma_semaphore, #tpu.memory_space<semaphore_mem>>)
        %dma_wait3A = arith.constant 0 : i32
        %dma_wait3A_94 = tpu.memref_slice %arg11[%add3A_89, %dma_wait3A] : memref<10000x64xf32, #tpu.memory_space<vmem_shared>> -> memref<320x64xf32, #tpu.memory_space<vmem_shared>>
        %dma_wait3A_95 = arith.constant 0 : i32
        %dma_wait3A_96 = tpu.memref_slice %arg11[%add3A_89, %dma_wait3A_95] : memref<10000x64xf32, #tpu.memory_space<vmem_shared>> -> memref<320x64xf32, #tpu.memory_space<vmem_shared>>
        tpu.wait_dma2 semaphore(%run_scoped3A : memref<!tpu.dma_semaphore, #tpu.memory_space<semaphore_mem>>) src(%arg10 : memref<320x64xf32, #tpu.memory_space<vmem>>) dst(%dma_wait3A_96 : memref<320x64xf32, #tpu.memory_space<vmem_shared>>)
        tpu.yield
      }) : () -> ()
    } else {
    }
    %ne3A = arith.constant 0 : i32
    %ne3A_5 = arith.cmpi ne, %arg0, %ne3A : i32
    %convert_element_type3A_6 = arith.extui %ne3A_5 : i1 to i32
    %cond3A_7 = arith.constant 0 : i32
    %cond3A_8 = arith.cmpi ne, %convert_element_type3A_6, %cond3A_7 : i32
    scf.if %cond3A_8 {
      "tpu.region"() ({
        %run_scoped3A = tpu.sem_alloc : memref<!tpu.dma_semaphore, #tpu.memory_space<semaphore_mem>>
        tpu.enqueue_dma source(%arg5 : memref<320x64xf32, #tpu.memory_space<hbm>>) target(%arg10 : memref<320x64xf32, #tpu.memory_space<vmem>>) target_semaphore(%run_scoped3A : memref<!tpu.dma_semaphore, #tpu.memory_space<semaphore_mem>>)
        tpu.wait_dma2 semaphore(%run_scoped3A : memref<!tpu.dma_semaphore, #tpu.memory_space<semaphore_mem>>) src(%arg5 : memref<320x64xf32, #tpu.memory_space<hbm>>) dst(%arg10 : memref<320x64xf32, #tpu.memory_space<vmem>>)
        tpu.yield
      }) : () -> ()
      %add3A_82 = arith.constant 0 : i32
      %add3A_83 = arith.addi %mul3A_2, %add3A_82 : i32
      "tpu.region"() ({
        %run_scoped3A = tpu.sem_alloc : memref<!tpu.dma_semaphore, #tpu.memory_space<semaphore_mem>>
        %dma_start3A_86 = arith.constant 0 : i32
        %dma_start3A_87 = tpu.memref_slice %arg11[%add3A_83, %dma_start3A_86] : memref<10000x64xf32, #tpu.memory_space<vmem_shared>> -> memref<320x64xf32, #tpu.memory_space<vmem_shared>>
        %dma_start3A_88 = arith.constant 0 : i32
        %dma_start3A_89 = tpu.memref_slice %arg11[%add3A_83, %dma_start3A_88] : memref<10000x64xf32, #tpu.memory_space<vmem_shared>> -> memref<320x64xf32, #tpu.memory_space<vmem_shared>>
        tpu.enqueue_dma source(%arg10 : memref<320x64xf32, #tpu.memory_space<vmem>>) target(%dma_start3A_89 : memref<320x64xf32, #tpu.memory_space<vmem_shared>>) target_semaphore(%run_scoped3A : memref<!tpu.dma_semaphore, #tpu.memory_space<semaphore_mem>>)
        %dma_wait3A = arith.constant 0 : i32
        %dma_wait3A_90 = tpu.memref_slice %arg11[%add3A_83, %dma_wait3A] : memref<10000x64xf32, #tpu.memory_space<vmem_shared>> -> memref<320x64xf32, #tpu.memory_space<vmem_shared>>
        %dma_wait3A_91 = arith.constant 0 : i32
        %dma_wait3A_92 = tpu.memref_slice %arg11[%add3A_83, %dma_wait3A_91] : memref<10000x64xf32, #tpu.memory_space<vmem_shared>> -> memref<320x64xf32, #tpu.memory_space<vmem_shared>>
        tpu.wait_dma2 semaphore(%run_scoped3A : memref<!tpu.dma_semaphore, #tpu.memory_space<semaphore_mem>>) src(%arg10 : memref<320x64xf32, #tpu.memory_space<vmem>>) dst(%dma_wait3A_92 : memref<320x64xf32, #tpu.memory_space<vmem_shared>>)
        tpu.yield
      }) : () -> ()
      %add3A_84 = arith.constant 320 : i32
      %add3A_85 = arith.addi %mul3A_2, %add3A_84 : i32
      "tpu.region"() ({
        %run_scoped3A = tpu.sem_alloc : memref<!tpu.dma_semaphore, #tpu.memory_space<semaphore_mem>>
        %dma_start3A_86 = arith.constant 0 : i32
        %dma_start3A_87 = tpu.memref_slice %arg11[%add3A_85, %dma_start3A_86] : memref<10000x64xf32, #tpu.memory_space<vmem_shared>> -> memref<320x64xf32, #tpu.memory_space<vmem_shared>>
        %dma_start3A_88 = arith.constant 0 : i32
        %dma_start3A_89 = tpu.memref_slice %arg11[%add3A_85, %dma_start3A_88] : memref<10000x64xf32, #tpu.memory_space<vmem_shared>> -> memref<320x64xf32, #tpu.memory_space<vmem_shared>>
        tpu.enqueue_dma source(%arg10 : memref<320x64xf32, #tpu.memory_space<vmem>>) target(%dma_start3A_89 : memref<320x64xf32, #tpu.memory_space<vmem_shared>>) target_semaphore(%run_scoped3A : memref<!tpu.dma_semaphore, #tpu.memory_space<semaphore_mem>>)
        %dma_wait3A = arith.constant 0 : i32
        %dma_wait3A_90 = tpu.memref_slice %arg11[%add3A_85, %dma_wait3A] : memref<10000x64xf32, #tpu.memory_space<vmem_shared>> -> memref<320x64xf32, #tpu.memory_space<vmem_shared>>
        %dma_wait3A_91 = arith.constant 0 : i32
        %dma_wait3A_92 = tpu.memref_slice %arg11[%add3A_85, %dma_wait3A_91] : memref<10000x64xf32, #tpu.memory_space<vmem_shared>> -> memref<320x64xf32, #tpu.memory_space<vmem_shared>>
        tpu.wait_dma2 semaphore(%run_scoped3A : memref<!tpu.dma_semaphore, #tpu.memory_space<semaphore_mem>>) src(%arg10 : memref<320x64xf32, #tpu.memory_space<vmem>>) dst(%dma_wait3A_92 : memref<320x64xf32, #tpu.memory_space<vmem_shared>>)
        tpu.yield
      }) : () -> ()
    } else {
    }
    "tpu.region"() ({
      %run_scoped3A = tpu.sem_alloc : memref<!tpu.dma_semaphore, #tpu.memory_space<semaphore_mem>>
      %dma_start3A_82 = arith.constant 0 : i32
      %dma_start3A_83 = arith.constant 0 : i32
      %dma_start3A_84 = tpu.memref_slice %arg2[%add3A, %dma_start3A_82, %dma_start3A_83] : memref<32x125x80xi32, #tpu.memory_space<hbm>> -> memref<1x125x80xi32, #tpu.memory_space<hbm>>
      %dma_start3A_85 = tpu.memref_squeeze %dma_start3A_84 : memref<1x125x80xi32, #tpu.memory_space<hbm>> -> memref<125x80xi32, #tpu.memory_space<hbm>>
      %dma_start3A_86 = arith.constant 0 : i32
      %dma_start3A_87 = arith.constant 0 : i32
      %dma_start3A_88 = tpu.memref_slice %arg2[%add3A, %dma_start3A_86, %dma_start3A_87] : memref<32x125x80xi32, #tpu.memory_space<hbm>> -> memref<1x125x80xi32, #tpu.memory_space<hbm>>
      %dma_start3A_89 = tpu.memref_squeeze %dma_start3A_88 : memref<1x125x80xi32, #tpu.memory_space<hbm>> -> memref<125x80xi32, #tpu.memory_space<hbm>>
      tpu.enqueue_dma source(%dma_start3A_89 : memref<125x80xi32, #tpu.memory_space<hbm>>) target(%arg7 : memref<125x80xi32, #tpu.memory_space<vmem>>) target_semaphore(%run_scoped3A : memref<!tpu.dma_semaphore, #tpu.memory_space<semaphore_mem>>)
      %dma_wait3A = arith.constant 0 : i32
      %dma_wait3A_90 = arith.constant 0 : i32
      %dma_wait3A_91 = tpu.memref_slice %arg2[%add3A, %dma_wait3A, %dma_wait3A_90] : memref<32x125x80xi32, #tpu.memory_space<hbm>> -> memref<1x125x80xi32, #tpu.memory_space<hbm>>
      %dma_wait3A_92 = tpu.memref_squeeze %dma_wait3A_91 : memref<1x125x80xi32, #tpu.memory_space<hbm>> -> memref<125x80xi32, #tpu.memory_space<hbm>>
      %dma_wait3A_93 = arith.constant 0 : i32
      %dma_wait3A_94 = arith.constant 0 : i32
      %dma_wait3A_95 = tpu.memref_slice %arg2[%add3A, %dma_wait3A_93, %dma_wait3A_94] : memref<32x125x80xi32, #tpu.memory_space<hbm>> -> memref<1x125x80xi32, #tpu.memory_space<hbm>>
      %dma_wait3A_96 = tpu.memref_squeeze %dma_wait3A_95 : memref<1x125x80xi32, #tpu.memory_space<hbm>> -> memref<125x80xi32, #tpu.memory_space<hbm>>
      tpu.wait_dma2 semaphore(%run_scoped3A : memref<!tpu.dma_semaphore, #tpu.memory_space<semaphore_mem>>) src(%dma_wait3A_96 : memref<125x80xi32, #tpu.memory_space<hbm>>) dst(%arg7 : memref<125x80xi32, #tpu.memory_space<vmem>>)
      tpu.yield
    }) : () -> ()
    "tpu.region"() ({
      %run_scoped3A = tpu.sem_alloc : memref<!tpu.dma_semaphore, #tpu.memory_space<semaphore_mem>>
      %dma_start3A_82 = arith.constant 0 : i32
      %dma_start3A_83 = arith.constant 0 : i32
      %dma_start3A_84 = tpu.memref_slice %arg3[%add3A, %dma_start3A_82, %dma_start3A_83] : memref<32x125x80xi32, #tpu.memory_space<hbm>> -> memref<1x125x80xi32, #tpu.memory_space<hbm>>
      %dma_start3A_85 = tpu.memref_squeeze %dma_start3A_84 : memref<1x125x80xi32, #tpu.memory_space<hbm>> -> memref<125x80xi32, #tpu.memory_space<hbm>>
      %dma_start3A_86 = arith.constant 0 : i32
      %dma_start3A_87 = arith.constant 0 : i32
      %dma_start3A_88 = tpu.memref_slice %arg3[%add3A, %dma_start3A_86, %dma_start3A_87] : memref<32x125x80xi32, #tpu.memory_space<hbm>> -> memref<1x125x80xi32, #tpu.memory_space<hbm>>
      %dma_start3A_89 = tpu.memref_squeeze %dma_start3A_88 : memref<1x125x80xi32, #tpu.memory_space<hbm>> -> memref<125x80xi32, #tpu.memory_space<hbm>>
      tpu.enqueue_dma source(%dma_start3A_89 : memref<125x80xi32, #tpu.memory_space<hbm>>) target(%arg8 : memref<125x80xi32, #tpu.memory_space<vmem>>) target_semaphore(%run_scoped3A : memref<!tpu.dma_semaphore, #tpu.memory_space<semaphore_mem>>)
      %dma_wait3A = arith.constant 0 : i32
      %dma_wait3A_90 = arith.constant 0 : i32
      %dma_wait3A_91 = tpu.memref_slice %arg3[%add3A, %dma_wait3A, %dma_wait3A_90] : memref<32x125x80xi32, #tpu.memory_space<hbm>> -> memref<1x125x80xi32, #tpu.memory_space<hbm>>
      %dma_wait3A_92 = tpu.memref_squeeze %dma_wait3A_91 : memref<1x125x80xi32, #tpu.memory_space<hbm>> -> memref<125x80xi32, #tpu.memory_space<hbm>>
      %dma_wait3A_93 = arith.constant 0 : i32
      %dma_wait3A_94 = arith.constant 0 : i32
      %dma_wait3A_95 = tpu.memref_slice %arg3[%add3A, %dma_wait3A_93, %dma_wait3A_94] : memref<32x125x80xi32, #tpu.memory_space<hbm>> -> memref<1x125x80xi32, #tpu.memory_space<hbm>>
      %dma_wait3A_96 = tpu.memref_squeeze %dma_wait3A_95 : memref<1x125x80xi32, #tpu.memory_space<hbm>> -> memref<125x80xi32, #tpu.memory_space<hbm>>
      tpu.wait_dma2 semaphore(%run_scoped3A : memref<!tpu.dma_semaphore, #tpu.memory_space<semaphore_mem>>) src(%dma_wait3A_96 : memref<125x80xi32, #tpu.memory_space<hbm>>) dst(%arg8 : memref<125x80xi32, #tpu.memory_space<vmem>>)
      tpu.yield
    }) : () -> ()
    %barrier3A = arith.constant 0 : index
    tpu.barrier barrier_id(%barrier3A)
    %dma_start3A = arith.constant 0 : i32
    %dma_start3A_9 = arith.constant 0 : i32
    %dma_start3A_10 = arith.constant 0 : i32
    %dma_start3A_11 = arith.constant 0 : i32
    %dma_start3A_12 = tpu.memref_slice %arg9[%dma_start3A_9, %dma_start3A_10, %dma_start3A_11] : memref<6x80x64xf32, #tpu.memory_space<vmem>> -> memref<1x80x64xf32, #tpu.memory_space<vmem>>
    %dma_start3A_13 = tpu.memref_squeeze %dma_start3A_12 : memref<1x80x64xf32, #tpu.memory_space<vmem>> -> memref<80x64xf32, #tpu.memory_space<vmem>>
    %dma_start3A_14 = arith.constant 0 : i32
    %dma_start3A_15 = tpu.memref_slice %arg7[%dma_start3A, %dma_start3A_14] : memref<125x80xi32, #tpu.memory_space<vmem>> -> memref<1x80xi32, #tpu.memory_space<vmem>>
    %dma_start3A_16 = tpu.memref_squeeze %dma_start3A_15 : memref<1x80xi32, #tpu.memory_space<vmem>> -> memref<80xi32, #tpu.memory_space<vmem>>
    %dma_start3A_17 = arith.constant 0 : i32
    %dma_start3A_18 = arith.constant 0 : i32
    %dma_start3A_19 = tpu.memref_slice %arg4[%dma_start3A_17, %dma_start3A_18] : memref<10000x64xf32, #tpu.memory_space<hbm>> -> memref<10000x64xf32, #tpu.memory_space<hbm>>
    tpu.enqueue_indirect_dma source(%dma_start3A_19 : memref<10000x64xf32, #tpu.memory_space<hbm>>) target(%dma_start3A_13 : memref<80x64xf32, #tpu.memory_space<vmem>>) offsets(%dma_start3A_16 : memref<80xi32, #tpu.memory_space<vmem>>) semaphore(%arg12 : memref<!tpu.dma_semaphore, #tpu.memory_space<semaphore_mem>>)
    %dma_start3A_20 = arith.constant 1 : i32
    %dma_start3A_21 = arith.constant 1 : i32
    %dma_start3A_22 = arith.constant 0 : i32
    %dma_start3A_23 = arith.constant 0 : i32
    %dma_start3A_24 = tpu.memref_slice %arg9[%dma_start3A_21, %dma_start3A_22, %dma_start3A_23] : memref<6x80x64xf32, #tpu.memory_space<vmem>> -> memref<1x80x64xf32, #tpu.memory_space<vmem>>
    %dma_start3A_25 = tpu.memref_squeeze %dma_start3A_24 : memref<1x80x64xf32, #tpu.memory_space<vmem>> -> memref<80x64xf32, #tpu.memory_space<vmem>>
    %dma_start3A_26 = arith.constant 0 : i32
    %dma_start3A_27 = tpu.memref_slice %arg7[%dma_start3A_20, %dma_start3A_26] : memref<125x80xi32, #tpu.memory_space<vmem>> -> memref<1x80xi32, #tpu.memory_space<vmem>>
    %dma_start3A_28 = tpu.memref_squeeze %dma_start3A_27 : memref<1x80xi32, #tpu.memory_space<vmem>> -> memref<80xi32, #tpu.memory_space<vmem>>
    %dma_start3A_29 = arith.constant 0 : i32
    %dma_start3A_30 = arith.constant 0 : i32
    %dma_start3A_31 = tpu.memref_slice %arg4[%dma_start3A_29, %dma_start3A_30] : memref<10000x64xf32, #tpu.memory_space<hbm>> -> memref<10000x64xf32, #tpu.memory_space<hbm>>
    tpu.enqueue_indirect_dma source(%dma_start3A_31 : memref<10000x64xf32, #tpu.memory_space<hbm>>) target(%dma_start3A_25 : memref<80x64xf32, #tpu.memory_space<vmem>>) offsets(%dma_start3A_28 : memref<80xi32, #tpu.memory_space<vmem>>) semaphore(%arg13 : memref<!tpu.dma_semaphore, #tpu.memory_space<semaphore_mem>>)
    %dma_start3A_32 = arith.constant 2 : i32
    %dma_start3A_33 = arith.constant 2 : i32
    %dma_start3A_34 = arith.constant 0 : i32
    %dma_start3A_35 = arith.constant 0 : i32
    %dma_start3A_36 = tpu.memref_slice %arg9[%dma_start3A_33, %dma_start3A_34, %dma_start3A_35] : memref<6x80x64xf32, #tpu.memory_space<vmem>> -> memref<1x80x64xf32, #tpu.memory_space<vmem>>
    %dma_start3A_37 = tpu.memref_squeeze %dma_start3A_36 : memref<1x80x64xf32, #tpu.memory_space<vmem>> -> memref<80x64xf32, #tpu.memory_space<vmem>>
    %dma_start3A_38 = arith.constant 0 : i32
    %dma_start3A_39 = tpu.memref_slice %arg7[%dma_start3A_32, %dma_start3A_38] : memref<125x80xi32, #tpu.memory_space<vmem>> -> memref<1x80xi32, #tpu.memory_space<vmem>>
    %dma_start3A_40 = tpu.memref_squeeze %dma_start3A_39 : memref<1x80xi32, #tpu.memory_space<vmem>> -> memref<80xi32, #tpu.memory_space<vmem>>
    %dma_start3A_41 = arith.constant 0 : i32
    %dma_start3A_42 = arith.constant 0 : i32
    %dma_start3A_43 = tpu.memref_slice %arg4[%dma_start3A_41, %dma_start3A_42] : memref<10000x64xf32, #tpu.memory_space<hbm>> -> memref<10000x64xf32, #tpu.memory_space<hbm>>
    tpu.enqueue_indirect_dma source(%dma_start3A_43 : memref<10000x64xf32, #tpu.memory_space<hbm>>) target(%dma_start3A_37 : memref<80x64xf32, #tpu.memory_space<vmem>>) offsets(%dma_start3A_40 : memref<80xi32, #tpu.memory_space<vmem>>) semaphore(%arg14 : memref<!tpu.dma_semaphore, #tpu.memory_space<semaphore_mem>>)
    %dma_start3A_44 = arith.constant 3 : i32
    %dma_start3A_45 = arith.constant 3 : i32
    %dma_start3A_46 = arith.constant 0 : i32
    %dma_start3A_47 = arith.constant 0 : i32
    %dma_start3A_48 = tpu.memref_slice %arg9[%dma_start3A_45, %dma_start3A_46, %dma_start3A_47] : memref<6x80x64xf32, #tpu.memory_space<vmem>> -> memref<1x80x64xf32, #tpu.memory_space<vmem>>
    %dma_start3A_49 = tpu.memref_squeeze %dma_start3A_48 : memref<1x80x64xf32, #tpu.memory_space<vmem>> -> memref<80x64xf32, #tpu.memory_space<vmem>>
    %dma_start3A_50 = arith.constant 0 : i32
    %dma_start3A_51 = tpu.memref_slice %arg7[%dma_start3A_44, %dma_start3A_50] : memref<125x80xi32, #tpu.memory_space<vmem>> -> memref<1x80xi32, #tpu.memory_space<vmem>>
    %dma_start3A_52 = tpu.memref_squeeze %dma_start3A_51 : memref<1x80xi32, #tpu.memory_space<vmem>> -> memref<80xi32, #tpu.memory_space<vmem>>
    %dma_start3A_53 = arith.constant 0 : i32
    %dma_start3A_54 = arith.constant 0 : i32
    %dma_start3A_55 = tpu.memref_slice %arg4[%dma_start3A_53, %dma_start3A_54] : memref<10000x64xf32, #tpu.memory_space<hbm>> -> memref<10000x64xf32, #tpu.memory_space<hbm>>
    tpu.enqueue_indirect_dma source(%dma_start3A_55 : memref<10000x64xf32, #tpu.memory_space<hbm>>) target(%dma_start3A_49 : memref<80x64xf32, #tpu.memory_space<vmem>>) offsets(%dma_start3A_52 : memref<80xi32, #tpu.memory_space<vmem>>) semaphore(%arg15 : memref<!tpu.dma_semaphore, #tpu.memory_space<semaphore_mem>>)
    %dma_start3A_56 = arith.constant 4 : i32
    %dma_start3A_57 = arith.constant 4 : i32
    %dma_start3A_58 = arith.constant 0 : i32
    %dma_start3A_59 = arith.constant 0 : i32
    %dma_start3A_60 = tpu.memref_slice %arg9[%dma_start3A_57, %dma_start3A_58, %dma_start3A_59] : memref<6x80x64xf32, #tpu.memory_space<vmem>> -> memref<1x80x64xf32, #tpu.memory_space<vmem>>
    %dma_start3A_61 = tpu.memref_squeeze %dma_start3A_60 : memref<1x80x64xf32, #tpu.memory_space<vmem>> -> memref<80x64xf32, #tpu.memory_space<vmem>>
    %dma_start3A_62 = arith.constant 0 : i32
    %dma_start3A_63 = tpu.memref_slice %arg7[%dma_start3A_56, %dma_start3A_62] : memref<125x80xi32, #tpu.memory_space<vmem>> -> memref<1x80xi32, #tpu.memory_space<vmem>>
    %dma_start3A_64 = tpu.memref_squeeze %dma_start3A_63 : memref<1x80xi32, #tpu.memory_space<vmem>> -> memref<80xi32, #tpu.memory_space<vmem>>
    %dma_start3A_65 = arith.constant 0 : i32
    %dma_start3A_66 = arith.constant 0 : i32
    %dma_start3A_67 = tpu.memref_slice %arg4[%dma_start3A_65, %dma_start3A_66] : memref<10000x64xf32, #tpu.memory_space<hbm>> -> memref<10000x64xf32, #tpu.memory_space<hbm>>
    tpu.enqueue_indirect_dma source(%dma_start3A_67 : memref<10000x64xf32, #tpu.memory_space<hbm>>) target(%dma_start3A_61 : memref<80x64xf32, #tpu.memory_space<vmem>>) offsets(%dma_start3A_64 : memref<80xi32, #tpu.memory_space<vmem>>) semaphore(%arg16 : memref<!tpu.dma_semaphore, #tpu.memory_space<semaphore_mem>>)
    %scan3A = arith.constant 0 : i32
    %scan3A_68 = arith.constant 0 : i32
    %scan3A_69 = arith.constant 125 : i32
    %scan3A_70 = arith.addi %scan3A_68, %scan3A_69 : i32
    %scan3A_71 = arith.constant 1 : i32
    scf.for %scan3A_82 = %scan3A_68 to %scan3A_70 step %scan3A_71  : i32 {
      %rem3A = arith.constant 6 : i32
      %rem3A_83 = arith.remsi %scan3A_82, %rem3A : i32
      %eq3A_84 = arith.constant 0 : i32
      %eq3A_85 = arith.cmpi eq, %rem3A_83, %eq3A_84 : i32
      %convert_element_type3A_86 = arith.extui %eq3A_85 : i1 to i32
      %cond3A_87 = arith.constant 0 : i32
      %cond3A_88 = arith.cmpi ne, %convert_element_type3A_86, %cond3A_87 : i32
      scf.if %cond3A_88 {
        %add3A_124 = arith.constant 6 : i32
        %add3A_125 = arith.addi %scan3A_82, %add3A_124 : i32
        %sub3A = arith.constant 1 : i32
        %sub3A_126 = arith.subi %add3A_125, %sub3A : i32
        %lt3A = arith.constant 125 : i32
        %lt3A_127 = arith.cmpi slt, %sub3A_126, %lt3A : i32
        %convert_element_type3A_128 = arith.extui %lt3A_127 : i1 to i32
        %cond3A_129 = arith.constant 0 : i32
        %cond3A_130 = arith.cmpi ne, %convert_element_type3A_128, %cond3A_129 : i32
        scf.if %cond3A_130 {
          %add3A_141 = arith.constant 6 : i32
          %add3A_142 = arith.addi %scan3A_82, %add3A_141 : i32
          %sub3A_143 = arith.constant 1 : i32
          %sub3A_144 = arith.subi %add3A_142, %sub3A_143 : i32
          %dma_start3A_145 = arith.constant 5 : i32
          %dma_start3A_146 = arith.constant 0 : i32
          %dma_start3A_147 = arith.constant 0 : i32
          %dma_start3A_148 = tpu.memref_slice %arg9[%dma_start3A_145, %dma_start3A_146, %dma_start3A_147] : memref<6x80x64xf32, #tpu.memory_space<vmem>> -> memref<1x80x64xf32, #tpu.memory_space<vmem>>
          %dma_start3A_149 = tpu.memref_squeeze %dma_start3A_148 : memref<1x80x64xf32, #tpu.memory_space<vmem>> -> memref<80x64xf32, #tpu.memory_space<vmem>>
          %dma_start3A_150 = arith.constant 0 : i32
          %dma_start3A_151 = tpu.memref_slice %arg7[%sub3A_144, %dma_start3A_150] : memref<125x80xi32, #tpu.memory_space<vmem>> -> memref<1x80xi32, #tpu.memory_space<vmem>>
          %dma_start3A_152 = tpu.memref_squeeze %dma_start3A_151 : memref<1x80xi32, #tpu.memory_space<vmem>> -> memref<80xi32, #tpu.memory_space<vmem>>
          %dma_start3A_153 = arith.constant 0 : i32
          %dma_start3A_154 = arith.constant 0 : i32
          %dma_start3A_155 = tpu.memref_slice %arg4[%dma_start3A_153, %dma_start3A_154] : memref<10000x64xf32, #tpu.memory_space<hbm>> -> memref<10000x64xf32, #tpu.memory_space<hbm>>
          tpu.enqueue_indirect_dma source(%dma_start3A_155 : memref<10000x64xf32, #tpu.memory_space<hbm>>) target(%dma_start3A_149 : memref<80x64xf32, #tpu.memory_space<vmem>>) offsets(%dma_start3A_152 : memref<80xi32, #tpu.memory_space<vmem>>) semaphore(%arg17 : memref<!tpu.dma_semaphore, #tpu.memory_space<semaphore_mem>>)
        } else {
        }
        %dma_wait3A = arith.constant 0 : i32
        %dma_wait3A_131 = arith.constant 0 : i32
        %dma_wait3A_132 = arith.constant 0 : i32
        %dma_wait3A_133 = tpu.memref_slice %arg9[%dma_wait3A, %dma_wait3A_131, %dma_wait3A_132] : memref<6x80x64xf32, #tpu.memory_space<vmem>> -> memref<1x80x64xf32, #tpu.memory_space<vmem>>
        %dma_wait3A_134 = tpu.memref_squeeze %dma_wait3A_133 : memref<1x80x64xf32, #tpu.memory_space<vmem>> -> memref<80x64xf32, #tpu.memory_space<vmem>>
        %dma_wait3A_135 = arith.constant 0 : i32
        %dma_wait3A_136 = tpu.memref_slice %arg7[%scan3A_82, %dma_wait3A_135] : memref<125x80xi32, #tpu.memory_space<vmem>> -> memref<1x80xi32, #tpu.memory_space<vmem>>
        %dma_wait3A_137 = tpu.memref_squeeze %dma_wait3A_136 : memref<1x80xi32, #tpu.memory_space<vmem>> -> memref<80xi32, #tpu.memory_space<vmem>>
        %dma_wait3A_138 = arith.constant 0 : i32
        %dma_wait3A_139 = arith.constant 0 : i32
        %dma_wait3A_140 = tpu.memref_slice %arg4[%dma_wait3A_138, %dma_wait3A_139] : memref<10000x64xf32, #tpu.memory_space<hbm>> -> memref<10000x64xf32, #tpu.memory_space<hbm>>
        tpu.wait_indirect_dma semaphore(%arg12 : memref<!tpu.dma_semaphore, #tpu.memory_space<semaphore_mem>>) src(%dma_wait3A_140 : memref<10000x64xf32, #tpu.memory_space<hbm>>) dst(%dma_wait3A_134 : memref<80x64xf32, #tpu.memory_space<vmem>>)
        %run_scoped3A = arith.constant 0 : i32
        "tpu.region"() ({
          %run_scoped3A_141 = tpu.sem_alloc : memref<!tpu.dma_semaphore, #tpu.memory_space<semaphore_mem>>
          %dma_start3A_142 = arith.constant 0 : i32
          %dma_start3A_143 = arith.constant 0 : i32
          %dma_start3A_144 = tpu.memref_slice %arg9[%run_scoped3A, %dma_start3A_142, %dma_start3A_143] : memref<6x80x64xf32, #tpu.memory_space<vmem>> -> memref<1x80x64xf32, #tpu.memory_space<vmem>>
          %dma_start3A_145 = tpu.memref_squeeze %dma_start3A_144 : memref<1x80x64xf32, #tpu.memory_space<vmem>> -> memref<80x64xf32, #tpu.memory_space<vmem>>
          %dma_start3A_146 = arith.constant 0 : i32
          %dma_start3A_147 = tpu.memref_slice %arg8[%scan3A_82, %dma_start3A_146] : memref<125x80xi32, #tpu.memory_space<vmem>> -> memref<1x80xi32, #tpu.memory_space<vmem>>
          %dma_start3A_148 = tpu.memref_squeeze %dma_start3A_147 : memref<1x80xi32, #tpu.memory_space<vmem>> -> memref<80xi32, #tpu.memory_space<vmem>>
          %dma_start3A_149 = arith.constant 0 : i32
          %dma_start3A_150 = arith.constant 0 : i32
          %dma_start3A_151 = tpu.memref_slice %arg11[%dma_start3A_149, %dma_start3A_150] : memref<10000x64xf32, #tpu.memory_space<vmem_shared>> -> memref<10000x64xf32, #tpu.memory_space<vmem_shared>>
          tpu.enqueue_indirect_dma source(%dma_start3A_145 : memref<80x64xf32, #tpu.memory_space<vmem>>) target(%dma_start3A_151 : memref<10000x64xf32, #tpu.memory_space<vmem_shared>>) offsets(%dma_start3A_148 : memref<80xi32, #tpu.memory_space<vmem>>) semaphore(%run_scoped3A_141 : memref<!tpu.dma_semaphore, #tpu.memory_space<semaphore_mem>>) {add = true}
          %dma_wait3A_152 = arith.constant 0 : i32
          %dma_wait3A_153 = arith.constant 0 : i32
          %dma_wait3A_154 = tpu.memref_slice %arg9[%run_scoped3A, %dma_wait3A_152, %dma_wait3A_153] : memref<6x80x64xf32, #tpu.memory_space<vmem>> -> memref<1x80x64xf32, #tpu.memory_space<vmem>>
          %dma_wait3A_155 = tpu.memref_squeeze %dma_wait3A_154 : memref<1x80x64xf32, #tpu.memory_space<vmem>> -> memref<80x64xf32, #tpu.memory_space<vmem>>
          %dma_wait3A_156 = arith.constant 0 : i32
          %dma_wait3A_157 = tpu.memref_slice %arg8[%scan3A_82, %dma_wait3A_156] : memref<125x80xi32, #tpu.memory_space<vmem>> -> memref<1x80xi32, #tpu.memory_space<vmem>>
          %dma_wait3A_158 = tpu.memref_squeeze %dma_wait3A_157 : memref<1x80xi32, #tpu.memory_space<vmem>> -> memref<80xi32, #tpu.memory_space<vmem>>
          %dma_wait3A_159 = arith.constant 0 : i32
          %dma_wait3A_160 = arith.constant 0 : i32
          %dma_wait3A_161 = tpu.memref_slice %arg11[%dma_wait3A_159, %dma_wait3A_160] : memref<10000x64xf32, #tpu.memory_space<vmem_shared>> -> memref<10000x64xf32, #tpu.memory_space<vmem_shared>>
          tpu.wait_indirect_dma semaphore(%run_scoped3A_141 : memref<!tpu.dma_semaphore, #tpu.memory_space<semaphore_mem>>) src(%dma_wait3A_155 : memref<80x64xf32, #tpu.memory_space<vmem>>) dst(%dma_wait3A_161 : memref<10000x64xf32, #tpu.memory_space<vmem_shared>>)
          tpu.yield
        }) : () -> ()
      } else {
      }
      %rem3A_89 = arith.constant 6 : i32
      %rem3A_90 = arith.remsi %scan3A_82, %rem3A_89 : i32
      %eq3A_91 = arith.constant 1 : i32
      %eq3A_92 = arith.cmpi eq, %rem3A_90, %eq3A_91 : i32
      %convert_element_type3A_93 = arith.extui %eq3A_92 : i1 to i32
      %cond3A_94 = arith.constant 0 : i32
      %cond3A_95 = arith.cmpi ne, %convert_element_type3A_93, %cond3A_94 : i32
      scf.if %cond3A_95 {
        %add3A_124 = arith.constant 6 : i32
        %add3A_125 = arith.addi %scan3A_82, %add3A_124 : i32
        %sub3A = arith.constant 1 : i32
        %sub3A_126 = arith.subi %add3A_125, %sub3A : i32
        %lt3A = arith.constant 125 : i32
        %lt3A_127 = arith.cmpi slt, %sub3A_126, %lt3A : i32
        %convert_element_type3A_128 = arith.extui %lt3A_127 : i1 to i32
        %cond3A_129 = arith.constant 0 : i32
        %cond3A_130 = arith.cmpi ne, %convert_element_type3A_128, %cond3A_129 : i32
        scf.if %cond3A_130 {
          %add3A_141 = arith.constant 6 : i32
          %add3A_142 = arith.addi %scan3A_82, %add3A_141 : i32
          %sub3A_143 = arith.constant 1 : i32
          %sub3A_144 = arith.subi %add3A_142, %sub3A_143 : i32
          %dma_start3A_145 = arith.constant 0 : i32
          %dma_start3A_146 = arith.constant 0 : i32
          %dma_start3A_147 = arith.constant 0 : i32
          %dma_start3A_148 = tpu.memref_slice %arg9[%dma_start3A_145, %dma_start3A_146, %dma_start3A_147] : memref<6x80x64xf32, #tpu.memory_space<vmem>> -> memref<1x80x64xf32, #tpu.memory_space<vmem>>
          %dma_start3A_149 = tpu.memref_squeeze %dma_start3A_148 : memref<1x80x64xf32, #tpu.memory_space<vmem>> -> memref<80x64xf32, #tpu.memory_space<vmem>>
          %dma_start3A_150 = arith.constant 0 : i32
          %dma_start3A_151 = tpu.memref_slice %arg7[%sub3A_144, %dma_start3A_150] : memref<125x80xi32, #tpu.memory_space<vmem>> -> memref<1x80xi32, #tpu.memory_space<vmem>>
          %dma_start3A_152 = tpu.memref_squeeze %dma_start3A_151 : memref<1x80xi32, #tpu.memory_space<vmem>> -> memref<80xi32, #tpu.memory_space<vmem>>
          %dma_start3A_153 = arith.constant 0 : i32
          %dma_start3A_154 = arith.constant 0 : i32
          %dma_start3A_155 = tpu.memref_slice %arg4[%dma_start3A_153, %dma_start3A_154] : memref<10000x64xf32, #tpu.memory_space<hbm>> -> memref<10000x64xf32, #tpu.memory_space<hbm>>
          tpu.enqueue_indirect_dma source(%dma_start3A_155 : memref<10000x64xf32, #tpu.memory_space<hbm>>) target(%dma_start3A_149 : memref<80x64xf32, #tpu.memory_space<vmem>>) offsets(%dma_start3A_152 : memref<80xi32, #tpu.memory_space<vmem>>) semaphore(%arg12 : memref<!tpu.dma_semaphore, #tpu.memory_space<semaphore_mem>>)
        } else {
        }
        %dma_wait3A = arith.constant 1 : i32
        %dma_wait3A_131 = arith.constant 0 : i32
        %dma_wait3A_132 = arith.constant 0 : i32
        %dma_wait3A_133 = tpu.memref_slice %arg9[%dma_wait3A, %dma_wait3A_131, %dma_wait3A_132] : memref<6x80x64xf32, #tpu.memory_space<vmem>> -> memref<1x80x64xf32, #tpu.memory_space<vmem>>
        %dma_wait3A_134 = tpu.memref_squeeze %dma_wait3A_133 : memref<1x80x64xf32, #tpu.memory_space<vmem>> -> memref<80x64xf32, #tpu.memory_space<vmem>>
        %dma_wait3A_135 = arith.constant 0 : i32
        %dma_wait3A_136 = tpu.memref_slice %arg7[%scan3A_82, %dma_wait3A_135] : memref<125x80xi32, #tpu.memory_space<vmem>> -> memref<1x80xi32, #tpu.memory_space<vmem>>
        %dma_wait3A_137 = tpu.memref_squeeze %dma_wait3A_136 : memref<1x80xi32, #tpu.memory_space<vmem>> -> memref<80xi32, #tpu.memory_space<vmem>>
        %dma_wait3A_138 = arith.constant 0 : i32
        %dma_wait3A_139 = arith.constant 0 : i32
        %dma_wait3A_140 = tpu.memref_slice %arg4[%dma_wait3A_138, %dma_wait3A_139] : memref<10000x64xf32, #tpu.memory_space<hbm>> -> memref<10000x64xf32, #tpu.memory_space<hbm>>
        tpu.wait_indirect_dma semaphore(%arg13 : memref<!tpu.dma_semaphore, #tpu.memory_space<semaphore_mem>>) src(%dma_wait3A_140 : memref<10000x64xf32, #tpu.memory_space<hbm>>) dst(%dma_wait3A_134 : memref<80x64xf32, #tpu.memory_space<vmem>>)
        %run_scoped3A = arith.constant 1 : i32
        "tpu.region"() ({
          %run_scoped3A_141 = tpu.sem_alloc : memref<!tpu.dma_semaphore, #tpu.memory_space<semaphore_mem>>
          %dma_start3A_142 = arith.constant 0 : i32
          %dma_start3A_143 = arith.constant 0 : i32
          %dma_start3A_144 = tpu.memref_slice %arg9[%run_scoped3A, %dma_start3A_142, %dma_start3A_143] : memref<6x80x64xf32, #tpu.memory_space<vmem>> -> memref<1x80x64xf32, #tpu.memory_space<vmem>>
          %dma_start3A_145 = tpu.memref_squeeze %dma_start3A_144 : memref<1x80x64xf32, #tpu.memory_space<vmem>> -> memref<80x64xf32, #tpu.memory_space<vmem>>
          %dma_start3A_146 = arith.constant 0 : i32
          %dma_start3A_147 = tpu.memref_slice %arg8[%scan3A_82, %dma_start3A_146] : memref<125x80xi32, #tpu.memory_space<vmem>> -> memref<1x80xi32, #tpu.memory_space<vmem>>
          %dma_start3A_148 = tpu.memref_squeeze %dma_start3A_147 : memref<1x80xi32, #tpu.memory_space<vmem>> -> memref<80xi32, #tpu.memory_space<vmem>>
          %dma_start3A_149 = arith.constant 0 : i32
          %dma_start3A_150 = arith.constant 0 : i32
          %dma_start3A_151 = tpu.memref_slice %arg11[%dma_start3A_149, %dma_start3A_150] : memref<10000x64xf32, #tpu.memory_space<vmem_shared>> -> memref<10000x64xf32, #tpu.memory_space<vmem_shared>>
          tpu.enqueue_indirect_dma source(%dma_start3A_145 : memref<80x64xf32, #tpu.memory_space<vmem>>) target(%dma_start3A_151 : memref<10000x64xf32, #tpu.memory_space<vmem_shared>>) offsets(%dma_start3A_148 : memref<80xi32, #tpu.memory_space<vmem>>) semaphore(%run_scoped3A_141 : memref<!tpu.dma_semaphore, #tpu.memory_space<semaphore_mem>>) {add = true}
          %dma_wait3A_152 = arith.constant 0 : i32
          %dma_wait3A_153 = arith.constant 0 : i32
          %dma_wait3A_154 = tpu.memref_slice %arg9[%run_scoped3A, %dma_wait3A_152, %dma_wait3A_153] : memref<6x80x64xf32, #tpu.memory_space<vmem>> -> memref<1x80x64xf32, #tpu.memory_space<vmem>>
          %dma_wait3A_155 = tpu.memref_squeeze %dma_wait3A_154 : memref<1x80x64xf32, #tpu.memory_space<vmem>> -> memref<80x64xf32, #tpu.memory_space<vmem>>
          %dma_wait3A_156 = arith.constant 0 : i32
          %dma_wait3A_157 = tpu.memref_slice %arg8[%scan3A_82, %dma_wait3A_156] : memref<125x80xi32, #tpu.memory_space<vmem>> -> memref<1x80xi32, #tpu.memory_space<vmem>>
          %dma_wait3A_158 = tpu.memref_squeeze %dma_wait3A_157 : memref<1x80xi32, #tpu.memory_space<vmem>> -> memref<80xi32, #tpu.memory_space<vmem>>
          %dma_wait3A_159 = arith.constant 0 : i32
          %dma_wait3A_160 = arith.constant 0 : i32
          %dma_wait3A_161 = tpu.memref_slice %arg11[%dma_wait3A_159, %dma_wait3A_160] : memref<10000x64xf32, #tpu.memory_space<vmem_shared>> -> memref<10000x64xf32, #tpu.memory_space<vmem_shared>>
          tpu.wait_indirect_dma semaphore(%run_scoped3A_141 : memref<!tpu.dma_semaphore, #tpu.memory_space<semaphore_mem>>) src(%dma_wait3A_155 : memref<80x64xf32, #tpu.memory_space<vmem>>) dst(%dma_wait3A_161 : memref<10000x64xf32, #tpu.memory_space<vmem_shared>>)
          tpu.yield
        }) : () -> ()
      } else {
      }
      %rem3A_96 = arith.constant 6 : i32
      %rem3A_97 = arith.remsi %scan3A_82, %rem3A_96 : i32
      %eq3A_98 = arith.constant 2 : i32
      %eq3A_99 = arith.cmpi eq, %rem3A_97, %eq3A_98 : i32
      %convert_element_type3A_100 = arith.extui %eq3A_99 : i1 to i32
      %cond3A_101 = arith.constant 0 : i32
      %cond3A_102 = arith.cmpi ne, %convert_element_type3A_100, %cond3A_101 : i32
      scf.if %cond3A_102 {
        %add3A_124 = arith.constant 6 : i32
        %add3A_125 = arith.addi %scan3A_82, %add3A_124 : i32
        %sub3A = arith.constant 1 : i32
        %sub3A_126 = arith.subi %add3A_125, %sub3A : i32
        %lt3A = arith.constant 125 : i32
        %lt3A_127 = arith.cmpi slt, %sub3A_126, %lt3A : i32
        %convert_element_type3A_128 = arith.extui %lt3A_127 : i1 to i32
        %cond3A_129 = arith.constant 0 : i32
        %cond3A_130 = arith.cmpi ne, %convert_element_type3A_128, %cond3A_129 : i32
        scf.if %cond3A_130 {
          %add3A_141 = arith.constant 6 : i32
          %add3A_142 = arith.addi %scan3A_82, %add3A_141 : i32
          %sub3A_143 = arith.constant 1 : i32
          %sub3A_144 = arith.subi %add3A_142, %sub3A_143 : i32
          %dma_start3A_145 = arith.constant 1 : i32
          %dma_start3A_146 = arith.constant 0 : i32
          %dma_start3A_147 = arith.constant 0 : i32
          %dma_start3A_148 = tpu.memref_slice %arg9[%dma_start3A_145, %dma_start3A_146, %dma_start3A_147] : memref<6x80x64xf32, #tpu.memory_space<vmem>> -> memref<1x80x64xf32, #tpu.memory_space<vmem>>
          %dma_start3A_149 = tpu.memref_squeeze %dma_start3A_148 : memref<1x80x64xf32, #tpu.memory_space<vmem>> -> memref<80x64xf32, #tpu.memory_space<vmem>>
          %dma_start3A_150 = arith.constant 0 : i32
          %dma_start3A_151 = tpu.memref_slice %arg7[%sub3A_144, %dma_start3A_150] : memref<125x80xi32, #tpu.memory_space<vmem>> -> memref<1x80xi32, #tpu.memory_space<vmem>>
          %dma_start3A_152 = tpu.memref_squeeze %dma_start3A_151 : memref<1x80xi32, #tpu.memory_space<vmem>> -> memref<80xi32, #tpu.memory_space<vmem>>
          %dma_start3A_153 = arith.constant 0 : i32
          %dma_start3A_154 = arith.constant 0 : i32
          %dma_start3A_155 = tpu.memref_slice %arg4[%dma_start3A_153, %dma_start3A_154] : memref<10000x64xf32, #tpu.memory_space<hbm>> -> memref<10000x64xf32, #tpu.memory_space<hbm>>
          tpu.enqueue_indirect_dma source(%dma_start3A_155 : memref<10000x64xf32, #tpu.memory_space<hbm>>) target(%dma_start3A_149 : memref<80x64xf32, #tpu.memory_space<vmem>>) offsets(%dma_start3A_152 : memref<80xi32, #tpu.memory_space<vmem>>) semaphore(%arg13 : memref<!tpu.dma_semaphore, #tpu.memory_space<semaphore_mem>>)
        } else {
        }
        %dma_wait3A = arith.constant 2 : i32
        %dma_wait3A_131 = arith.constant 0 : i32
        %dma_wait3A_132 = arith.constant 0 : i32
        %dma_wait3A_133 = tpu.memref_slice %arg9[%dma_wait3A, %dma_wait3A_131, %dma_wait3A_132] : memref<6x80x64xf32, #tpu.memory_space<vmem>> -> memref<1x80x64xf32, #tpu.memory_space<vmem>>
        %dma_wait3A_134 = tpu.memref_squeeze %dma_wait3A_133 : memref<1x80x64xf32, #tpu.memory_space<vmem>> -> memref<80x64xf32, #tpu.memory_space<vmem>>
        %dma_wait3A_135 = arith.constant 0 : i32
        %dma_wait3A_136 = tpu.memref_slice %arg7[%scan3A_82, %dma_wait3A_135] : memref<125x80xi32, #tpu.memory_space<vmem>> -> memref<1x80xi32, #tpu.memory_space<vmem>>
        %dma_wait3A_137 = tpu.memref_squeeze %dma_wait3A_136 : memref<1x80xi32, #tpu.memory_space<vmem>> -> memref<80xi32, #tpu.memory_space<vmem>>
        %dma_wait3A_138 = arith.constant 0 : i32
        %dma_wait3A_139 = arith.constant 0 : i32
        %dma_wait3A_140 = tpu.memref_slice %arg4[%dma_wait3A_138, %dma_wait3A_139] : memref<10000x64xf32, #tpu.memory_space<hbm>> -> memref<10000x64xf32, #tpu.memory_space<hbm>>
        tpu.wait_indirect_dma semaphore(%arg14 : memref<!tpu.dma_semaphore, #tpu.memory_space<semaphore_mem>>) src(%dma_wait3A_140 : memref<10000x64xf32, #tpu.memory_space<hbm>>) dst(%dma_wait3A_134 : memref<80x64xf32, #tpu.memory_space<vmem>>)
        %run_scoped3A = arith.constant 2 : i32
        "tpu.region"() ({
          %run_scoped3A_141 = tpu.sem_alloc : memref<!tpu.dma_semaphore, #tpu.memory_space<semaphore_mem>>
          %dma_start3A_142 = arith.constant 0 : i32
          %dma_start3A_143 = arith.constant 0 : i32
          %dma_start3A_144 = tpu.memref_slice %arg9[%run_scoped3A, %dma_start3A_142, %dma_start3A_143] : memref<6x80x64xf32, #tpu.memory_space<vmem>> -> memref<1x80x64xf32, #tpu.memory_space<vmem>>
          %dma_start3A_145 = tpu.memref_squeeze %dma_start3A_144 : memref<1x80x64xf32, #tpu.memory_space<vmem>> -> memref<80x64xf32, #tpu.memory_space<vmem>>
          %dma_start3A_146 = arith.constant 0 : i32
          %dma_start3A_147 = tpu.memref_slice %arg8[%scan3A_82, %dma_start3A_146] : memref<125x80xi32, #tpu.memory_space<vmem>> -> memref<1x80xi32, #tpu.memory_space<vmem>>
          %dma_start3A_148 = tpu.memref_squeeze %dma_start3A_147 : memref<1x80xi32, #tpu.memory_space<vmem>> -> memref<80xi32, #tpu.memory_space<vmem>>
          %dma_start3A_149 = arith.constant 0 : i32
          %dma_start3A_150 = arith.constant 0 : i32
          %dma_start3A_151 = tpu.memref_slice %arg11[%dma_start3A_149, %dma_start3A_150] : memref<10000x64xf32, #tpu.memory_space<vmem_shared>> -> memref<10000x64xf32, #tpu.memory_space<vmem_shared>>
          tpu.enqueue_indirect_dma source(%dma_start3A_145 : memref<80x64xf32, #tpu.memory_space<vmem>>) target(%dma_start3A_151 : memref<10000x64xf32, #tpu.memory_space<vmem_shared>>) offsets(%dma_start3A_148 : memref<80xi32, #tpu.memory_space<vmem>>) semaphore(%run_scoped3A_141 : memref<!tpu.dma_semaphore, #tpu.memory_space<semaphore_mem>>) {add = true}
          %dma_wait3A_152 = arith.constant 0 : i32
          %dma_wait3A_153 = arith.constant 0 : i32
          %dma_wait3A_154 = tpu.memref_slice %arg9[%run_scoped3A, %dma_wait3A_152, %dma_wait3A_153] : memref<6x80x64xf32, #tpu.memory_space<vmem>> -> memref<1x80x64xf32, #tpu.memory_space<vmem>>
          %dma_wait3A_155 = tpu.memref_squeeze %dma_wait3A_154 : memref<1x80x64xf32, #tpu.memory_space<vmem>> -> memref<80x64xf32, #tpu.memory_space<vmem>>
          %dma_wait3A_156 = arith.constant 0 : i32
          %dma_wait3A_157 = tpu.memref_slice %arg8[%scan3A_82, %dma_wait3A_156] : memref<125x80xi32, #tpu.memory_space<vmem>> -> memref<1x80xi32, #tpu.memory_space<vmem>>
          %dma_wait3A_158 = tpu.memref_squeeze %dma_wait3A_157 : memref<1x80xi32, #tpu.memory_space<vmem>> -> memref<80xi32, #tpu.memory_space<vmem>>
          %dma_wait3A_159 = arith.constant 0 : i32
          %dma_wait3A_160 = arith.constant 0 : i32
          %dma_wait3A_161 = tpu.memref_slice %arg11[%dma_wait3A_159, %dma_wait3A_160] : memref<10000x64xf32, #tpu.memory_space<vmem_shared>> -> memref<10000x64xf32, #tpu.memory_space<vmem_shared>>
          tpu.wait_indirect_dma semaphore(%run_scoped3A_141 : memref<!tpu.dma_semaphore, #tpu.memory_space<semaphore_mem>>) src(%dma_wait3A_155 : memref<80x64xf32, #tpu.memory_space<vmem>>) dst(%dma_wait3A_161 : memref<10000x64xf32, #tpu.memory_space<vmem_shared>>)
          tpu.yield
        }) : () -> ()
      } else {
      }
      %rem3A_103 = arith.constant 6 : i32
      %rem3A_104 = arith.remsi %scan3A_82, %rem3A_103 : i32
      %eq3A_105 = arith.constant 3 : i32
      %eq3A_106 = arith.cmpi eq, %rem3A_104, %eq3A_105 : i32
      %convert_element_type3A_107 = arith.extui %eq3A_106 : i1 to i32
      %cond3A_108 = arith.constant 0 : i32
      %cond3A_109 = arith.cmpi ne, %convert_element_type3A_107, %cond3A_108 : i32
      scf.if %cond3A_109 {
        %add3A_124 = arith.constant 6 : i32
        %add3A_125 = arith.addi %scan3A_82, %add3A_124 : i32
        %sub3A = arith.constant 1 : i32
        %sub3A_126 = arith.subi %add3A_125, %sub3A : i32
        %lt3A = arith.constant 125 : i32
        %lt3A_127 = arith.cmpi slt, %sub3A_126, %lt3A : i32
        %convert_element_type3A_128 = arith.extui %lt3A_127 : i1 to i32
        %cond3A_129 = arith.constant 0 : i32
        %cond3A_130 = arith.cmpi ne, %convert_element_type3A_128, %cond3A_129 : i32
        scf.if %cond3A_130 {
          %add3A_141 = arith.constant 6 : i32
          %add3A_142 = arith.addi %scan3A_82, %add3A_141 : i32
          %sub3A_143 = arith.constant 1 : i32
          %sub3A_144 = arith.subi %add3A_142, %sub3A_143 : i32
          %dma_start3A_145 = arith.constant 2 : i32
          %dma_start3A_146 = arith.constant 0 : i32
          %dma_start3A_147 = arith.constant 0 : i32
          %dma_start3A_148 = tpu.memref_slice %arg9[%dma_start3A_145, %dma_start3A_146, %dma_start3A_147] : memref<6x80x64xf32, #tpu.memory_space<vmem>> -> memref<1x80x64xf32, #tpu.memory_space<vmem>>
          %dma_start3A_149 = tpu.memref_squeeze %dma_start3A_148 : memref<1x80x64xf32, #tpu.memory_space<vmem>> -> memref<80x64xf32, #tpu.memory_space<vmem>>
          %dma_start3A_150 = arith.constant 0 : i32
          %dma_start3A_151 = tpu.memref_slice %arg7[%sub3A_144, %dma_start3A_150] : memref<125x80xi32, #tpu.memory_space<vmem>> -> memref<1x80xi32, #tpu.memory_space<vmem>>
          %dma_start3A_152 = tpu.memref_squeeze %dma_start3A_151 : memref<1x80xi32, #tpu.memory_space<vmem>> -> memref<80xi32, #tpu.memory_space<vmem>>
          %dma_start3A_153 = arith.constant 0 : i32
          %dma_start3A_154 = arith.constant 0 : i32
          %dma_start3A_155 = tpu.memref_slice %arg4[%dma_start3A_153, %dma_start3A_154] : memref<10000x64xf32, #tpu.memory_space<hbm>> -> memref<10000x64xf32, #tpu.memory_space<hbm>>
          tpu.enqueue_indirect_dma source(%dma_start3A_155 : memref<10000x64xf32, #tpu.memory_space<hbm>>) target(%dma_start3A_149 : memref<80x64xf32, #tpu.memory_space<vmem>>) offsets(%dma_start3A_152 : memref<80xi32, #tpu.memory_space<vmem>>) semaphore(%arg14 : memref<!tpu.dma_semaphore, #tpu.memory_space<semaphore_mem>>)
        } else {
        }
        %dma_wait3A = arith.constant 3 : i32
        %dma_wait3A_131 = arith.constant 0 : i32
        %dma_wait3A_132 = arith.constant 0 : i32
        %dma_wait3A_133 = tpu.memref_slice %arg9[%dma_wait3A, %dma_wait3A_131, %dma_wait3A_132] : memref<6x80x64xf32, #tpu.memory_space<vmem>> -> memref<1x80x64xf32, #tpu.memory_space<vmem>>
        %dma_wait3A_134 = tpu.memref_squeeze %dma_wait3A_133 : memref<1x80x64xf32, #tpu.memory_space<vmem>> -> memref<80x64xf32, #tpu.memory_space<vmem>>
        %dma_wait3A_135 = arith.constant 0 : i32
        %dma_wait3A_136 = tpu.memref_slice %arg7[%scan3A_82, %dma_wait3A_135] : memref<125x80xi32, #tpu.memory_space<vmem>> -> memref<1x80xi32, #tpu.memory_space<vmem>>
        %dma_wait3A_137 = tpu.memref_squeeze %dma_wait3A_136 : memref<1x80xi32, #tpu.memory_space<vmem>> -> memref<80xi32, #tpu.memory_space<vmem>>
        %dma_wait3A_138 = arith.constant 0 : i32
        %dma_wait3A_139 = arith.constant 0 : i32
        %dma_wait3A_140 = tpu.memref_slice %arg4[%dma_wait3A_138, %dma_wait3A_139] : memref<10000x64xf32, #tpu.memory_space<hbm>> -> memref<10000x64xf32, #tpu.memory_space<hbm>>
        tpu.wait_indirect_dma semaphore(%arg15 : memref<!tpu.dma_semaphore, #tpu.memory_space<semaphore_mem>>) src(%dma_wait3A_140 : memref<10000x64xf32, #tpu.memory_space<hbm>>) dst(%dma_wait3A_134 : memref<80x64xf32, #tpu.memory_space<vmem>>)
        %run_scoped3A = arith.constant 3 : i32
        "tpu.region"() ({
          %run_scoped3A_141 = tpu.sem_alloc : memref<!tpu.dma_semaphore, #tpu.memory_space<semaphore_mem>>
          %dma_start3A_142 = arith.constant 0 : i32
          %dma_start3A_143 = arith.constant 0 : i32
          %dma_start3A_144 = tpu.memref_slice %arg9[%run_scoped3A, %dma_start3A_142, %dma_start3A_143] : memref<6x80x64xf32, #tpu.memory_space<vmem>> -> memref<1x80x64xf32, #tpu.memory_space<vmem>>
          %dma_start3A_145 = tpu.memref_squeeze %dma_start3A_144 : memref<1x80x64xf32, #tpu.memory_space<vmem>> -> memref<80x64xf32, #tpu.memory_space<vmem>>
          %dma_start3A_146 = arith.constant 0 : i32
          %dma_start3A_147 = tpu.memref_slice %arg8[%scan3A_82, %dma_start3A_146] : memref<125x80xi32, #tpu.memory_space<vmem>> -> memref<1x80xi32, #tpu.memory_space<vmem>>
          %dma_start3A_148 = tpu.memref_squeeze %dma_start3A_147 : memref<1x80xi32, #tpu.memory_space<vmem>> -> memref<80xi32, #tpu.memory_space<vmem>>
          %dma_start3A_149 = arith.constant 0 : i32
          %dma_start3A_150 = arith.constant 0 : i32
          %dma_start3A_151 = tpu.memref_slice %arg11[%dma_start3A_149, %dma_start3A_150] : memref<10000x64xf32, #tpu.memory_space<vmem_shared>> -> memref<10000x64xf32, #tpu.memory_space<vmem_shared>>
          tpu.enqueue_indirect_dma source(%dma_start3A_145 : memref<80x64xf32, #tpu.memory_space<vmem>>) target(%dma_start3A_151 : memref<10000x64xf32, #tpu.memory_space<vmem_shared>>) offsets(%dma_start3A_148 : memref<80xi32, #tpu.memory_space<vmem>>) semaphore(%run_scoped3A_141 : memref<!tpu.dma_semaphore, #tpu.memory_space<semaphore_mem>>) {add = true}
          %dma_wait3A_152 = arith.constant 0 : i32
          %dma_wait3A_153 = arith.constant 0 : i32
          %dma_wait3A_154 = tpu.memref_slice %arg9[%run_scoped3A, %dma_wait3A_152, %dma_wait3A_153] : memref<6x80x64xf32, #tpu.memory_space<vmem>> -> memref<1x80x64xf32, #tpu.memory_space<vmem>>
          %dma_wait3A_155 = tpu.memref_squeeze %dma_wait3A_154 : memref<1x80x64xf32, #tpu.memory_space<vmem>> -> memref<80x64xf32, #tpu.memory_space<vmem>>
          %dma_wait3A_156 = arith.constant 0 : i32
          %dma_wait3A_157 = tpu.memref_slice %arg8[%scan3A_82, %dma_wait3A_156] : memref<125x80xi32, #tpu.memory_space<vmem>> -> memref<1x80xi32, #tpu.memory_space<vmem>>
          %dma_wait3A_158 = tpu.memref_squeeze %dma_wait3A_157 : memref<1x80xi32, #tpu.memory_space<vmem>> -> memref<80xi32, #tpu.memory_space<vmem>>
          %dma_wait3A_159 = arith.constant 0 : i32
          %dma_wait3A_160 = arith.constant 0 : i32
          %dma_wait3A_161 = tpu.memref_slice %arg11[%dma_wait3A_159, %dma_wait3A_160] : memref<10000x64xf32, #tpu.memory_space<vmem_shared>> -> memref<10000x64xf32, #tpu.memory_space<vmem_shared>>
          tpu.wait_indirect_dma semaphore(%run_scoped3A_141 : memref<!tpu.dma_semaphore, #tpu.memory_space<semaphore_mem>>) src(%dma_wait3A_155 : memref<80x64xf32, #tpu.memory_space<vmem>>) dst(%dma_wait3A_161 : memref<10000x64xf32, #tpu.memory_space<vmem_shared>>)
          tpu.yield
        }) : () -> ()
      } else {
      }
      %rem3A_110 = arith.constant 6 : i32
      %rem3A_111 = arith.remsi %scan3A_82, %rem3A_110 : i32
      %eq3A_112 = arith.constant 4 : i32
      %eq3A_113 = arith.cmpi eq, %rem3A_111, %eq3A_112 : i32
      %convert_element_type3A_114 = arith.extui %eq3A_113 : i1 to i32
      %cond3A_115 = arith.constant 0 : i32
      %cond3A_116 = arith.cmpi ne, %convert_element_type3A_114, %cond3A_115 : i32
      scf.if %cond3A_116 {
        %add3A_124 = arith.constant 6 : i32
        %add3A_125 = arith.addi %scan3A_82, %add3A_124 : i32
        %sub3A = arith.constant 1 : i32
        %sub3A_126 = arith.subi %add3A_125, %sub3A : i32
        %lt3A = arith.constant 125 : i32
        %lt3A_127 = arith.cmpi slt, %sub3A_126, %lt3A : i32
        %convert_element_type3A_128 = arith.extui %lt3A_127 : i1 to i32
        %cond3A_129 = arith.constant 0 : i32
        %cond3A_130 = arith.cmpi ne, %convert_element_type3A_128, %cond3A_129 : i32
        scf.if %cond3A_130 {
          %add3A_141 = arith.constant 6 : i32
          %add3A_142 = arith.addi %scan3A_82, %add3A_141 : i32
          %sub3A_143 = arith.constant 1 : i32
          %sub3A_144 = arith.subi %add3A_142, %sub3A_143 : i32
          %dma_start3A_145 = arith.constant 3 : i32
          %dma_start3A_146 = arith.constant 0 : i32
          %dma_start3A_147 = arith.constant 0 : i32
          %dma_start3A_148 = tpu.memref_slice %arg9[%dma_start3A_145, %dma_start3A_146, %dma_start3A_147] : memref<6x80x64xf32, #tpu.memory_space<vmem>> -> memref<1x80x64xf32, #tpu.memory_space<vmem>>
          %dma_start3A_149 = tpu.memref_squeeze %dma_start3A_148 : memref<1x80x64xf32, #tpu.memory_space<vmem>> -> memref<80x64xf32, #tpu.memory_space<vmem>>
          %dma_start3A_150 = arith.constant 0 : i32
          %dma_start3A_151 = tpu.memref_slice %arg7[%sub3A_144, %dma_start3A_150] : memref<125x80xi32, #tpu.memory_space<vmem>> -> memref<1x80xi32, #tpu.memory_space<vmem>>
          %dma_start3A_152 = tpu.memref_squeeze %dma_start3A_151 : memref<1x80xi32, #tpu.memory_space<vmem>> -> memref<80xi32, #tpu.memory_space<vmem>>
          %dma_start3A_153 = arith.constant 0 : i32
          %dma_start3A_154 = arith.constant 0 : i32
          %dma_start3A_155 = tpu.memref_slice %arg4[%dma_start3A_153, %dma_start3A_154] : memref<10000x64xf32, #tpu.memory_space<hbm>> -> memref<10000x64xf32, #tpu.memory_space<hbm>>
          tpu.enqueue_indirect_dma source(%dma_start3A_155 : memref<10000x64xf32, #tpu.memory_space<hbm>>) target(%dma_start3A_149 : memref<80x64xf32, #tpu.memory_space<vmem>>) offsets(%dma_start3A_152 : memref<80xi32, #tpu.memory_space<vmem>>) semaphore(%arg15 : memref<!tpu.dma_semaphore, #tpu.memory_space<semaphore_mem>>)
        } else {
        }
        %dma_wait3A = arith.constant 4 : i32
        %dma_wait3A_131 = arith.constant 0 : i32
        %dma_wait3A_132 = arith.constant 0 : i32
        %dma_wait3A_133 = tpu.memref_slice %arg9[%dma_wait3A, %dma_wait3A_131, %dma_wait3A_132] : memref<6x80x64xf32, #tpu.memory_space<vmem>> -> memref<1x80x64xf32, #tpu.memory_space<vmem>>
        %dma_wait3A_134 = tpu.memref_squeeze %dma_wait3A_133 : memref<1x80x64xf32, #tpu.memory_space<vmem>> -> memref<80x64xf32, #tpu.memory_space<vmem>>
        %dma_wait3A_135 = arith.constant 0 : i32
        %dma_wait3A_136 = tpu.memref_slice %arg7[%scan3A_82, %dma_wait3A_135] : memref<125x80xi32, #tpu.memory_space<vmem>> -> memref<1x80xi32, #tpu.memory_space<vmem>>
        %dma_wait3A_137 = tpu.memref_squeeze %dma_wait3A_136 : memref<1x80xi32, #tpu.memory_space<vmem>> -> memref<80xi32, #tpu.memory_space<vmem>>
        %dma_wait3A_138 = arith.constant 0 : i32
        %dma_wait3A_139 = arith.constant 0 : i32
        %dma_wait3A_140 = tpu.memref_slice %arg4[%dma_wait3A_138, %dma_wait3A_139] : memref<10000x64xf32, #tpu.memory_space<hbm>> -> memref<10000x64xf32, #tpu.memory_space<hbm>>
        tpu.wait_indirect_dma semaphore(%arg16 : memref<!tpu.dma_semaphore, #tpu.memory_space<semaphore_mem>>) src(%dma_wait3A_140 : memref<10000x64xf32, #tpu.memory_space<hbm>>) dst(%dma_wait3A_134 : memref<80x64xf32, #tpu.memory_space<vmem>>)
        %run_scoped3A = arith.constant 4 : i32
        "tpu.region"() ({
          %run_scoped3A_141 = tpu.sem_alloc : memref<!tpu.dma_semaphore, #tpu.memory_space<semaphore_mem>>
          %dma_start3A_142 = arith.constant 0 : i32
          %dma_start3A_143 = arith.constant 0 : i32
          %dma_start3A_144 = tpu.memref_slice %arg9[%run_scoped3A, %dma_start3A_142, %dma_start3A_143] : memref<6x80x64xf32, #tpu.memory_space<vmem>> -> memref<1x80x64xf32, #tpu.memory_space<vmem>>
          %dma_start3A_145 = tpu.memref_squeeze %dma_start3A_144 : memref<1x80x64xf32, #tpu.memory_space<vmem>> -> memref<80x64xf32, #tpu.memory_space<vmem>>
          %dma_start3A_146 = arith.constant 0 : i32
          %dma_start3A_147 = tpu.memref_slice %arg8[%scan3A_82, %dma_start3A_146] : memref<125x80xi32, #tpu.memory_space<vmem>> -> memref<1x80xi32, #tpu.memory_space<vmem>>
          %dma_start3A_148 = tpu.memref_squeeze %dma_start3A_147 : memref<1x80xi32, #tpu.memory_space<vmem>> -> memref<80xi32, #tpu.memory_space<vmem>>
          %dma_start3A_149 = arith.constant 0 : i32
          %dma_start3A_150 = arith.constant 0 : i32
          %dma_start3A_151 = tpu.memref_slice %arg11[%dma_start3A_149, %dma_start3A_150] : memref<10000x64xf32, #tpu.memory_space<vmem_shared>> -> memref<10000x64xf32, #tpu.memory_space<vmem_shared>>
          tpu.enqueue_indirect_dma source(%dma_start3A_145 : memref<80x64xf32, #tpu.memory_space<vmem>>) target(%dma_start3A_151 : memref<10000x64xf32, #tpu.memory_space<vmem_shared>>) offsets(%dma_start3A_148 : memref<80xi32, #tpu.memory_space<vmem>>) semaphore(%run_scoped3A_141 : memref<!tpu.dma_semaphore, #tpu.memory_space<semaphore_mem>>) {add = true}
          %dma_wait3A_152 = arith.constant 0 : i32
          %dma_wait3A_153 = arith.constant 0 : i32
          %dma_wait3A_154 = tpu.memref_slice %arg9[%run_scoped3A, %dma_wait3A_152, %dma_wait3A_153] : memref<6x80x64xf32, #tpu.memory_space<vmem>> -> memref<1x80x64xf32, #tpu.memory_space<vmem>>
          %dma_wait3A_155 = tpu.memref_squeeze %dma_wait3A_154 : memref<1x80x64xf32, #tpu.memory_space<vmem>> -> memref<80x64xf32, #tpu.memory_space<vmem>>
          %dma_wait3A_156 = arith.constant 0 : i32
          %dma_wait3A_157 = tpu.memref_slice %arg8[%scan3A_82, %dma_wait3A_156] : memref<125x80xi32, #tpu.memory_space<vmem>> -> memref<1x80xi32, #tpu.memory_space<vmem>>
          %dma_wait3A_158 = tpu.memref_squeeze %dma_wait3A_157 : memref<1x80xi32, #tpu.memory_space<vmem>> -> memref<80xi32, #tpu.memory_space<vmem>>
          %dma_wait3A_159 = arith.constant 0 : i32
          %dma_wait3A_160 = arith.constant 0 : i32
          %dma_wait3A_161 = tpu.memref_slice %arg11[%dma_wait3A_159, %dma_wait3A_160] : memref<10000x64xf32, #tpu.memory_space<vmem_shared>> -> memref<10000x64xf32, #tpu.memory_space<vmem_shared>>
          tpu.wait_indirect_dma semaphore(%run_scoped3A_141 : memref<!tpu.dma_semaphore, #tpu.memory_space<semaphore_mem>>) src(%dma_wait3A_155 : memref<80x64xf32, #tpu.memory_space<vmem>>) dst(%dma_wait3A_161 : memref<10000x64xf32, #tpu.memory_space<vmem_shared>>)
          tpu.yield
        }) : () -> ()
      } else {
      }
      %rem3A_117 = arith.constant 6 : i32
      %rem3A_118 = arith.remsi %scan3A_82, %rem3A_117 : i32
      %eq3A_119 = arith.constant 5 : i32
      %eq3A_120 = arith.cmpi eq, %rem3A_118, %eq3A_119 : i32
      %convert_element_type3A_121 = arith.extui %eq3A_120 : i1 to i32
      %cond3A_122 = arith.constant 0 : i32
      %cond3A_123 = arith.cmpi ne, %convert_element_type3A_121, %cond3A_122 : i32
      scf.if %cond3A_123 {
        %add3A_124 = arith.constant 6 : i32
        %add3A_125 = arith.addi %scan3A_82, %add3A_124 : i32
        %sub3A = arith.constant 1 : i32
        %sub3A_126 = arith.subi %add3A_125, %sub3A : i32
        %lt3A = arith.constant 125 : i32
        %lt3A_127 = arith.cmpi slt, %sub3A_126, %lt3A : i32
        %convert_element_type3A_128 = arith.extui %lt3A_127 : i1 to i32
        %cond3A_129 = arith.constant 0 : i32
        %cond3A_130 = arith.cmpi ne, %convert_element_type3A_128, %cond3A_129 : i32
        scf.if %cond3A_130 {
          %add3A_141 = arith.constant 6 : i32
          %add3A_142 = arith.addi %scan3A_82, %add3A_141 : i32
          %sub3A_143 = arith.constant 1 : i32
          %sub3A_144 = arith.subi %add3A_142, %sub3A_143 : i32
          %dma_start3A_145 = arith.constant 4 : i32
          %dma_start3A_146 = arith.constant 0 : i32
          %dma_start3A_147 = arith.constant 0 : i32
          %dma_start3A_148 = tpu.memref_slice %arg9[%dma_start3A_145, %dma_start3A_146, %dma_start3A_147] : memref<6x80x64xf32, #tpu.memory_space<vmem>> -> memref<1x80x64xf32, #tpu.memory_space<vmem>>
          %dma_start3A_149 = tpu.memref_squeeze %dma_start3A_148 : memref<1x80x64xf32, #tpu.memory_space<vmem>> -> memref<80x64xf32, #tpu.memory_space<vmem>>
          %dma_start3A_150 = arith.constant 0 : i32
          %dma_start3A_151 = tpu.memref_slice %arg7[%sub3A_144, %dma_start3A_150] : memref<125x80xi32, #tpu.memory_space<vmem>> -> memref<1x80xi32, #tpu.memory_space<vmem>>
          %dma_start3A_152 = tpu.memref_squeeze %dma_start3A_151 : memref<1x80xi32, #tpu.memory_space<vmem>> -> memref<80xi32, #tpu.memory_space<vmem>>
          %dma_start3A_153 = arith.constant 0 : i32
          %dma_start3A_154 = arith.constant 0 : i32
          %dma_start3A_155 = tpu.memref_slice %arg4[%dma_start3A_153, %dma_start3A_154] : memref<10000x64xf32, #tpu.memory_space<hbm>> -> memref<10000x64xf32, #tpu.memory_space<hbm>>
          tpu.enqueue_indirect_dma source(%dma_start3A_155 : memref<10000x64xf32, #tpu.memory_space<hbm>>) target(%dma_start3A_149 : memref<80x64xf32, #tpu.memory_space<vmem>>) offsets(%dma_start3A_152 : memref<80xi32, #tpu.memory_space<vmem>>) semaphore(%arg16 : memref<!tpu.dma_semaphore, #tpu.memory_space<semaphore_mem>>)
        } else {
        }
        %dma_wait3A = arith.constant 5 : i32
        %dma_wait3A_131 = arith.constant 0 : i32
        %dma_wait3A_132 = arith.constant 0 : i32
        %dma_wait3A_133 = tpu.memref_slice %arg9[%dma_wait3A, %dma_wait3A_131, %dma_wait3A_132] : memref<6x80x64xf32, #tpu.memory_space<vmem>> -> memref<1x80x64xf32, #tpu.memory_space<vmem>>
        %dma_wait3A_134 = tpu.memref_squeeze %dma_wait3A_133 : memref<1x80x64xf32, #tpu.memory_space<vmem>> -> memref<80x64xf32, #tpu.memory_space<vmem>>
        %dma_wait3A_135 = arith.constant 0 : i32
        %dma_wait3A_136 = tpu.memref_slice %arg7[%scan3A_82, %dma_wait3A_135] : memref<125x80xi32, #tpu.memory_space<vmem>> -> memref<1x80xi32, #tpu.memory_space<vmem>>
        %dma_wait3A_137 = tpu.memref_squeeze %dma_wait3A_136 : memref<1x80xi32, #tpu.memory_space<vmem>> -> memref<80xi32, #tpu.memory_space<vmem>>
        %dma_wait3A_138 = arith.constant 0 : i32
        %dma_wait3A_139 = arith.constant 0 : i32
        %dma_wait3A_140 = tpu.memref_slice %arg4[%dma_wait3A_138, %dma_wait3A_139] : memref<10000x64xf32, #tpu.memory_space<hbm>> -> memref<10000x64xf32, #tpu.memory_space<hbm>>
        tpu.wait_indirect_dma semaphore(%arg17 : memref<!tpu.dma_semaphore, #tpu.memory_space<semaphore_mem>>) src(%dma_wait3A_140 : memref<10000x64xf32, #tpu.memory_space<hbm>>) dst(%dma_wait3A_134 : memref<80x64xf32, #tpu.memory_space<vmem>>)
        %run_scoped3A = arith.constant 5 : i32
        "tpu.region"() ({
          %run_scoped3A_141 = tpu.sem_alloc : memref<!tpu.dma_semaphore, #tpu.memory_space<semaphore_mem>>
          %dma_start3A_142 = arith.constant 0 : i32
          %dma_start3A_143 = arith.constant 0 : i32
          %dma_start3A_144 = tpu.memref_slice %arg9[%run_scoped3A, %dma_start3A_142, %dma_start3A_143] : memref<6x80x64xf32, #tpu.memory_space<vmem>> -> memref<1x80x64xf32, #tpu.memory_space<vmem>>
          %dma_start3A_145 = tpu.memref_squeeze %dma_start3A_144 : memref<1x80x64xf32, #tpu.memory_space<vmem>> -> memref<80x64xf32, #tpu.memory_space<vmem>>
          %dma_start3A_146 = arith.constant 0 : i32
          %dma_start3A_147 = tpu.memref_slice %arg8[%scan3A_82, %dma_start3A_146] : memref<125x80xi32, #tpu.memory_space<vmem>> -> memref<1x80xi32, #tpu.memory_space<vmem>>
          %dma_start3A_148 = tpu.memref_squeeze %dma_start3A_147 : memref<1x80xi32, #tpu.memory_space<vmem>> -> memref<80xi32, #tpu.memory_space<vmem>>
          %dma_start3A_149 = arith.constant 0 : i32
          %dma_start3A_150 = arith.constant 0 : i32
          %dma_start3A_151 = tpu.memref_slice %arg11[%dma_start3A_149, %dma_start3A_150] : memref<10000x64xf32, #tpu.memory_space<vmem_shared>> -> memref<10000x64xf32, #tpu.memory_space<vmem_shared>>
          tpu.enqueue_indirect_dma source(%dma_start3A_145 : memref<80x64xf32, #tpu.memory_space<vmem>>) target(%dma_start3A_151 : memref<10000x64xf32, #tpu.memory_space<vmem_shared>>) offsets(%dma_start3A_148 : memref<80xi32, #tpu.memory_space<vmem>>) semaphore(%run_scoped3A_141 : memref<!tpu.dma_semaphore, #tpu.memory_space<semaphore_mem>>) {add = true}
          %dma_wait3A_152 = arith.constant 0 : i32
          %dma_wait3A_153 = arith.constant 0 : i32
          %dma_wait3A_154 = tpu.memref_slice %arg9[%run_scoped3A, %dma_wait3A_152, %dma_wait3A_153] : memref<6x80x64xf32, #tpu.memory_space<vmem>> -> memref<1x80x64xf32, #tpu.memory_space<vmem>>
          %dma_wait3A_155 = tpu.memref_squeeze %dma_wait3A_154 : memref<1x80x64xf32, #tpu.memory_space<vmem>> -> memref<80x64xf32, #tpu.memory_space<vmem>>
          %dma_wait3A_156 = arith.constant 0 : i32
          %dma_wait3A_157 = tpu.memref_slice %arg8[%scan3A_82, %dma_wait3A_156] : memref<125x80xi32, #tpu.memory_space<vmem>> -> memref<1x80xi32, #tpu.memory_space<vmem>>
          %dma_wait3A_158 = tpu.memref_squeeze %dma_wait3A_157 : memref<1x80xi32, #tpu.memory_space<vmem>> -> memref<80xi32, #tpu.memory_space<vmem>>
          %dma_wait3A_159 = arith.constant 0 : i32
          %dma_wait3A_160 = arith.constant 0 : i32
          %dma_wait3A_161 = tpu.memref_slice %arg11[%dma_wait3A_159, %dma_wait3A_160] : memref<10000x64xf32, #tpu.memory_space<vmem_shared>> -> memref<10000x64xf32, #tpu.memory_space<vmem_shared>>
          tpu.wait_indirect_dma semaphore(%run_scoped3A_141 : memref<!tpu.dma_semaphore, #tpu.memory_space<semaphore_mem>>) src(%dma_wait3A_155 : memref<80x64xf32, #tpu.memory_space<vmem>>) dst(%dma_wait3A_161 : memref<10000x64xf32, #tpu.memory_space<vmem_shared>>)
          tpu.yield
        }) : () -> ()
      } else {
      }
    }
    %scan3A_72 = arith.constant 125 : i32
    %barrier3A_73 = arith.constant 0 : index
    tpu.barrier barrier_id(%barrier3A_73)
    %add3A_74 = arith.constant 0 : i32
    %add3A_75 = arith.addi %mul3A_2, %add3A_74 : i32
    "tpu.region"() ({
      %run_scoped3A = tpu.sem_alloc : memref<!tpu.dma_semaphore, #tpu.memory_space<semaphore_mem>>
      %dma_start3A_82 = arith.constant 0 : i32
      %dma_start3A_83 = tpu.memref_slice %arg11[%add3A_75, %dma_start3A_82] : memref<10000x64xf32, #tpu.memory_space<vmem_shared>> -> memref<320x64xf32, #tpu.memory_space<vmem_shared>>
      %dma_start3A_84 = arith.constant 0 : i32
      %dma_start3A_85 = tpu.memref_slice %arg11[%add3A_75, %dma_start3A_84] : memref<10000x64xf32, #tpu.memory_space<vmem_shared>> -> memref<320x64xf32, #tpu.memory_space<vmem_shared>>
      tpu.enqueue_dma source(%dma_start3A_85 : memref<320x64xf32, #tpu.memory_space<vmem_shared>>) target(%arg10 : memref<320x64xf32, #tpu.memory_space<vmem>>) target_semaphore(%run_scoped3A : memref<!tpu.dma_semaphore, #tpu.memory_space<semaphore_mem>>)
      %dma_wait3A = arith.constant 0 : i32
      %dma_wait3A_86 = tpu.memref_slice %arg11[%add3A_75, %dma_wait3A] : memref<10000x64xf32, #tpu.memory_space<vmem_shared>> -> memref<320x64xf32, #tpu.memory_space<vmem_shared>>
      %dma_wait3A_87 = arith.constant 0 : i32
      %dma_wait3A_88 = tpu.memref_slice %arg11[%add3A_75, %dma_wait3A_87] : memref<10000x64xf32, #tpu.memory_space<vmem_shared>> -> memref<320x64xf32, #tpu.memory_space<vmem_shared>>
      tpu.wait_dma2 semaphore(%run_scoped3A : memref<!tpu.dma_semaphore, #tpu.memory_space<semaphore_mem>>) src(%dma_wait3A_88 : memref<320x64xf32, #tpu.memory_space<vmem_shared>>) dst(%arg10 : memref<320x64xf32, #tpu.memory_space<vmem>>)
      tpu.yield
    }) : () -> ()
    %add3A_76 = arith.constant 0 : i32
    %add3A_77 = arith.addi %mul3A_2, %add3A_76 : i32
    "tpu.region"() ({
      %run_scoped3A = tpu.sem_alloc : memref<!tpu.dma_semaphore, #tpu.memory_space<semaphore_mem>>
      %dma_start3A_82 = arith.constant 0 : i32
      %dma_start3A_83 = tpu.memref_slice %arg6[%arg0, %add3A_77, %dma_start3A_82] : memref<2x10000x128xf32, #tpu.memory_space<hbm>> -> memref<1x320x64xf32, #tpu.memory_space<hbm>>
      %dma_start3A_84 = tpu.memref_squeeze %dma_start3A_83 : memref<1x320x64xf32, #tpu.memory_space<hbm>> -> memref<320x64xf32, #tpu.memory_space<hbm>>
      %dma_start3A_85 = arith.constant 0 : i32
      %dma_start3A_86 = tpu.memref_slice %arg6[%arg0, %add3A_77, %dma_start3A_85] : memref<2x10000x128xf32, #tpu.memory_space<hbm>> -> memref<1x320x64xf32, #tpu.memory_space<hbm>>
      %dma_start3A_87 = tpu.memref_squeeze %dma_start3A_86 : memref<1x320x64xf32, #tpu.memory_space<hbm>> -> memref<320x64xf32, #tpu.memory_space<hbm>>
      tpu.enqueue_dma source(%arg10 : memref<320x64xf32, #tpu.memory_space<vmem>>) target(%dma_start3A_87 : memref<320x64xf32, #tpu.memory_space<hbm>>) target_semaphore(%run_scoped3A : memref<!tpu.dma_semaphore, #tpu.memory_space<semaphore_mem>>)
      %dma_wait3A = arith.constant 0 : i32
      %dma_wait3A_88 = tpu.memref_slice %arg6[%arg0, %add3A_77, %dma_wait3A] : memref<2x10000x128xf32, #tpu.memory_space<hbm>> -> memref<1x320x64xf32, #tpu.memory_space<hbm>>
      %dma_wait3A_89 = tpu.memref_squeeze %dma_wait3A_88 : memref<1x320x64xf32, #tpu.memory_space<hbm>> -> memref<320x64xf32, #tpu.memory_space<hbm>>
      %dma_wait3A_90 = arith.constant 0 : i32
      %dma_wait3A_91 = tpu.memref_slice %arg6[%arg0, %add3A_77, %dma_wait3A_90] : memref<2x10000x128xf32, #tpu.memory_space<hbm>> -> memref<1x320x64xf32, #tpu.memory_space<hbm>>
      %dma_wait3A_92 = tpu.memref_squeeze %dma_wait3A_91 : memref<1x320x64xf32, #tpu.memory_space<hbm>> -> memref<320x64xf32, #tpu.memory_space<hbm>>
      tpu.wait_dma2 semaphore(%run_scoped3A : memref<!tpu.dma_semaphore, #tpu.memory_space<semaphore_mem>>) src(%arg10 : memref<320x64xf32, #tpu.memory_space<vmem>>) dst(%dma_wait3A_92 : memref<320x64xf32, #tpu.memory_space<hbm>>)
      tpu.yield
    }) : () -> ()
    %add3A_78 = arith.constant 320 : i32
    %add3A_79 = arith.addi %mul3A_2, %add3A_78 : i32
    "tpu.region"() ({
      %run_scoped3A = tpu.sem_alloc : memref<!tpu.dma_semaphore, #tpu.memory_space<semaphore_mem>>
      %dma_start3A_82 = arith.constant 0 : i32
      %dma_start3A_83 = tpu.memref_slice %arg11[%add3A_79, %dma_start3A_82] : memref<10000x64xf32, #tpu.memory_space<vmem_shared>> -> memref<320x64xf32, #tpu.memory_space<vmem_shared>>
      %dma_start3A_84 = arith.constant 0 : i32
      %dma_start3A_85 = tpu.memref_slice %arg11[%add3A_79, %dma_start3A_84] : memref<10000x64xf32, #tpu.memory_space<vmem_shared>> -> memref<320x64xf32, #tpu.memory_space<vmem_shared>>
      tpu.enqueue_dma source(%dma_start3A_85 : memref<320x64xf32, #tpu.memory_space<vmem_shared>>) target(%arg10 : memref<320x64xf32, #tpu.memory_space<vmem>>) target_semaphore(%run_scoped3A : memref<!tpu.dma_semaphore, #tpu.memory_space<semaphore_mem>>)
      %dma_wait3A = arith.constant 0 : i32
      %dma_wait3A_86 = tpu.memref_slice %arg11[%add3A_79, %dma_wait3A] : memref<10000x64xf32, #tpu.memory_space<vmem_shared>> -> memref<320x64xf32, #tpu.memory_space<vmem_shared>>
      %dma_wait3A_87 = arith.constant 0 : i32
      %dma_wait3A_88 = tpu.memref_slice %arg11[%add3A_79, %dma_wait3A_87] : memref<10000x64xf32, #tpu.memory_space<vmem_shared>> -> memref<320x64xf32, #tpu.memory_space<vmem_shared>>
      tpu.wait_dma2 semaphore(%run_scoped3A : memref<!tpu.dma_semaphore, #tpu.memory_space<semaphore_mem>>) src(%dma_wait3A_88 : memref<320x64xf32, #tpu.memory_space<vmem_shared>>) dst(%arg10 : memref<320x64xf32, #tpu.memory_space<vmem>>)
      tpu.yield
    }) : () -> ()
    %add3A_80 = arith.constant 320 : i32
    %add3A_81 = arith.addi %mul3A_2, %add3A_80 : i32
    "tpu.region"() ({
      %run_scoped3A = tpu.sem_alloc : memref<!tpu.dma_semaphore, #tpu.memory_space<semaphore_mem>>
      %dma_start3A_82 = arith.constant 0 : i32
      %dma_start3A_83 = tpu.memref_slice %arg6[%arg0, %add3A_81, %dma_start3A_82] : memref<2x10000x128xf32, #tpu.memory_space<hbm>> -> memref<1x320x64xf32, #tpu.memory_space<hbm>>
      %dma_start3A_84 = tpu.memref_squeeze %dma_start3A_83 : memref<1x320x64xf32, #tpu.memory_space<hbm>> -> memref<320x64xf32, #tpu.memory_space<hbm>>
      %dma_start3A_85 = arith.constant 0 : i32
      %dma_start3A_86 = tpu.memref_slice %arg6[%arg0, %add3A_81, %dma_start3A_85] : memref<2x10000x128xf32, #tpu.memory_space<hbm>> -> memref<1x320x64xf32, #tpu.memory_space<hbm>>
      %dma_start3A_87 = tpu.memref_squeeze %dma_start3A_86 : memref<1x320x64xf32, #tpu.memory_space<hbm>> -> memref<320x64xf32, #tpu.memory_space<hbm>>
      tpu.enqueue_dma source(%arg10 : memref<320x64xf32, #tpu.memory_space<vmem>>) target(%dma_start3A_87 : memref<320x64xf32, #tpu.memory_space<hbm>>) target_semaphore(%run_scoped3A : memref<!tpu.dma_semaphore, #tpu.memory_space<semaphore_mem>>)
      %dma_wait3A = arith.constant 0 : i32
      %dma_wait3A_88 = tpu.memref_slice %arg6[%arg0, %add3A_81, %dma_wait3A] : memref<2x10000x128xf32, #tpu.memory_space<hbm>> -> memref<1x320x64xf32, #tpu.memory_space<hbm>>
      %dma_wait3A_89 = tpu.memref_squeeze %dma_wait3A_88 : memref<1x320x64xf32, #tpu.memory_space<hbm>> -> memref<320x64xf32, #tpu.memory_space<hbm>>
      %dma_wait3A_90 = arith.constant 0 : i32
      %dma_wait3A_91 = tpu.memref_slice %arg6[%arg0, %add3A_81, %dma_wait3A_90] : memref<2x10000x128xf32, #tpu.memory_space<hbm>> -> memref<1x320x64xf32, #tpu.memory_space<hbm>>
      %dma_wait3A_92 = tpu.memref_squeeze %dma_wait3A_91 : memref<1x320x64xf32, #tpu.memory_space<hbm>> -> memref<320x64xf32, #tpu.memory_space<hbm>>
      tpu.wait_dma2 semaphore(%run_scoped3A : memref<!tpu.dma_semaphore, #tpu.memory_space<semaphore_mem>>) src(%arg10 : memref<320x64xf32, #tpu.memory_space<vmem>>) dst(%dma_wait3A_92 : memref<320x64xf32, #tpu.memory_space<hbm>>)
      tpu.yield
    }) : () -> ()
    return
  }
}

#map = affine_map<(d0, d1) -> (0, 0, 0)>
#map1 = affine_map<(d0, d1) -> (0)>
module attributes {stable_mosaic.version = 14 : i64} {
  func.func @_deg_body(%arg0: i32, %arg1: i32, %arg2: memref<32x125x80xi32, #tpu.memory_space<hbm>>, %arg3: memref<20000xf32, #tpu.memory_space<hbm>>, %arg4: memref<125x80xi32, #tpu.memory_space<vmem>>, %arg5: memref<80xf32, #tpu.memory_space<vmem>>, %arg6: memref<640xf32, #tpu.memory_space<vmem>>, %arg7: memref<10000xf32, #tpu.memory_space<vmem_shared>>) attributes {dimension_semantics = [#tpu.dimension_semantics<core_parallel>, #tpu.dimension_semantics<subcore_parallel>], iteration_bounds = array<i64: 2, 16>, scalar_prefetch = 0 : i64, scratch_operands = 4 : i64, tpu.core_type = #tpu.core_type<sc_vector_subcore>, window_params = [{transform_indices = #map}, {transform_indices = #map1}]} {
    %mul3A = arith.constant 16 : i32
    %mul3A_0 = arith.muli %arg0, %mul3A : i32
    %add3A = arith.addi %mul3A_0, %arg1 : i32
    %mul3A_1 = arith.constant 624 : i32
    %mul3A_2 = arith.muli %arg1, %mul3A_1 : i32
    %broadcast_in_dim3A = arith.constant 0.000000e+00 : f32
    %broadcast_in_dim3A_3 = vector.broadcast %broadcast_in_dim3A : f32 to vector<16xf32>
    %swap3A = arith.constant 0 : index
    %swap3A_4 = tpu.vector_load %arg6[%swap3A] {strides = array<i32>} : memref<640xf32, #tpu.memory_space<vmem>>, vector<16xf32>,
    %swap3A_5 = vector.shape_cast %swap3A_4 : vector<16xf32> to vector<16xf32>
    %swap3A_6 = vector.shape_cast %broadcast_in_dim3A_3 : vector<16xf32> to vector<16xf32>
    tpu.vector_store %arg6[%swap3A], %swap3A_6 {strides = array<i32>} : memref<640xf32, #tpu.memory_space<vmem>>, vector<16xf32>,
    %broadcast_in_dim3A_7 = arith.constant 0.000000e+00 : f32
    %broadcast_in_dim3A_8 = vector.broadcast %broadcast_in_dim3A_7 : f32 to vector<16xf32>
    %swap3A_9 = arith.constant 16 : index
    %swap3A_10 = tpu.vector_load %arg6[%swap3A_9] {strides = array<i32>} : memref<640xf32, #tpu.memory_space<vmem>>, vector<16xf32>,
    %swap3A_11 = vector.shape_cast %swap3A_10 : vector<16xf32> to vector<16xf32>
    %swap3A_12 = vector.shape_cast %broadcast_in_dim3A_8 : vector<16xf32> to vector<16xf32>
    tpu.vector_store %arg6[%swap3A_9], %swap3A_12 {strides = array<i32>} : memref<640xf32, #tpu.memory_space<vmem>>, vector<16xf32>,
    %broadcast_in_dim3A_13 = arith.constant 0.000000e+00 : f32
    %broadcast_in_dim3A_14 = vector.broadcast %broadcast_in_dim3A_13 : f32 to vector<16xf32>
    %swap3A_15 = arith.constant 32 : index
    %swap3A_16 = tpu.vector_load %arg6[%swap3A_15] {strides = array<i32>} : memref<640xf32, #tpu.memory_space<vmem>>, vector<16xf32>,
    %swap3A_17 = vector.shape_cast %swap3A_16 : vector<16xf32> to vector<16xf32>
    %swap3A_18 = vector.shape_cast %broadcast_in_dim3A_14 : vector<16xf32> to vector<16xf32>
    tpu.vector_store %arg6[%swap3A_15], %swap3A_18 {strides = array<i32>} : memref<640xf32, #tpu.memory_space<vmem>>, vector<16xf32>,
    %broadcast_in_dim3A_19 = arith.constant 0.000000e+00 : f32
    %broadcast_in_dim3A_20 = vector.broadcast %broadcast_in_dim3A_19 : f32 to vector<16xf32>
    %swap3A_21 = arith.constant 48 : index
    %swap3A_22 = tpu.vector_load %arg6[%swap3A_21] {strides = array<i32>} : memref<640xf32, #tpu.memory_space<vmem>>, vector<16xf32>,
    %swap3A_23 = vector.shape_cast %swap3A_22 : vector<16xf32> to vector<16xf32>
    %swap3A_24 = vector.shape_cast %broadcast_in_dim3A_20 : vector<16xf32> to vector<16xf32>
    tpu.vector_store %arg6[%swap3A_21], %swap3A_24 {strides = array<i32>} : memref<640xf32, #tpu.memory_space<vmem>>, vector<16xf32>,
    %broadcast_in_dim3A_25 = arith.constant 0.000000e+00 : f32
    %broadcast_in_dim3A_26 = vector.broadcast %broadcast_in_dim3A_25 : f32 to vector<16xf32>
    %swap3A_27 = arith.constant 64 : index
    %swap3A_28 = tpu.vector_load %arg6[%swap3A_27] {strides = array<i32>} : memref<640xf32, #tpu.memory_space<vmem>>, vector<16xf32>,
    %swap3A_29 = vector.shape_cast %swap3A_28 : vector<16xf32> to vector<16xf32>
    %swap3A_30 = vector.shape_cast %broadcast_in_dim3A_26 : vector<16xf32> to vector<16xf32>
    tpu.vector_store %arg6[%swap3A_27], %swap3A_30 {strides = array<i32>} : memref<640xf32, #tpu.memory_space<vmem>>, vector<16xf32>,
    %broadcast_in_dim3A_31 = arith.constant 0.000000e+00 : f32
    %broadcast_in_dim3A_32 = vector.broadcast %broadcast_in_dim3A_31 : f32 to vector<16xf32>
    %swap3A_33 = arith.constant 80 : index
    %swap3A_34 = tpu.vector_load %arg6[%swap3A_33] {strides = array<i32>} : memref<640xf32, #tpu.memory_space<vmem>>, vector<16xf32>,
    %swap3A_35 = vector.shape_cast %swap3A_34 : vector<16xf32> to vector<16xf32>
    %swap3A_36 = vector.shape_cast %broadcast_in_dim3A_32 : vector<16xf32> to vector<16xf32>
    tpu.vector_store %arg6[%swap3A_33], %swap3A_36 {strides = array<i32>} : memref<640xf32, #tpu.memory_space<vmem>>, vector<16xf32>,
    %broadcast_in_dim3A_37 = arith.constant 0.000000e+00 : f32
    %broadcast_in_dim3A_38 = vector.broadcast %broadcast_in_dim3A_37 : f32 to vector<16xf32>
    %swap3A_39 = arith.constant 96 : index
    %swap3A_40 = tpu.vector_load %arg6[%swap3A_39] {strides = array<i32>} : memref<640xf32, #tpu.memory_space<vmem>>, vector<16xf32>,
    %swap3A_41 = vector.shape_cast %swap3A_40 : vector<16xf32> to vector<16xf32>
    %swap3A_42 = vector.shape_cast %broadcast_in_dim3A_38 : vector<16xf32> to vector<16xf32>
    tpu.vector_store %arg6[%swap3A_39], %swap3A_42 {strides = array<i32>} : memref<640xf32, #tpu.memory_space<vmem>>, vector<16xf32>,
    %broadcast_in_dim3A_43 = arith.constant 0.000000e+00 : f32
    %broadcast_in_dim3A_44 = vector.broadcast %broadcast_in_dim3A_43 : f32 to vector<16xf32>
    %swap3A_45 = arith.constant 112 : index
    %swap3A_46 = tpu.vector_load %arg6[%swap3A_45] {strides = array<i32>} : memref<640xf32, #tpu.memory_space<vmem>>, vector<16xf32>,
    %swap3A_47 = vector.shape_cast %swap3A_46 : vector<16xf32> to vector<16xf32>
    %swap3A_48 = vector.shape_cast %broadcast_in_dim3A_44 : vector<16xf32> to vector<16xf32>
    tpu.vector_store %arg6[%swap3A_45], %swap3A_48 {strides = array<i32>} : memref<640xf32, #tpu.memory_space<vmem>>, vector<16xf32>,
    %broadcast_in_dim3A_49 = arith.constant 0.000000e+00 : f32
    %broadcast_in_dim3A_50 = vector.broadcast %broadcast_in_dim3A_49 : f32 to vector<16xf32>
    %swap3A_51 = arith.constant 128 : index
    %swap3A_52 = tpu.vector_load %arg6[%swap3A_51] {strides = array<i32>} : memref<640xf32, #tpu.memory_space<vmem>>, vector<16xf32>,
    %swap3A_53 = vector.shape_cast %swap3A_52 : vector<16xf32> to vector<16xf32>
    %swap3A_54 = vector.shape_cast %broadcast_in_dim3A_50 : vector<16xf32> to vector<16xf32>
    tpu.vector_store %arg6[%swap3A_51], %swap3A_54 {strides = array<i32>} : memref<640xf32, #tpu.memory_space<vmem>>, vector<16xf32>,
    %broadcast_in_dim3A_55 = arith.constant 0.000000e+00 : f32
    %broadcast_in_dim3A_56 = vector.broadcast %broadcast_in_dim3A_55 : f32 to vector<16xf32>
    %swap3A_57 = arith.constant 144 : index
    %swap3A_58 = tpu.vector_load %arg6[%swap3A_57] {strides = array<i32>} : memref<640xf32, #tpu.memory_space<vmem>>, vector<16xf32>,
    %swap3A_59 = vector.shape_cast %swap3A_58 : vector<16xf32> to vector<16xf32>
    %swap3A_60 = vector.shape_cast %broadcast_in_dim3A_56 : vector<16xf32> to vector<16xf32>
    tpu.vector_store %arg6[%swap3A_57], %swap3A_60 {strides = array<i32>} : memref<640xf32, #tpu.memory_space<vmem>>, vector<16xf32>,
    %broadcast_in_dim3A_61 = arith.constant 0.000000e+00 : f32
    %broadcast_in_dim3A_62 = vector.broadcast %broadcast_in_dim3A_61 : f32 to vector<16xf32>
    %swap3A_63 = arith.constant 160 : index
    %swap3A_64 = tpu.vector_load %arg6[%swap3A_63] {strides = array<i32>} : memref<640xf32, #tpu.memory_space<vmem>>, vector<16xf32>,
    %swap3A_65 = vector.shape_cast %swap3A_64 : vector<16xf32> to vector<16xf32>
    %swap3A_66 = vector.shape_cast %broadcast_in_dim3A_62 : vector<16xf32> to vector<16xf32>
    tpu.vector_store %arg6[%swap3A_63], %swap3A_66 {strides = array<i32>} : memref<640xf32, #tpu.memory_space<vmem>>, vector<16xf32>,
    %broadcast_in_dim3A_67 = arith.constant 0.000000e+00 : f32
    %broadcast_in_dim3A_68 = vector.broadcast %broadcast_in_dim3A_67 : f32 to vector<16xf32>
    %swap3A_69 = arith.constant 176 : index
    %swap3A_70 = tpu.vector_load %arg6[%swap3A_69] {strides = array<i32>} : memref<640xf32, #tpu.memory_space<vmem>>, vector<16xf32>,
    %swap3A_71 = vector.shape_cast %swap3A_70 : vector<16xf32> to vector<16xf32>
    %swap3A_72 = vector.shape_cast %broadcast_in_dim3A_68 : vector<16xf32> to vector<16xf32>
    tpu.vector_store %arg6[%swap3A_69], %swap3A_72 {strides = array<i32>} : memref<640xf32, #tpu.memory_space<vmem>>, vector<16xf32>,
    %broadcast_in_dim3A_73 = arith.constant 0.000000e+00 : f32
    %broadcast_in_dim3A_74 = vector.broadcast %broadcast_in_dim3A_73 : f32 to vector<16xf32>
    %swap3A_75 = arith.constant 192 : index
    %swap3A_76 = tpu.vector_load %arg6[%swap3A_75] {strides = array<i32>} : memref<640xf32, #tpu.memory_space<vmem>>, vector<16xf32>,
    %swap3A_77 = vector.shape_cast %swap3A_76 : vector<16xf32> to vector<16xf32>
    %swap3A_78 = vector.shape_cast %broadcast_in_dim3A_74 : vector<16xf32> to vector<16xf32>
    tpu.vector_store %arg6[%swap3A_75], %swap3A_78 {strides = array<i32>} : memref<640xf32, #tpu.memory_space<vmem>>, vector<16xf32>,
    %broadcast_in_dim3A_79 = arith.constant 0.000000e+00 : f32
    %broadcast_in_dim3A_80 = vector.broadcast %broadcast_in_dim3A_79 : f32 to vector<16xf32>
    %swap3A_81 = arith.constant 208 : index
    %swap3A_82 = tpu.vector_load %arg6[%swap3A_81] {strides = array<i32>} : memref<640xf32, #tpu.memory_space<vmem>>, vector<16xf32>,
    %swap3A_83 = vector.shape_cast %swap3A_82 : vector<16xf32> to vector<16xf32>
    %swap3A_84 = vector.shape_cast %broadcast_in_dim3A_80 : vector<16xf32> to vector<16xf32>
    tpu.vector_store %arg6[%swap3A_81], %swap3A_84 {strides = array<i32>} : memref<640xf32, #tpu.memory_space<vmem>>, vector<16xf32>,
    %broadcast_in_dim3A_85 = arith.constant 0.000000e+00 : f32
    %broadcast_in_dim3A_86 = vector.broadcast %broadcast_in_dim3A_85 : f32 to vector<16xf32>
    %swap3A_87 = arith.constant 224 : index
    %swap3A_88 = tpu.vector_load %arg6[%swap3A_87] {strides = array<i32>} : memref<640xf32, #tpu.memory_space<vmem>>, vector<16xf32>,
    %swap3A_89 = vector.shape_cast %swap3A_88 : vector<16xf32> to vector<16xf32>
    %swap3A_90 = vector.shape_cast %broadcast_in_dim3A_86 : vector<16xf32> to vector<16xf32>
    tpu.vector_store %arg6[%swap3A_87], %swap3A_90 {strides = array<i32>} : memref<640xf32, #tpu.memory_space<vmem>>, vector<16xf32>,
    %broadcast_in_dim3A_91 = arith.constant 0.000000e+00 : f32
    %broadcast_in_dim3A_92 = vector.broadcast %broadcast_in_dim3A_91 : f32 to vector<16xf32>
    %swap3A_93 = arith.constant 240 : index
    %swap3A_94 = tpu.vector_load %arg6[%swap3A_93] {strides = array<i32>} : memref<640xf32, #tpu.memory_space<vmem>>, vector<16xf32>,
    %swap3A_95 = vector.shape_cast %swap3A_94 : vector<16xf32> to vector<16xf32>
    %swap3A_96 = vector.shape_cast %broadcast_in_dim3A_92 : vector<16xf32> to vector<16xf32>
    tpu.vector_store %arg6[%swap3A_93], %swap3A_96 {strides = array<i32>} : memref<640xf32, #tpu.memory_space<vmem>>, vector<16xf32>,
    %broadcast_in_dim3A_97 = arith.constant 0.000000e+00 : f32
    %broadcast_in_dim3A_98 = vector.broadcast %broadcast_in_dim3A_97 : f32 to vector<16xf32>
    %swap3A_99 = arith.constant 256 : index
    %swap3A_100 = tpu.vector_load %arg6[%swap3A_99] {strides = array<i32>} : memref<640xf32, #tpu.memory_space<vmem>>, vector<16xf32>,
    %swap3A_101 = vector.shape_cast %swap3A_100 : vector<16xf32> to vector<16xf32>
    %swap3A_102 = vector.shape_cast %broadcast_in_dim3A_98 : vector<16xf32> to vector<16xf32>
    tpu.vector_store %arg6[%swap3A_99], %swap3A_102 {strides = array<i32>} : memref<640xf32, #tpu.memory_space<vmem>>, vector<16xf32>,
    %broadcast_in_dim3A_103 = arith.constant 0.000000e+00 : f32
    %broadcast_in_dim3A_104 = vector.broadcast %broadcast_in_dim3A_103 : f32 to vector<16xf32>
    %swap3A_105 = arith.constant 272 : index
    %swap3A_106 = tpu.vector_load %arg6[%swap3A_105] {strides = array<i32>} : memref<640xf32, #tpu.memory_space<vmem>>, vector<16xf32>,
    %swap3A_107 = vector.shape_cast %swap3A_106 : vector<16xf32> to vector<16xf32>
    %swap3A_108 = vector.shape_cast %broadcast_in_dim3A_104 : vector<16xf32> to vector<16xf32>
    tpu.vector_store %arg6[%swap3A_105], %swap3A_108 {strides = array<i32>} : memref<640xf32, #tpu.memory_space<vmem>>, vector<16xf32>,
    %broadcast_in_dim3A_109 = arith.constant 0.000000e+00 : f32
    %broadcast_in_dim3A_110 = vector.broadcast %broadcast_in_dim3A_109 : f32 to vector<16xf32>
    %swap3A_111 = arith.constant 288 : index
    %swap3A_112 = tpu.vector_load %arg6[%swap3A_111] {strides = array<i32>} : memref<640xf32, #tpu.memory_space<vmem>>, vector<16xf32>,
    %swap3A_113 = vector.shape_cast %swap3A_112 : vector<16xf32> to vector<16xf32>
    %swap3A_114 = vector.shape_cast %broadcast_in_dim3A_110 : vector<16xf32> to vector<16xf32>
    tpu.vector_store %arg6[%swap3A_111], %swap3A_114 {strides = array<i32>} : memref<640xf32, #tpu.memory_space<vmem>>, vector<16xf32>,
    %broadcast_in_dim3A_115 = arith.constant 0.000000e+00 : f32
    %broadcast_in_dim3A_116 = vector.broadcast %broadcast_in_dim3A_115 : f32 to vector<16xf32>
    %swap3A_117 = arith.constant 304 : index
    %swap3A_118 = tpu.vector_load %arg6[%swap3A_117] {strides = array<i32>} : memref<640xf32, #tpu.memory_space<vmem>>, vector<16xf32>,
    %swap3A_119 = vector.shape_cast %swap3A_118 : vector<16xf32> to vector<16xf32>
    %swap3A_120 = vector.shape_cast %broadcast_in_dim3A_116 : vector<16xf32> to vector<16xf32>
    tpu.vector_store %arg6[%swap3A_117], %swap3A_120 {strides = array<i32>} : memref<640xf32, #tpu.memory_space<vmem>>, vector<16xf32>,
    %broadcast_in_dim3A_121 = arith.constant 0.000000e+00 : f32
    %broadcast_in_dim3A_122 = vector.broadcast %broadcast_in_dim3A_121 : f32 to vector<16xf32>
    %swap3A_123 = arith.constant 320 : index
    %swap3A_124 = tpu.vector_load %arg6[%swap3A_123] {strides = array<i32>} : memref<640xf32, #tpu.memory_space<vmem>>, vector<16xf32>,
    %swap3A_125 = vector.shape_cast %swap3A_124 : vector<16xf32> to vector<16xf32>
    %swap3A_126 = vector.shape_cast %broadcast_in_dim3A_122 : vector<16xf32> to vector<16xf32>
    tpu.vector_store %arg6[%swap3A_123], %swap3A_126 {strides = array<i32>} : memref<640xf32, #tpu.memory_space<vmem>>, vector<16xf32>,
    %broadcast_in_dim3A_127 = arith.constant 0.000000e+00 : f32
    %broadcast_in_dim3A_128 = vector.broadcast %broadcast_in_dim3A_127 : f32 to vector<16xf32>
    %swap3A_129 = arith.constant 336 : index
    %swap3A_130 = tpu.vector_load %arg6[%swap3A_129] {strides = array<i32>} : memref<640xf32, #tpu.memory_space<vmem>>, vector<16xf32>,
    %swap3A_131 = vector.shape_cast %swap3A_130 : vector<16xf32> to vector<16xf32>
    %swap3A_132 = vector.shape_cast %broadcast_in_dim3A_128 : vector<16xf32> to vector<16xf32>
    tpu.vector_store %arg6[%swap3A_129], %swap3A_132 {strides = array<i32>} : memref<640xf32, #tpu.memory_space<vmem>>, vector<16xf32>,
    %broadcast_in_dim3A_133 = arith.constant 0.000000e+00 : f32
    %broadcast_in_dim3A_134 = vector.broadcast %broadcast_in_dim3A_133 : f32 to vector<16xf32>
    %swap3A_135 = arith.constant 352 : index
    %swap3A_136 = tpu.vector_load %arg6[%swap3A_135] {strides = array<i32>} : memref<640xf32, #tpu.memory_space<vmem>>, vector<16xf32>,
    %swap3A_137 = vector.shape_cast %swap3A_136 : vector<16xf32> to vector<16xf32>
    %swap3A_138 = vector.shape_cast %broadcast_in_dim3A_134 : vector<16xf32> to vector<16xf32>
    tpu.vector_store %arg6[%swap3A_135], %swap3A_138 {strides = array<i32>} : memref<640xf32, #tpu.memory_space<vmem>>, vector<16xf32>,
    %broadcast_in_dim3A_139 = arith.constant 0.000000e+00 : f32
    %broadcast_in_dim3A_140 = vector.broadcast %broadcast_in_dim3A_139 : f32 to vector<16xf32>
    %swap3A_141 = arith.constant 368 : index
    %swap3A_142 = tpu.vector_load %arg6[%swap3A_141] {strides = array<i32>} : memref<640xf32, #tpu.memory_space<vmem>>, vector<16xf32>,
    %swap3A_143 = vector.shape_cast %swap3A_142 : vector<16xf32> to vector<16xf32>
    %swap3A_144 = vector.shape_cast %broadcast_in_dim3A_140 : vector<16xf32> to vector<16xf32>
    tpu.vector_store %arg6[%swap3A_141], %swap3A_144 {strides = array<i32>} : memref<640xf32, #tpu.memory_space<vmem>>, vector<16xf32>,
    %broadcast_in_dim3A_145 = arith.constant 0.000000e+00 : f32
    %broadcast_in_dim3A_146 = vector.broadcast %broadcast_in_dim3A_145 : f32 to vector<16xf32>
    %swap3A_147 = arith.constant 384 : index
    %swap3A_148 = tpu.vector_load %arg6[%swap3A_147] {strides = array<i32>} : memref<640xf32, #tpu.memory_space<vmem>>, vector<16xf32>,
    %swap3A_149 = vector.shape_cast %swap3A_148 : vector<16xf32> to vector<16xf32>
    %swap3A_150 = vector.shape_cast %broadcast_in_dim3A_146 : vector<16xf32> to vector<16xf32>
    tpu.vector_store %arg6[%swap3A_147], %swap3A_150 {strides = array<i32>} : memref<640xf32, #tpu.memory_space<vmem>>, vector<16xf32>,
    %broadcast_in_dim3A_151 = arith.constant 0.000000e+00 : f32
    %broadcast_in_dim3A_152 = vector.broadcast %broadcast_in_dim3A_151 : f32 to vector<16xf32>
    %swap3A_153 = arith.constant 400 : index
    %swap3A_154 = tpu.vector_load %arg6[%swap3A_153] {strides = array<i32>} : memref<640xf32, #tpu.memory_space<vmem>>, vector<16xf32>,
    %swap3A_155 = vector.shape_cast %swap3A_154 : vector<16xf32> to vector<16xf32>
    %swap3A_156 = vector.shape_cast %broadcast_in_dim3A_152 : vector<16xf32> to vector<16xf32>
    tpu.vector_store %arg6[%swap3A_153], %swap3A_156 {strides = array<i32>} : memref<640xf32, #tpu.memory_space<vmem>>, vector<16xf32>,
    %broadcast_in_dim3A_157 = arith.constant 0.000000e+00 : f32
    %broadcast_in_dim3A_158 = vector.broadcast %broadcast_in_dim3A_157 : f32 to vector<16xf32>
    %swap3A_159 = arith.constant 416 : index
    %swap3A_160 = tpu.vector_load %arg6[%swap3A_159] {strides = array<i32>} : memref<640xf32, #tpu.memory_space<vmem>>, vector<16xf32>,
    %swap3A_161 = vector.shape_cast %swap3A_160 : vector<16xf32> to vector<16xf32>
    %swap3A_162 = vector.shape_cast %broadcast_in_dim3A_158 : vector<16xf32> to vector<16xf32>
    tpu.vector_store %arg6[%swap3A_159], %swap3A_162 {strides = array<i32>} : memref<640xf32, #tpu.memory_space<vmem>>, vector<16xf32>,
    %broadcast_in_dim3A_163 = arith.constant 0.000000e+00 : f32
    %broadcast_in_dim3A_164 = vector.broadcast %broadcast_in_dim3A_163 : f32 to vector<16xf32>
    %swap3A_165 = arith.constant 432 : index
    %swap3A_166 = tpu.vector_load %arg6[%swap3A_165] {strides = array<i32>} : memref<640xf32, #tpu.memory_space<vmem>>, vector<16xf32>,
    %swap3A_167 = vector.shape_cast %swap3A_166 : vector<16xf32> to vector<16xf32>
    %swap3A_168 = vector.shape_cast %broadcast_in_dim3A_164 : vector<16xf32> to vector<16xf32>
    tpu.vector_store %arg6[%swap3A_165], %swap3A_168 {strides = array<i32>} : memref<640xf32, #tpu.memory_space<vmem>>, vector<16xf32>,
    %broadcast_in_dim3A_169 = arith.constant 0.000000e+00 : f32
    %broadcast_in_dim3A_170 = vector.broadcast %broadcast_in_dim3A_169 : f32 to vector<16xf32>
    %swap3A_171 = arith.constant 448 : index
    %swap3A_172 = tpu.vector_load %arg6[%swap3A_171] {strides = array<i32>} : memref<640xf32, #tpu.memory_space<vmem>>, vector<16xf32>,
    %swap3A_173 = vector.shape_cast %swap3A_172 : vector<16xf32> to vector<16xf32>
    %swap3A_174 = vector.shape_cast %broadcast_in_dim3A_170 : vector<16xf32> to vector<16xf32>
    tpu.vector_store %arg6[%swap3A_171], %swap3A_174 {strides = array<i32>} : memref<640xf32, #tpu.memory_space<vmem>>, vector<16xf32>,
    %broadcast_in_dim3A_175 = arith.constant 0.000000e+00 : f32
    %broadcast_in_dim3A_176 = vector.broadcast %broadcast_in_dim3A_175 : f32 to vector<16xf32>
    %swap3A_177 = arith.constant 464 : index
    %swap3A_178 = tpu.vector_load %arg6[%swap3A_177] {strides = array<i32>} : memref<640xf32, #tpu.memory_space<vmem>>, vector<16xf32>,
    %swap3A_179 = vector.shape_cast %swap3A_178 : vector<16xf32> to vector<16xf32>
    %swap3A_180 = vector.shape_cast %broadcast_in_dim3A_176 : vector<16xf32> to vector<16xf32>
    tpu.vector_store %arg6[%swap3A_177], %swap3A_180 {strides = array<i32>} : memref<640xf32, #tpu.memory_space<vmem>>, vector<16xf32>,
    %broadcast_in_dim3A_181 = arith.constant 0.000000e+00 : f32
    %broadcast_in_dim3A_182 = vector.broadcast %broadcast_in_dim3A_181 : f32 to vector<16xf32>
    %swap3A_183 = arith.constant 480 : index
    %swap3A_184 = tpu.vector_load %arg6[%swap3A_183] {strides = array<i32>} : memref<640xf32, #tpu.memory_space<vmem>>, vector<16xf32>,
    %swap3A_185 = vector.shape_cast %swap3A_184 : vector<16xf32> to vector<16xf32>
    %swap3A_186 = vector.shape_cast %broadcast_in_dim3A_182 : vector<16xf32> to vector<16xf32>
    tpu.vector_store %arg6[%swap3A_183], %swap3A_186 {strides = array<i32>} : memref<640xf32, #tpu.memory_space<vmem>>, vector<16xf32>,
    %broadcast_in_dim3A_187 = arith.constant 0.000000e+00 : f32
    %broadcast_in_dim3A_188 = vector.broadcast %broadcast_in_dim3A_187 : f32 to vector<16xf32>
    %swap3A_189 = arith.constant 496 : index
    %swap3A_190 = tpu.vector_load %arg6[%swap3A_189] {strides = array<i32>} : memref<640xf32, #tpu.memory_space<vmem>>, vector<16xf32>,
    %swap3A_191 = vector.shape_cast %swap3A_190 : vector<16xf32> to vector<16xf32>
    %swap3A_192 = vector.shape_cast %broadcast_in_dim3A_188 : vector<16xf32> to vector<16xf32>
    tpu.vector_store %arg6[%swap3A_189], %swap3A_192 {strides = array<i32>} : memref<640xf32, #tpu.memory_space<vmem>>, vector<16xf32>,
    %broadcast_in_dim3A_193 = arith.constant 0.000000e+00 : f32
    %broadcast_in_dim3A_194 = vector.broadcast %broadcast_in_dim3A_193 : f32 to vector<16xf32>
    %swap3A_195 = arith.constant 512 : index
    %swap3A_196 = tpu.vector_load %arg6[%swap3A_195] {strides = array<i32>} : memref<640xf32, #tpu.memory_space<vmem>>, vector<16xf32>,
    %swap3A_197 = vector.shape_cast %swap3A_196 : vector<16xf32> to vector<16xf32>
    %swap3A_198 = vector.shape_cast %broadcast_in_dim3A_194 : vector<16xf32> to vector<16xf32>
    tpu.vector_store %arg6[%swap3A_195], %swap3A_198 {strides = array<i32>} : memref<640xf32, #tpu.memory_space<vmem>>, vector<16xf32>,
    %broadcast_in_dim3A_199 = arith.constant 0.000000e+00 : f32
    %broadcast_in_dim3A_200 = vector.broadcast %broadcast_in_dim3A_199 : f32 to vector<16xf32>
    %swap3A_201 = arith.constant 528 : index
    %swap3A_202 = tpu.vector_load %arg6[%swap3A_201] {strides = array<i32>} : memref<640xf32, #tpu.memory_space<vmem>>, vector<16xf32>,
    %swap3A_203 = vector.shape_cast %swap3A_202 : vector<16xf32> to vector<16xf32>
    %swap3A_204 = vector.shape_cast %broadcast_in_dim3A_200 : vector<16xf32> to vector<16xf32>
    tpu.vector_store %arg6[%swap3A_201], %swap3A_204 {strides = array<i32>} : memref<640xf32, #tpu.memory_space<vmem>>, vector<16xf32>,
    %broadcast_in_dim3A_205 = arith.constant 0.000000e+00 : f32
    %broadcast_in_dim3A_206 = vector.broadcast %broadcast_in_dim3A_205 : f32 to vector<16xf32>
    %swap3A_207 = arith.constant 544 : index
    %swap3A_208 = tpu.vector_load %arg6[%swap3A_207] {strides = array<i32>} : memref<640xf32, #tpu.memory_space<vmem>>, vector<16xf32>,
    %swap3A_209 = vector.shape_cast %swap3A_208 : vector<16xf32> to vector<16xf32>
    %swap3A_210 = vector.shape_cast %broadcast_in_dim3A_206 : vector<16xf32> to vector<16xf32>
    tpu.vector_store %arg6[%swap3A_207], %swap3A_210 {strides = array<i32>} : memref<640xf32, #tpu.memory_space<vmem>>, vector<16xf32>,
    %broadcast_in_dim3A_211 = arith.constant 0.000000e+00 : f32
    %broadcast_in_dim3A_212 = vector.broadcast %broadcast_in_dim3A_211 : f32 to vector<16xf32>
    %swap3A_213 = arith.constant 560 : index
    %swap3A_214 = tpu.vector_load %arg6[%swap3A_213] {strides = array<i32>} : memref<640xf32, #tpu.memory_space<vmem>>, vector<16xf32>,
    %swap3A_215 = vector.shape_cast %swap3A_214 : vector<16xf32> to vector<16xf32>
    %swap3A_216 = vector.shape_cast %broadcast_in_dim3A_212 : vector<16xf32> to vector<16xf32>
    tpu.vector_store %arg6[%swap3A_213], %swap3A_216 {strides = array<i32>} : memref<640xf32, #tpu.memory_space<vmem>>, vector<16xf32>,
    %broadcast_in_dim3A_217 = arith.constant 0.000000e+00 : f32
    %broadcast_in_dim3A_218 = vector.broadcast %broadcast_in_dim3A_217 : f32 to vector<16xf32>
    %swap3A_219 = arith.constant 576 : index
    %swap3A_220 = tpu.vector_load %arg6[%swap3A_219] {strides = array<i32>} : memref<640xf32, #tpu.memory_space<vmem>>, vector<16xf32>,
    %swap3A_221 = vector.shape_cast %swap3A_220 : vector<16xf32> to vector<16xf32>
    %swap3A_222 = vector.shape_cast %broadcast_in_dim3A_218 : vector<16xf32> to vector<16xf32>
    tpu.vector_store %arg6[%swap3A_219], %swap3A_222 {strides = array<i32>} : memref<640xf32, #tpu.memory_space<vmem>>, vector<16xf32>,
    %broadcast_in_dim3A_223 = arith.constant 0.000000e+00 : f32
    %broadcast_in_dim3A_224 = vector.broadcast %broadcast_in_dim3A_223 : f32 to vector<16xf32>
    %swap3A_225 = arith.constant 592 : index
    %swap3A_226 = tpu.vector_load %arg6[%swap3A_225] {strides = array<i32>} : memref<640xf32, #tpu.memory_space<vmem>>, vector<16xf32>,
    %swap3A_227 = vector.shape_cast %swap3A_226 : vector<16xf32> to vector<16xf32>
    %swap3A_228 = vector.shape_cast %broadcast_in_dim3A_224 : vector<16xf32> to vector<16xf32>
    tpu.vector_store %arg6[%swap3A_225], %swap3A_228 {strides = array<i32>} : memref<640xf32, #tpu.memory_space<vmem>>, vector<16xf32>,
    %broadcast_in_dim3A_229 = arith.constant 0.000000e+00 : f32
    %broadcast_in_dim3A_230 = vector.broadcast %broadcast_in_dim3A_229 : f32 to vector<16xf32>
    %swap3A_231 = arith.constant 608 : index
    %swap3A_232 = tpu.vector_load %arg6[%swap3A_231] {strides = array<i32>} : memref<640xf32, #tpu.memory_space<vmem>>, vector<16xf32>,
    %swap3A_233 = vector.shape_cast %swap3A_232 : vector<16xf32> to vector<16xf32>
    %swap3A_234 = vector.shape_cast %broadcast_in_dim3A_230 : vector<16xf32> to vector<16xf32>
    tpu.vector_store %arg6[%swap3A_231], %swap3A_234 {strides = array<i32>} : memref<640xf32, #tpu.memory_space<vmem>>, vector<16xf32>,
    %broadcast_in_dim3A_235 = arith.constant 0.000000e+00 : f32
    %broadcast_in_dim3A_236 = vector.broadcast %broadcast_in_dim3A_235 : f32 to vector<16xf32>
    %swap3A_237 = arith.constant 624 : index
    %swap3A_238 = tpu.vector_load %arg6[%swap3A_237] {strides = array<i32>} : memref<640xf32, #tpu.memory_space<vmem>>, vector<16xf32>,
    %swap3A_239 = vector.shape_cast %swap3A_238 : vector<16xf32> to vector<16xf32>
    %swap3A_240 = vector.shape_cast %broadcast_in_dim3A_236 : vector<16xf32> to vector<16xf32>
    tpu.vector_store %arg6[%swap3A_237], %swap3A_240 {strides = array<i32>} : memref<640xf32, #tpu.memory_space<vmem>>, vector<16xf32>,
    %broadcast_in_dim3A_241 = arith.constant 1.000000e+00 : f32
    %broadcast_in_dim3A_242 = vector.broadcast %broadcast_in_dim3A_241 : f32 to vector<16xf32>
    %swap3A_243 = arith.constant 0 : index
    %swap3A_244 = tpu.vector_load %arg5[%swap3A_243] {strides = array<i32>} : memref<80xf32, #tpu.memory_space<vmem>>, vector<16xf32>,
    %swap3A_245 = vector.shape_cast %swap3A_244 : vector<16xf32> to vector<16xf32>
    %swap3A_246 = vector.shape_cast %broadcast_in_dim3A_242 : vector<16xf32> to vector<16xf32>
    tpu.vector_store %arg5[%swap3A_243], %swap3A_246 {strides = array<i32>} : memref<80xf32, #tpu.memory_space<vmem>>, vector<16xf32>,
    %broadcast_in_dim3A_247 = arith.constant 1.000000e+00 : f32
    %broadcast_in_dim3A_248 = vector.broadcast %broadcast_in_dim3A_247 : f32 to vector<16xf32>
    %swap3A_249 = arith.constant 16 : index
    %swap3A_250 = tpu.vector_load %arg5[%swap3A_249] {strides = array<i32>} : memref<80xf32, #tpu.memory_space<vmem>>, vector<16xf32>,
    %swap3A_251 = vector.shape_cast %swap3A_250 : vector<16xf32> to vector<16xf32>
    %swap3A_252 = vector.shape_cast %broadcast_in_dim3A_248 : vector<16xf32> to vector<16xf32>
    tpu.vector_store %arg5[%swap3A_249], %swap3A_252 {strides = array<i32>} : memref<80xf32, #tpu.memory_space<vmem>>, vector<16xf32>,
    %broadcast_in_dim3A_253 = arith.constant 1.000000e+00 : f32
    %broadcast_in_dim3A_254 = vector.broadcast %broadcast_in_dim3A_253 : f32 to vector<16xf32>
    %swap3A_255 = arith.constant 32 : index
    %swap3A_256 = tpu.vector_load %arg5[%swap3A_255] {strides = array<i32>} : memref<80xf32, #tpu.memory_space<vmem>>, vector<16xf32>,
    %swap3A_257 = vector.shape_cast %swap3A_256 : vector<16xf32> to vector<16xf32>
    %swap3A_258 = vector.shape_cast %broadcast_in_dim3A_254 : vector<16xf32> to vector<16xf32>
    tpu.vector_store %arg5[%swap3A_255], %swap3A_258 {strides = array<i32>} : memref<80xf32, #tpu.memory_space<vmem>>, vector<16xf32>,
    %broadcast_in_dim3A_259 = arith.constant 1.000000e+00 : f32
    %broadcast_in_dim3A_260 = vector.broadcast %broadcast_in_dim3A_259 : f32 to vector<16xf32>
    %swap3A_261 = arith.constant 48 : index
    %swap3A_262 = tpu.vector_load %arg5[%swap3A_261] {strides = array<i32>} : memref<80xf32, #tpu.memory_space<vmem>>, vector<16xf32>,
    %swap3A_263 = vector.shape_cast %swap3A_262 : vector<16xf32> to vector<16xf32>
    %swap3A_264 = vector.shape_cast %broadcast_in_dim3A_260 : vector<16xf32> to vector<16xf32>
    tpu.vector_store %arg5[%swap3A_261], %swap3A_264 {strides = array<i32>} : memref<80xf32, #tpu.memory_space<vmem>>, vector<16xf32>,
    %broadcast_in_dim3A_265 = arith.constant 1.000000e+00 : f32
    %broadcast_in_dim3A_266 = vector.broadcast %broadcast_in_dim3A_265 : f32 to vector<16xf32>
    %swap3A_267 = arith.constant 64 : index
    %swap3A_268 = tpu.vector_load %arg5[%swap3A_267] {strides = array<i32>} : memref<80xf32, #tpu.memory_space<vmem>>, vector<16xf32>,
    %swap3A_269 = vector.shape_cast %swap3A_268 : vector<16xf32> to vector<16xf32>
    %swap3A_270 = vector.shape_cast %broadcast_in_dim3A_266 : vector<16xf32> to vector<16xf32>
    tpu.vector_store %arg5[%swap3A_267], %swap3A_270 {strides = array<i32>} : memref<80xf32, #tpu.memory_space<vmem>>, vector<16xf32>,
    "tpu.region"() ({
      %run_scoped3A = tpu.sem_alloc : memref<!tpu.dma_semaphore, #tpu.memory_space<semaphore_mem>>
      %dma_start3A = tpu.memref_slice %arg7[%mul3A_2] : memref<10000xf32, #tpu.memory_space<vmem_shared>> -> memref<640xf32, #tpu.memory_space<vmem_shared>>
      %dma_start3A_280 = tpu.memref_slice %arg7[%mul3A_2] : memref<10000xf32, #tpu.memory_space<vmem_shared>> -> memref<640xf32, #tpu.memory_space<vmem_shared>>
      tpu.enqueue_dma source(%arg6 : memref<640xf32, #tpu.memory_space<vmem>>) target(%dma_start3A_280 : memref<640xf32, #tpu.memory_space<vmem_shared>>) target_semaphore(%run_scoped3A : memref<!tpu.dma_semaphore, #tpu.memory_space<semaphore_mem>>)
      %dma_wait3A = tpu.memref_slice %arg7[%mul3A_2] : memref<10000xf32, #tpu.memory_space<vmem_shared>> -> memref<640xf32, #tpu.memory_space<vmem_shared>>
      %dma_wait3A_281 = tpu.memref_slice %arg7[%mul3A_2] : memref<10000xf32, #tpu.memory_space<vmem_shared>> -> memref<640xf32, #tpu.memory_space<vmem_shared>>
      tpu.wait_dma2 semaphore(%run_scoped3A : memref<!tpu.dma_semaphore, #tpu.memory_space<semaphore_mem>>) src(%arg6 : memref<640xf32, #tpu.memory_space<vmem>>) dst(%dma_wait3A_281 : memref<640xf32, #tpu.memory_space<vmem_shared>>)
      tpu.yield
    }) : () -> ()
    "tpu.region"() ({
      %run_scoped3A = tpu.sem_alloc : memref<!tpu.dma_semaphore, #tpu.memory_space<semaphore_mem>>
      %dma_start3A = arith.constant 0 : i32
      %dma_start3A_280 = arith.constant 0 : i32
      %dma_start3A_281 = tpu.memref_slice %arg2[%add3A, %dma_start3A, %dma_start3A_280] : memref<32x125x80xi32, #tpu.memory_space<hbm>> -> memref<1x125x80xi32, #tpu.memory_space<hbm>>
      %dma_start3A_282 = tpu.memref_squeeze %dma_start3A_281 : memref<1x125x80xi32, #tpu.memory_space<hbm>> -> memref<125x80xi32, #tpu.memory_space<hbm>>
      %dma_start3A_283 = arith.constant 0 : i32
      %dma_start3A_284 = arith.constant 0 : i32
      %dma_start3A_285 = tpu.memref_slice %arg2[%add3A, %dma_start3A_283, %dma_start3A_284] : memref<32x125x80xi32, #tpu.memory_space<hbm>> -> memref<1x125x80xi32, #tpu.memory_space<hbm>>
      %dma_start3A_286 = tpu.memref_squeeze %dma_start3A_285 : memref<1x125x80xi32, #tpu.memory_space<hbm>> -> memref<125x80xi32, #tpu.memory_space<hbm>>
      tpu.enqueue_dma source(%dma_start3A_286 : memref<125x80xi32, #tpu.memory_space<hbm>>) target(%arg4 : memref<125x80xi32, #tpu.memory_space<vmem>>) target_semaphore(%run_scoped3A : memref<!tpu.dma_semaphore, #tpu.memory_space<semaphore_mem>>)
      %dma_wait3A = arith.constant 0 : i32
      %dma_wait3A_287 = arith.constant 0 : i32
      %dma_wait3A_288 = tpu.memref_slice %arg2[%add3A, %dma_wait3A, %dma_wait3A_287] : memref<32x125x80xi32, #tpu.memory_space<hbm>> -> memref<1x125x80xi32, #tpu.memory_space<hbm>>
      %dma_wait3A_289 = tpu.memref_squeeze %dma_wait3A_288 : memref<1x125x80xi32, #tpu.memory_space<hbm>> -> memref<125x80xi32, #tpu.memory_space<hbm>>
      %dma_wait3A_290 = arith.constant 0 : i32
      %dma_wait3A_291 = arith.constant 0 : i32
      %dma_wait3A_292 = tpu.memref_slice %arg2[%add3A, %dma_wait3A_290, %dma_wait3A_291] : memref<32x125x80xi32, #tpu.memory_space<hbm>> -> memref<1x125x80xi32, #tpu.memory_space<hbm>>
      %dma_wait3A_293 = tpu.memref_squeeze %dma_wait3A_292 : memref<1x125x80xi32, #tpu.memory_space<hbm>> -> memref<125x80xi32, #tpu.memory_space<hbm>>
      tpu.wait_dma2 semaphore(%run_scoped3A : memref<!tpu.dma_semaphore, #tpu.memory_space<semaphore_mem>>) src(%dma_wait3A_293 : memref<125x80xi32, #tpu.memory_space<hbm>>) dst(%arg4 : memref<125x80xi32, #tpu.memory_space<vmem>>)
      tpu.yield
    }) : () -> ()
    %barrier3A = arith.constant 0 : index
    tpu.barrier barrier_id(%barrier3A)
    %scan3A = arith.constant 0 : i32
    %scan3A_271 = arith.constant 0 : i32
    %scan3A_272 = arith.constant 125 : i32
    %scan3A_273 = arith.addi %scan3A_271, %scan3A_272 : i32
    %scan3A_274 = arith.constant 1 : i32
    scf.for %scan3A_280 = %scan3A_271 to %scan3A_273 step %scan3A_274  : i32 {
      "tpu.region"() ({
        %run_scoped3A = tpu.sem_alloc : memref<!tpu.dma_semaphore, #tpu.memory_space<semaphore_mem>>
        %dma_start3A = arith.constant 0 : i32
        %dma_start3A_281 = tpu.memref_slice %arg4[%scan3A_280, %dma_start3A] : memref<125x80xi32, #tpu.memory_space<vmem>> -> memref<1x80xi32, #tpu.memory_space<vmem>>
        %dma_start3A_282 = tpu.memref_squeeze %dma_start3A_281 : memref<1x80xi32, #tpu.memory_space<vmem>> -> memref<80xi32, #tpu.memory_space<vmem>>
        %dma_start3A_283 = arith.constant 0 : i32
        %dma_start3A_284 = tpu.memref_slice %arg7[%dma_start3A_283] : memref<10000xf32, #tpu.memory_space<vmem_shared>> -> memref<10000xf32, #tpu.memory_space<vmem_shared>>
        tpu.enqueue_indirect_dma source(%arg5 : memref<80xf32, #tpu.memory_space<vmem>>) target(%dma_start3A_284 : memref<10000xf32, #tpu.memory_space<vmem_shared>>) offsets(%dma_start3A_282 : memref<80xi32, #tpu.memory_space<vmem>>) semaphore(%run_scoped3A : memref<!tpu.dma_semaphore, #tpu.memory_space<semaphore_mem>>) {add = true}
        %dma_wait3A = arith.constant 0 : i32
        %dma_wait3A_285 = tpu.memref_slice %arg4[%scan3A_280, %dma_wait3A] : memref<125x80xi32, #tpu.memory_space<vmem>> -> memref<1x80xi32, #tpu.memory_space<vmem>>
        %dma_wait3A_286 = tpu.memref_squeeze %dma_wait3A_285 : memref<1x80xi32, #tpu.memory_space<vmem>> -> memref<80xi32, #tpu.memory_space<vmem>>
        %dma_wait3A_287 = arith.constant 0 : i32
        %dma_wait3A_288 = tpu.memref_slice %arg7[%dma_wait3A_287] : memref<10000xf32, #tpu.memory_space<vmem_shared>> -> memref<10000xf32, #tpu.memory_space<vmem_shared>>
        tpu.wait_indirect_dma semaphore(%run_scoped3A : memref<!tpu.dma_semaphore, #tpu.memory_space<semaphore_mem>>) src(%arg5 : memref<80xf32, #tpu.memory_space<vmem>>) dst(%dma_wait3A_288 : memref<10000xf32, #tpu.memory_space<vmem_shared>>)
        tpu.yield
      }) : () -> ()
    }
    %scan3A_275 = arith.constant 125 : i32
    %barrier3A_276 = arith.constant 0 : index
    tpu.barrier barrier_id(%barrier3A_276)
    "tpu.region"() ({
      %run_scoped3A = tpu.sem_alloc : memref<!tpu.dma_semaphore, #tpu.memory_space<semaphore_mem>>
      %dma_start3A = tpu.memref_slice %arg7[%mul3A_2] : memref<10000xf32, #tpu.memory_space<vmem_shared>> -> memref<640xf32, #tpu.memory_space<vmem_shared>>
      %dma_start3A_280 = tpu.memref_slice %arg7[%mul3A_2] : memref<10000xf32, #tpu.memory_space<vmem_shared>> -> memref<640xf32, #tpu.memory_space<vmem_shared>>
      tpu.enqueue_dma source(%dma_start3A_280 : memref<640xf32, #tpu.memory_space<vmem_shared>>) target(%arg6 : memref<640xf32, #tpu.memory_space<vmem>>) target_semaphore(%run_scoped3A : memref<!tpu.dma_semaphore, #tpu.memory_space<semaphore_mem>>)
      %dma_wait3A = tpu.memref_slice %arg7[%mul3A_2] : memref<10000xf32, #tpu.memory_space<vmem_shared>> -> memref<640xf32, #tpu.memory_space<vmem_shared>>
      %dma_wait3A_281 = tpu.memref_slice %arg7[%mul3A_2] : memref<10000xf32, #tpu.memory_space<vmem_shared>> -> memref<640xf32, #tpu.memory_space<vmem_shared>>
      tpu.wait_dma2 semaphore(%run_scoped3A : memref<!tpu.dma_semaphore, #tpu.memory_space<semaphore_mem>>) src(%dma_wait3A_281 : memref<640xf32, #tpu.memory_space<vmem_shared>>) dst(%arg6 : memref<640xf32, #tpu.memory_space<vmem>>)
      tpu.yield
    }) : () -> ()
    %mul3A_277 = arith.constant 10000 : i32
    %mul3A_278 = arith.muli %arg0, %mul3A_277 : i32
    %add3A_279 = arith.addi %mul3A_278, %mul3A_2 : i32
    "tpu.region"() ({
      %run_scoped3A = tpu.sem_alloc : memref<!tpu.dma_semaphore, #tpu.memory_space<semaphore_mem>>
      %dma_start3A = tpu.memref_slice %arg3[%add3A_279] : memref<20000xf32, #tpu.memory_space<hbm>> -> memref<640xf32, #tpu.memory_space<hbm>>
      %dma_start3A_280 = tpu.memref_slice %arg3[%add3A_279] : memref<20000xf32, #tpu.memory_space<hbm>> -> memref<640xf32, #tpu.memory_space<hbm>>
      tpu.enqueue_dma source(%arg6 : memref<640xf32, #tpu.memory_space<vmem>>) target(%dma_start3A_280 : memref<640xf32, #tpu.memory_space<hbm>>) target_semaphore(%run_scoped3A : memref<!tpu.dma_semaphore, #tpu.memory_space<semaphore_mem>>)
      %dma_wait3A = tpu.memref_slice %arg3[%add3A_279] : memref<20000xf32, #tpu.memory_space<hbm>> -> memref<640xf32, #tpu.memory_space<hbm>>
      %dma_wait3A_281 = tpu.memref_slice %arg3[%add3A_279] : memref<20000xf32, #tpu.memory_space<hbm>> -> memref<640xf32, #tpu.memory_space<hbm>>
      tpu.wait_dma2 semaphore(%run_scoped3A : memref<!tpu.dma_semaphore, #tpu.memory_space<semaphore_mem>>) src(%arg6 : memref<640xf32, #tpu.memory_space<vmem>>) dst(%dma_wait3A_281 : memref<640xf32, #tpu.memory_space<hbm>>)
      tpu.yield
    }) : () -> ()
    return
  }
}

module attributes {stable_mosaic.version = 14 : i64} {
  func.func @_mm_body(%arg0: i32, %arg1: memref<2000x128xf32, #tpu.memory_space<vmem>>, %arg2: memref<128x64xf32, #tpu.memory_space<vmem>>, %arg3: memref<2000x64xf32, #tpu.memory_space<vmem>>) attributes {dimension_semantics = [#tpu.dimension_semantics<arbitrary>], iteration_bounds = array<i64: 5>, scalar_prefetch = 0 : i64, scratch_operands = 0 : i64, tpu.core_type = #tpu.core_type<tc>, window_params = [{transform_indices = @transform_0, window_bounds = array<i64: 2000, 128>}, {pipeline_mode = #tpu.pipeline_mode<synchronous>, transform_indices = @transform_1, window_bounds = array<i64: 128, 64>}, {transform_indices = @transform_2, window_bounds = array<i64: 2000, 64>}]} {
    %get3A = arith.constant 0 : index
    %get3A_0 = arith.constant 0 : index
    %get3A_1 = vector.load %arg1[%get3A, %get3A_0] : memref<2000x128xf32, #tpu.memory_space<vmem>>, vector<2000x128xf32>
    %get3A_2 = arith.constant 0 : index
    %get3A_3 = arith.constant 0 : index
    %get3A_4 = vector.load %arg2[%get3A_2, %get3A_3] : memref<128x64xf32, #tpu.memory_space<vmem>>, vector<128x64xf32>
    %dot_general3A = arith.constant dense<0.000000e+00> : vector<2000x64xf32>
    %dot_general3A_5 = tpu.matmul %get3A_1, %get3A_4, %dot_general3A {dimension_numbers = #tpu.dot_dimension_numbers<[1], [0], [0], [1], [0, 0, 1, 1], [], []>, transpose_lhs_hint = false} : vector<2000x128xf32>, vector<128x64xf32>, vector<2000x64xf32> -> vector<2000x64xf32>
    %swap3A = arith.constant 0 : index
    %swap3A_6 = arith.constant 0 : index
    %swap3A_7 = vector.load %arg3[%swap3A, %swap3A_6] : memref<2000x64xf32, #tpu.memory_space<vmem>>, vector<2000x64xf32>
    tpu.vector_store %arg3[%swap3A, %swap3A_6], %dot_general3A_5 {strides = array<i32>} : memref<2000x64xf32, #tpu.memory_space<vmem>>, vector<2000x64xf32>,
    return
  }
  func.func @transform_0(%arg0: i32) -> (i32, i32) {
    %c0_i32 = arith.constant 0 : i32
    %c0_i32_0 = arith.constant 0 : i32
    return %arg0, %c0_i32 : i32, i32
  }
  func.func @transform_1(%arg0: i32) -> (i32, i32) {
    %c0_i32 = arith.constant 0 : i32
    %c0_i32_0 = arith.constant 0 : i32
    %c0_i32_1 = arith.constant 0 : i32
    return %c0_i32, %c0_i32_0 : i32, i32
  }
  func.func @transform_2(%arg0: i32) -> (i32, i32) {
    %c0_i32 = arith.constant 0 : i32
    %c0_i32_0 = arith.constant 0 : i32
    return %arg0, %c0_i32 : i32, i32
  }
}

module attributes {stable_mosaic.version = 14 : i64} {
  func.func @_scale_body(%arg0: i32, %arg1: memref<2000x2xf32, #tpu.memory_space<vmem>>, %arg2: memref<2000x64xf32, #tpu.memory_space<vmem>>, %arg3: memref<2000x64xf32, #tpu.memory_space<vmem>>) attributes {dimension_semantics = [#tpu.dimension_semantics<arbitrary>], iteration_bounds = array<i64: 5>, scalar_prefetch = 0 : i64, scratch_operands = 0 : i64, tpu.core_type = #tpu.core_type<tc>, window_params = [{transform_indices = @transform_0, window_bounds = array<i64: 2000, 2>}, {transform_indices = @transform_1, window_bounds = array<i64: 2000, 64>}, {transform_indices = @transform_2, window_bounds = array<i64: 2000, 64>}]} {
    %get3A = arith.constant 0 : index
    %get3A_0 = arith.constant 0 : index
    %get3A_1 = vector.load %arg2[%get3A, %get3A_0] : memref<2000x64xf32, #tpu.memory_space<vmem>>, vector<2000x64xf32>
    %get3A_2 = arith.constant 0 : index
    %get3A_3 = arith.constant 0 : index
    %get3A_4 = vector.load %arg1[%get3A_2, %get3A_3] : memref<2000x2xf32, #tpu.memory_space<vmem>>, vector<2000x2xf32>
    %slice3A = vector.extract_strided_slice %get3A_4 {offsets = [0, 0], sizes = [2000, 1], strides = [1, 1]} : vector<2000x2xf32> to vector<2000x1xf32>
    %add3A = arith.constant 1.000000e+00 : f32
    %add3A_5 = vector.broadcast %add3A : f32 to vector<2000x1xf32>
    %add3A_6 = arith.addf %add3A_5, %slice3A : vector<2000x1xf32>
    %slice3A_7 = vector.extract_strided_slice %get3A_4 {offsets = [0, 1], sizes = [2000, 1], strides = [1, 1]} : vector<2000x2xf32> to vector<2000x1xf32>
    %add3A_8 = arith.addf %add3A_6, %slice3A_7 : vector<2000x1xf32>
    %rsqrt3A = math.rsqrt %add3A_8 : vector<2000x1xf32>
    %mul3A = vector.broadcast %rsqrt3A : vector<2000x1xf32> to vector<2000x64xf32>
    %mul3A_9 = arith.mulf %get3A_1, %mul3A : vector<2000x64xf32>
    %swap3A = arith.constant 0 : index
    %swap3A_10 = arith.constant 0 : index
    %swap3A_11 = vector.load %arg3[%swap3A, %swap3A_10] : memref<2000x64xf32, #tpu.memory_space<vmem>>, vector<2000x64xf32>
    tpu.vector_store %arg3[%swap3A, %swap3A_10], %mul3A_9 {strides = array<i32>} : memref<2000x64xf32, #tpu.memory_space<vmem>>, vector<2000x64xf32>,
    return
  }
  func.func @transform_0(%arg0: i32) -> (i32, i32) {
    %c0_i32 = arith.constant 0 : i32
    %c0_i32_0 = arith.constant 0 : i32
    return %arg0, %c0_i32 : i32, i32
  }
  func.func @transform_1(%arg0: i32) -> (i32, i32) {
    %c0_i32 = arith.constant 0 : i32
    %c0_i32_0 = arith.constant 0 : i32
    return %arg0, %c0_i32 : i32, i32
  }
  func.func @transform_2(%arg0: i32) -> (i32, i32) {
    %c0_i32 = arith.constant 0 : i32
    %c0_i32_0 = arith.constant 0 : i32
    return %arg0, %c0_i32 : i32, i32
  }
}

module attributes {stable_mosaic.version = 14 : i64} {
  func.func @_fin_body(%arg0: i32, %arg1: memref<2000x2xf32, #tpu.memory_space<vmem>>, %arg2: memref<2000x64xf32, #tpu.memory_space<vmem>>, %arg3: memref<2x2000x128xf32, #tpu.memory_space<vmem>>, %arg4: memref<1x64xf32, #tpu.memory_space<vmem>>, %arg5: memref<64x2xf32, #tpu.memory_space<vmem>>, %arg6: memref<1x2xf32, #tpu.memory_space<vmem>>, %arg7: memref<2000x2xf32, #tpu.memory_space<vmem>>) attributes {dimension_semantics = [#tpu.dimension_semantics<arbitrary>], iteration_bounds = array<i64: 5>, scalar_prefetch = 0 : i64, scratch_operands = 0 : i64, tpu.core_type = #tpu.core_type<tc>, window_params = [{transform_indices = @transform_0, window_bounds = array<i64: 2000, 2>}, {transform_indices = @transform_1, window_bounds = array<i64: 2000, 64>}, {transform_indices = @transform_2, window_bounds = array<i64: 2, 2000, 128>}, {pipeline_mode = #tpu.pipeline_mode<synchronous>, transform_indices = @transform_3, window_bounds = array<i64: 1, 64>}, {pipeline_mode = #tpu.pipeline_mode<synchronous>, transform_indices = @transform_4, window_bounds = array<i64: 64, 2>}, {pipeline_mode = #tpu.pipeline_mode<synchronous>, transform_indices = @transform_5, window_bounds = array<i64: 1, 2>}, {transform_indices = @transform_6, window_bounds = array<i64: 2000, 2>}]} {
    %get3A = arith.constant 0 : index
    %get3A_0 = arith.constant 0 : index
    %get3A_1 = vector.load %arg1[%get3A, %get3A_0] : memref<2000x2xf32, #tpu.memory_space<vmem>>, vector<2000x2xf32>
    %slice3A = vector.extract_strided_slice %get3A_1 {offsets = [0, 0], sizes = [2000, 1], strides = [1, 1]} : vector<2000x2xf32> to vector<2000x1xf32>
    %add3A = arith.constant 1.000000e+00 : f32
    %add3A_2 = vector.broadcast %add3A : f32 to vector<2000x1xf32>
    %add3A_3 = arith.addf %add3A_2, %slice3A : vector<2000x1xf32>
    %slice3A_4 = vector.extract_strided_slice %get3A_1 {offsets = [0, 1], sizes = [2000, 1], strides = [1, 1]} : vector<2000x2xf32> to vector<2000x1xf32>
    %add3A_5 = arith.addf %add3A_3, %slice3A_4 : vector<2000x1xf32>
    %rsqrt3A = math.rsqrt %add3A_5 : vector<2000x1xf32>
    %get3A_6 = arith.constant 0 : index
    %get3A_7 = arith.constant 0 : index
    %get3A_8 = arith.constant 0 : index
    %get3A_9 = vector.load %arg3[%get3A_6, %get3A_7, %get3A_8] : memref<2x2000x128xf32, #tpu.memory_space<vmem>>, vector<1x2000x64xf32>
    %get3A_10 = vector.shape_cast %get3A_9 : vector<1x2000x64xf32> to vector<2000x64xf32>
    %get3A_11 = arith.constant 1 : index
    %get3A_12 = arith.constant 0 : index
    %get3A_13 = arith.constant 0 : index
    %get3A_14 = vector.load %arg3[%get3A_11, %get3A_12, %get3A_13] : memref<2x2000x128xf32, #tpu.memory_space<vmem>>, vector<1x2000x64xf32>
    %get3A_15 = vector.shape_cast %get3A_14 : vector<1x2000x64xf32> to vector<2000x64xf32>
    %add3A_16 = arith.addf %get3A_10, %get3A_15 : vector<2000x64xf32>
    %get3A_17 = arith.constant 0 : index
    %get3A_18 = arith.constant 0 : index
    %get3A_19 = vector.load %arg2[%get3A_17, %get3A_18] : memref<2000x64xf32, #tpu.memory_space<vmem>>, vector<2000x64xf32>
    %mul3A = vector.broadcast %rsqrt3A : vector<2000x1xf32> to vector<2000x64xf32>
    %mul3A_20 = arith.mulf %add3A_16, %mul3A : vector<2000x64xf32>
    %get3A_21 = arith.constant 0 : index
    %get3A_22 = arith.constant 0 : index
    %get3A_23 = vector.load %arg4[%get3A_21, %get3A_22] : memref<1x64xf32, #tpu.memory_space<vmem>>, vector<1x64xf32>
    %add3A_24 = vector.broadcast %get3A_23 : vector<1x64xf32> to vector<2000x64xf32>
    %add3A_25 = arith.addf %mul3A_20, %add3A_24 : vector<2000x64xf32>
    %max3A = arith.constant 0.000000e+00 : f32
    %max3A_26 = vector.broadcast %max3A : f32 to vector<2000x64xf32>
    %max3A_27 = arith.maximumf %add3A_25, %max3A_26 : vector<2000x64xf32>
    %add3A_28 = arith.addf %get3A_19, %max3A_27 : vector<2000x64xf32>
    %get3A_29 = arith.constant 0 : index
    %get3A_30 = arith.constant 0 : index
    %get3A_31 = vector.load %arg5[%get3A_29, %get3A_30] : memref<64x2xf32, #tpu.memory_space<vmem>>, vector<64x2xf32>
    %dot_general3A = arith.constant dense<0.000000e+00> : vector<2000x2xf32>
    %dot_general3A_32 = tpu.matmul %add3A_28, %get3A_31, %dot_general3A {dimension_numbers = #tpu.dot_dimension_numbers<[1], [0], [0], [1], [0, 0, 1, 1], [], []>, transpose_lhs_hint = false} : vector<2000x64xf32>, vector<64x2xf32>, vector<2000x2xf32> -> vector<2000x2xf32>
    %get3A_33 = arith.constant 0 : index
    %get3A_34 = arith.constant 0 : index
    %get3A_35 = vector.load %arg6[%get3A_33, %get3A_34] : memref<1x2xf32, #tpu.memory_space<vmem>>, vector<1x2xf32>
    %add3A_36 = vector.broadcast %get3A_35 : vector<1x2xf32> to vector<2000x2xf32>
    %add3A_37 = arith.addf %dot_general3A_32, %add3A_36 : vector<2000x2xf32>
    %swap3A = arith.constant 0 : index
    %swap3A_38 = arith.constant 0 : index
    %swap3A_39 = vector.load %arg7[%swap3A, %swap3A_38] : memref<2000x2xf32, #tpu.memory_space<vmem>>, vector<2000x2xf32>
    tpu.vector_store %arg7[%swap3A, %swap3A_38], %add3A_37 {strides = array<i32>} : memref<2000x2xf32, #tpu.memory_space<vmem>>, vector<2000x2xf32>,
    return
  }
  func.func @transform_0(%arg0: i32) -> (i32, i32) {
    %c0_i32 = arith.constant 0 : i32
    %c0_i32_0 = arith.constant 0 : i32
    return %arg0, %c0_i32 : i32, i32
  }
  func.func @transform_1(%arg0: i32) -> (i32, i32) {
    %c0_i32 = arith.constant 0 : i32
    %c0_i32_0 = arith.constant 0 : i32
    return %arg0, %c0_i32 : i32, i32
  }
  func.func @transform_2(%arg0: i32) -> (i32, i32, i32) {
    %c0_i32 = arith.constant 0 : i32
    %c0_i32_0 = arith.constant 0 : i32
    %c0_i32_1 = arith.constant 0 : i32
    return %c0_i32, %arg0, %c0_i32_0 : i32, i32, i32
  }
  func.func @transform_3(%arg0: i32) -> (i32, i32) {
    %c0_i32 = arith.constant 0 : i32
    %c0_i32_0 = arith.constant 0 : i32
    %c0_i32_1 = arith.constant 0 : i32
    return %c0_i32, %c0_i32_0 : i32, i32
  }
  func.func @transform_4(%arg0: i32) -> (i32, i32) {
    %c0_i32 = arith.constant 0 : i32
    %c0_i32_0 = arith.constant 0 : i32
    %c0_i32_1 = arith.constant 0 : i32
    return %c0_i32, %c0_i32_0 : i32, i32
  }
  func.func @transform_5(%arg0: i32) -> (i32, i32) {
    %c0_i32 = arith.constant 0 : i32
    %c0_i32_0 = arith.constant 0 : i32
    %c0_i32_1 = arith.constant 0 : i32
    return %c0_i32, %c0_i32_0 : i32, i32
  }
  func.func @transform_6(%arg0: i32) -> (i32, i32) {
    %c0_i32 = arith.constant 0 : i32
    %c0_i32_0 = arith.constant 0 : i32
    return %arg0, %c0_i32 : i32, i32
  }
}

module attributes {stable_mosaic.version = 14 : i64} {
  func.func @_mid_body(%arg0: i32, %arg1: memref<2000x2xf32, #tpu.memory_space<vmem>>, %arg2: memref<2x2000x128xf32, #tpu.memory_space<vmem>>, %arg3: memref<1x64xf32, #tpu.memory_space<vmem>>, %arg4: memref<64x64xf32, #tpu.memory_space<vmem>>, %arg5: memref<2000x64xf32, #tpu.memory_space<vmem>>, %arg6: memref<2000x64xf32, #tpu.memory_space<vmem>>) attributes {dimension_semantics = [#tpu.dimension_semantics<arbitrary>], iteration_bounds = array<i64: 5>, scalar_prefetch = 0 : i64, scratch_operands = 0 : i64, tpu.core_type = #tpu.core_type<tc>, window_params = [{transform_indices = @transform_0, window_bounds = array<i64: 2000, 2>}, {transform_indices = @transform_1, window_bounds = array<i64: 2, 2000, 128>}, {pipeline_mode = #tpu.pipeline_mode<synchronous>, transform_indices = @transform_2, window_bounds = array<i64: 1, 64>}, {pipeline_mode = #tpu.pipeline_mode<synchronous>, transform_indices = @transform_3, window_bounds = array<i64: 64, 64>}, {transform_indices = @transform_4, window_bounds = array<i64: 2000, 64>}, {transform_indices = @transform_5, window_bounds = array<i64: 2000, 64>}]} {
    %get3A = arith.constant 0 : index
    %get3A_0 = arith.constant 0 : index
    %get3A_1 = vector.load %arg1[%get3A, %get3A_0] : memref<2000x2xf32, #tpu.memory_space<vmem>>, vector<2000x2xf32>
    %slice3A = vector.extract_strided_slice %get3A_1 {offsets = [0, 0], sizes = [2000, 1], strides = [1, 1]} : vector<2000x2xf32> to vector<2000x1xf32>
    %add3A = arith.constant 1.000000e+00 : f32
    %add3A_2 = vector.broadcast %add3A : f32 to vector<2000x1xf32>
    %add3A_3 = arith.addf %add3A_2, %slice3A : vector<2000x1xf32>
    %slice3A_4 = vector.extract_strided_slice %get3A_1 {offsets = [0, 1], sizes = [2000, 1], strides = [1, 1]} : vector<2000x2xf32> to vector<2000x1xf32>
    %add3A_5 = arith.addf %add3A_3, %slice3A_4 : vector<2000x1xf32>
    %rsqrt3A = math.rsqrt %add3A_5 : vector<2000x1xf32>
    %get3A_6 = arith.constant 0 : index
    %get3A_7 = arith.constant 0 : index
    %get3A_8 = arith.constant 0 : index
    %get3A_9 = vector.load %arg2[%get3A_6, %get3A_7, %get3A_8] : memref<2x2000x128xf32, #tpu.memory_space<vmem>>, vector<1x2000x64xf32>
    %get3A_10 = vector.shape_cast %get3A_9 : vector<1x2000x64xf32> to vector<2000x64xf32>
    %get3A_11 = arith.constant 1 : index
    %get3A_12 = arith.constant 0 : index
    %get3A_13 = arith.constant 0 : index
    %get3A_14 = vector.load %arg2[%get3A_11, %get3A_12, %get3A_13] : memref<2x2000x128xf32, #tpu.memory_space<vmem>>, vector<1x2000x64xf32>
    %get3A_15 = vector.shape_cast %get3A_14 : vector<1x2000x64xf32> to vector<2000x64xf32>
    %add3A_16 = arith.addf %get3A_10, %get3A_15 : vector<2000x64xf32>
    %mul3A = vector.broadcast %rsqrt3A : vector<2000x1xf32> to vector<2000x64xf32>
    %mul3A_17 = arith.mulf %add3A_16, %mul3A : vector<2000x64xf32>
    %get3A_18 = arith.constant 0 : index
    %get3A_19 = arith.constant 0 : index
    %get3A_20 = vector.load %arg3[%get3A_18, %get3A_19] : memref<1x64xf32, #tpu.memory_space<vmem>>, vector<1x64xf32>
    %add3A_21 = vector.broadcast %get3A_20 : vector<1x64xf32> to vector<2000x64xf32>
    %add3A_22 = arith.addf %mul3A_17, %add3A_21 : vector<2000x64xf32>
    %max3A = arith.constant 0.000000e+00 : f32
    %max3A_23 = vector.broadcast %max3A : f32 to vector<2000x64xf32>
    %max3A_24 = arith.maximumf %add3A_22, %max3A_23 : vector<2000x64xf32>
    %swap3A = arith.constant 0 : index
    %swap3A_25 = arith.constant 0 : index
    %swap3A_26 = vector.load %arg5[%swap3A, %swap3A_25] : memref<2000x64xf32, #tpu.memory_space<vmem>>, vector<2000x64xf32>
    tpu.vector_store %arg5[%swap3A, %swap3A_25], %max3A_24 {strides = array<i32>} : memref<2000x64xf32, #tpu.memory_space<vmem>>, vector<2000x64xf32>,
    %get3A_27 = arith.constant 0 : index
    %get3A_28 = arith.constant 0 : index
    %get3A_29 = vector.load %arg4[%get3A_27, %get3A_28] : memref<64x64xf32, #tpu.memory_space<vmem>>, vector<64x64xf32>
    %dot_general3A = arith.constant dense<0.000000e+00> : vector<2000x64xf32>
    %dot_general3A_30 = tpu.matmul %max3A_24, %get3A_29, %dot_general3A {dimension_numbers = #tpu.dot_dimension_numbers<[1], [0], [0], [1], [0, 0, 1, 1], [], []>, transpose_lhs_hint = false} : vector<2000x64xf32>, vector<64x64xf32>, vector<2000x64xf32> -> vector<2000x64xf32>
    %mul3A_31 = vector.broadcast %rsqrt3A : vector<2000x1xf32> to vector<2000x64xf32>
    %mul3A_32 = arith.mulf %dot_general3A_30, %mul3A_31 : vector<2000x64xf32>
    %swap3A_33 = arith.constant 0 : index
    %swap3A_34 = arith.constant 0 : index
    %swap3A_35 = vector.load %arg6[%swap3A_33, %swap3A_34] : memref<2000x64xf32, #tpu.memory_space<vmem>>, vector<2000x64xf32>
    tpu.vector_store %arg6[%swap3A_33, %swap3A_34], %mul3A_32 {strides = array<i32>} : memref<2000x64xf32, #tpu.memory_space<vmem>>, vector<2000x64xf32>,
    return
  }
  func.func @transform_0(%arg0: i32) -> (i32, i32) {
    %c0_i32 = arith.constant 0 : i32
    %c0_i32_0 = arith.constant 0 : i32
    return %arg0, %c0_i32 : i32, i32
  }
  func.func @transform_1(%arg0: i32) -> (i32, i32, i32) {
    %c0_i32 = arith.constant 0 : i32
    %c0_i32_0 = arith.constant 0 : i32
    %c0_i32_1 = arith.constant 0 : i32
    return %c0_i32, %arg0, %c0_i32_0 : i32, i32, i32
  }
  func.func @transform_2(%arg0: i32) -> (i32, i32) {
    %c0_i32 = arith.constant 0 : i32
    %c0_i32_0 = arith.constant 0 : i32
    %c0_i32_1 = arith.constant 0 : i32
    return %c0_i32, %c0_i32_0 : i32, i32
  }
  func.func @transform_3(%arg0: i32) -> (i32, i32) {
    %c0_i32 = arith.constant 0 : i32
    %c0_i32_0 = arith.constant 0 : i32
    %c0_i32_1 = arith.constant 0 : i32
    return %c0_i32, %c0_i32_0 : i32, i32
  }
  func.func @transform_4(%arg0: i32) -> (i32, i32) {
    %c0_i32 = arith.constant 0 : i32
    %c0_i32_0 = arith.constant 0 : i32
    return %arg0, %c0_i32 : i32, i32
  }
  func.func @transform_5(%arg0: i32) -> (i32, i32) {
    %c0_i32 = arith.constant 0 : i32
    %c0_i32_0 = arith.constant 0 : i32
    return %arg0, %c0_i32 : i32, i32
  }
}

</mosaic_0001>

<sc_bundles>
// kernel: kernel.12.cloned.1.call-start
scs
__scs_entry_jumppad:
0x0: {  	(pc) =	sbr.rel $0x88, $3  }
0x1: {  	(tag) =	ssettag $0x0;
	lr =	simm.s32 $0x1  }
0x2: {  	[smem:$0x3F99] =	sst lr;
	_ =	strace $0xD0000000  }
0x3: {  	_ = 	snop  }
0x4: {  	_ = 	snop  }
0x5: {  	_ = 	snop  }
0x6: {  	_ = 	snop  }
0x7: {  	_ = 	snop  }
__scs_overlays_trampoline_lowered:
0x8: {  	[smem:$0x3FA8] =	sst s0  }
0x9: {  	[smem:$0x3FA9] =	sst s1  }
0xa: {  	[smem:$0x3FAA] =	sst s2  }
0xb: {  	[smem:$0x3FAB] =	sst s3  }
0xc: {  	[smem:$0x3FAC] =	sst s4  }
0xd: {  	[smem:$0x3FAD] =	sst s5  }
0xe: {  	[smem:$0x3FAE] =	sst s6  }
0xf: {  	[smem:$0x3FAF] =	sst s7  }
0x10: {  	[smem:$0x3FB0] =	sst s8  }
0x11: {  	[smem:$0x3FB1] =	sst s9;
	s0 =	simm.s32 @!p0 $0x0  }
0x12: {  	s1 =	sld [smem:$0x3F97];
	s0 =	simm.s32 @p0 $0x1  }
0x13: {  	[smem:$0x3FB2] =	sst s0;
	s0 =	simm.s32 @!p1 $0x0  }
0x14: {  	s2 =	sld [smem:$0x3F96];
	s0 =	simm.s32 @p1 $0x1  }
0x15: {  	[smem:$0x3FB3] =	sst s0;
	s0 =	simm.s32 @!p2 $0x0  }
0x16: {  	s3 =	sld [smem:$0x3FDB];
	s0 =	simm.s32 @p2 $0x1  }
0x17: {  	s4 =	simm.s32 $0x1BF5;
	[smem:$0x3FB5] =	sst s0  }
0x18: {  	s0 =	sld [smem:$0x3F98];
	_ =	swait.ge [sflag:s4], $0x0  }
0x19: {  	s7 =	sld [smem:$0x3F99]  }
0x1a: {  	s8 =	sadd.s32 $0xFFFFE003, lr  }
0x1b: {  	s9 =	sadd.s32 $0xFFFFFEF7, lr;
	s5 =	simm.s32 $0xFFFFFFFF;
	p2 =	slt.u32 s8, $0xFFFFF086  }
0x1c: {  	p1 =	slt.u32 s9, $0xF7A;
	s5 =	simm.s32 @!p2 $0x0  }
0x1d: {  	s5 =	simm.s32 @p1 $0x1;
	p0 =	seq.s32 s7, s2  }
0x1e: {  	s7 =	smul.u32 @!p0 $0xF7A, s2;
	p2 =	seq.s32 @!p0 s5, $0x0  }
0x1f: {  	s9 =	smul.u32 $0xF7A, s1;
	s8 =	simm.s32 @!p0 $0x1BF5;
	p2 =	por !p2, p0  }
0x20: {  	[sflag:s8] =	ssyncset.s32 @!p0 $0xFFFFF086;
	s6 =	sadd.s32 @!p0 s3, s7;
	s7 =	simm.s32 @!p0 $0x108  }
0x21: {  	s3 =	sadd.s32 s3, s9;
	s6 =	sadd.s32 @!p0 $0x88, s6;
	s7 =	simm.s32 @p2 $0x1082  }
0x22: {  	[simem:s7], [sflag:s8] =	dma.local @!p0 [hbm:s6], $0xF7A  }
0x23: {  	s9 =	sor.u32 $0xD0000000, s2;
	s6 =	simm.s32 $0x108;
	_ =	swait.ge @!p0 [sflag:s8], $0x0  }
0x24: {  	s3 =	sadd.s32 $0x88, s3;
	s6 =	simm.s32 @!p1 $0x1082;
	[sflag:s4] =	ssyncset.s32 $0xFFFFF086  }
0x25: {  	[simem:s6], [sflag:s4] =	dma.local [hbm:s3], $0xF7A  }
0x26: {  	[smem:$0x3F99] =	sst s1;
	(tag) =	ssettag s2;
	_ =	strace s9  }
0x27: {  	s1 =	sld [smem:$0x3FA9]  }
0x28: {  	s2 =	sld [smem:$0x3FAA]  }
0x29: {  	s4 =	sld [smem:$0x3FAC]  }
0x2a: {  	p0 =	seq.s32 s5, $0x0;
	s5 =	sld [smem:$0x3FAD]  }
0x2b: {  	s6 =	sld [smem:$0x3FAE]  }
0x2c: {  	s7 =	sld [smem:$0x3FAF]  }
0x2d: {  	s3 =	simm.s32 $0x108;
	s8 =	sld [smem:$0x3FB0]  }
0x2e: {  	s3 =	simm.s32 @!p0 $0x1082;
	s9 =	sld [smem:$0x3FB1]  }
0x2f: {  	lr =	sadd.s32 s0, s3;
	s0 =	sld [smem:$0x3FA8]  }
0x30: {  	s3 =	sld [smem:$0x3FAB]  }
0x31: {  	[smem:$0x3FB4] =	sst s10  }
0x32: {  	s10 =	sld [smem:$0x3FB2];
	_ =	sdelay $0x3  }
0x33: {  	p0 =	seq.s32 s10, $0x1;
	s10 =	sld [smem:$0x3FB4];
	_ =	sdelay $0x3  }
0x34: {  	[smem:$0x3FB4] =	sst s10  }
0x35: {  	s10 =	sld [smem:$0x3FB3];
	_ =	sdelay $0x3  }
0x36: {  	p1 =	seq.s32 s10, $0x1;
	s10 =	sld [smem:$0x3FB4];
	_ =	sdelay $0x3  }
0x37: {  	[smem:$0x3FB4] =	sst s10  }
0x38: {  	s10 =	sld [smem:$0x3FB5]  }
0x39: {  	_ = 	snop;
	(pc) =	sbr.ind lr, $3  }
0x3a: {  	_ = 	snop  }
0x3b: {  	_ = 	snop  }
0x3c: {  	p2 =	seq.s32 s10, $0x1;
	s10 =	sld [smem:$0x3FB4]  }
0x3d: {  	_ =	shalt  }
0x3e: {  	_ =	shalt  }
0x3f: {  	_ =	shalt  }
0x40: {  	_ =	shalt  }
0x41: {  	_ =	shalt  }
0x42: {  	_ =	shalt  }
0x43: {  	_ =	shalt  }
0x44: {  	_ =	shalt  }
0x45: {  	_ =	shalt  }
0x46: {  	_ =	shalt  }
0x47: {  	_ =	shalt  }
0x48: {  	_ =	shalt  }
0x49: {  	_ =	shalt  }
0x4a: {  	_ =	shalt  }
0x4b: {  	_ =	shalt  }
0x4c: {  	_ =	shalt  }
0x4d: {  	_ =	shalt  }
0x4e: {  	_ =	shalt  }
0x4f: {  	_ =	shalt  }
0x50: {  	_ =	shalt  }
0x51: {  	_ =	shalt  }
0x52: {  	_ =	shalt  }
0x53: {  	_ =	shalt  }
0x54: {  	_ =	shalt  }
0x55: {  	_ =	shalt  }
0x56: {  	_ =	shalt  }
0x57: {  	_ =	shalt  }
0x58: {  	_ =	shalt  }
0x59: {  	_ =	shalt  }
0x5a: {  	_ =	shalt  }
0x5b: {  	_ =	shalt  }
0x5c: {  	_ =	shalt  }
0x5d: {  	_ =	shalt  }
0x5e: {  	_ =	shalt  }
0x5f: {  	_ =	shalt  }
0x60: {  	_ =	shalt  }
0x61: {  	_ =	shalt  }
0x62: {  	_ =	shalt  }
0x63: {  	_ =	shalt  }
0x64: {  	_ =	shalt  }
0x65: {  	_ =	shalt  }
0x66: {  	_ =	shalt  }
0x67: {  	_ =	shalt  }
0x68: {  	_ =	shalt  }
0x69: {  	_ =	shalt  }
0x6a: {  	_ =	shalt  }
0x6b: {  	_ =	shalt  }
0x6c: {  	_ =	shalt  }
0x6d: {  	_ =	shalt  }
0x6e: {  	_ =	shalt  }
0x6f: {  	_ =	shalt  }
0x70: {  	_ =	shalt  }
0x71: {  	_ =	shalt  }
0x72: {  	_ =	shalt  }
0x73: {  	_ =	shalt  }
0x74: {  	_ =	shalt  }
0x75: {  	_ =	shalt  }
0x76: {  	_ =	shalt  }
0x77: {  	_ =	shalt  }
0x78: {  	_ =	shalt  }
0x79: {  	_ =	shalt  }
0x7a: {  	_ =	shalt  }
0x7b: {  	_ =	shalt  }
0x7c: {  	_ =	shalt  }
0x7d: {  	_ =	shalt  }
0x7e: {  	_ =	shalt  }
0x7f: {  	_ =	shalt  }
0x80: {  	_ =	shalt  }
0x81: {  	_ =	shalt  }
0x82: {  	_ =	shalt  }
0x83: {  	_ =	shalt  }
0x84: {  	_ =	shalt  }
0x85: {  	_ =	shalt  }
0x86: {  	_ =	shalt  }
0x87: {  	_ =	shalt  }
.Lfunc_end0:
.L_simem_size_0:
called_computation.1_lowered:
.L_overlay_start_0:
0x88: {  	s2 =	sld [smem:$0x3FD9]  }
0x89: {  	s3 =	sld [smem:$0x3FFE];
	_ =	sdelay $0x1  }
0x8a: {  	s1 =	srdreg.scid  }
0x8b: {  	s0 =	sand.u32 $0x1, s1  }
0x8c: {  	s16 =	sshll.u32 s0, $0xA;
	s2 =	sadd.s32 s3, s2  }
0x8d: {  	s2 =	sadd.s32 s2, s16  }
0x8e: {  	[smem:$0x3FC0] =	sst s2  }
0x8f: {  	_ = 	snop  }
0x90: {  	(tm) =	ssettm $0x1  }
0x91: {  	s17 =	sld [smem:$0x3FFB];
	_ =	sdelay $0x3  }
0x92: {  	_ =	strace s17  }
0x93: {  	s2 =	sld [smem:$0x3FFC];
	_ =	sdelay $0x3  }
0x94: {  	_ =	strace s2  }
0x95: {  	s2 =	sld [smem:$0x3FFD];
	_ =	sdelay $0x3  }
0x96: {  	_ =	strace s2  }
0x97: {  	_ =	strace $0x8FFFFFFF  }
0x98: {  	s18 =	sld [smem:$0x3FDB];
	_ =	sdelay $0x1  }
0x99: {  	s19 =	simm.s32 $_scs_section_size  }
0x9a: {  	s4 =	simm.s32 $_size__tile_overlayer_lowered;
	s5 =	simm.s32 $_tile_overlayer_lowered  }
0x9b: {  	s22 =	simm.s32 $0x1BFF;
	s21 =	sshll.u32 s5, $0x1;
	s2 =	sadd.s32 s19, s18  }
0x9c: {  	s6 =	simm.s32 $0x0;
	s20 =	sshll.u32 s4, $0x1;
	s4 =	sadd.s32 s21, s2  }
0x9d: {  	[timem:s6], [sflag:s22] =	dma.local [hbm:s4], s20  }
0x9e: {  	_ =	swait.ge [sflag:s22], s20  }
0x9f: {  	s3 =	ssub.s32 $0x0, s20;
	[sflag:s22] =	ssyncset.done $0x0  }
0xa0: {  	[sflag:s22] =	ssyncadd.s32 s3;
	_ =	sdelay $0x1  }
0xa1: {  	s23 =	simm.s32 $0x1B8B  }
0xa2: {  	_ =	swait.ge [sflag:s23], $0x1  }
0xa3: {  	[sflag:s23] =	ssyncset.done $0x0  }
0xa4: {  	s25 =	simm.s32 $0x1B8E;
	s24 =	sld [smem:$0x3FFE];
	[sflag:s23] =	ssyncadd.s32 $0xFFFFFFFF  }
0xa5: {  	s26 =	simm.s32 $execute0_lowered;
	[smem:$0x3FD2] =	sst s25  }
0xa6: {  	s4 =	sshll.u32 s26, $0x1;
	_ =	strace $0x80000049;
	[dreg:$0x1] =	wrdreg $0xFFFFFFFF  }
0xa7: {  	s28 =	simm.s32 $_size_execute0_lowered;
	s2 =	sadd.s32 s2, s4;
	[dreg:$0x0] =	wrdreg $0x0  }
0xa8: {  	s4 =	sshll.u32 s28, $0x1;
	[dreg:$0x2] =	wrdreg s2  }
0xa9: {  	[dreg:$0x3] =	wrdreg s4  }
0xaa: {  	[dreg:$0x4] =	wrdreg $0xC0  }
0xab: {  	_ =	task [dreg:s6], $0x5FFFF  }
0xac: {  	[dreg:$0x1] =	wrdreg $0xFFFFFFFF  }
0xad: {  	[dreg:$0x0] =	wrdreg $0x60  }
0xae: {  	[dreg:$0x2] =	wrdreg s24  }
0xaf: {  	[dreg:$0x3] =	wrdreg $0x116200  }
0xb0: {  	[dreg:$0x4] =	wrdreg $0x9  }
0xb1: {  	_ =	task.clear_ibuf [dreg:s6], $0x5FFFF;
	_ =	strace $0x90000049  }
0xb2: {  	s29 =	simm.s32 $0x9;
	_ =	strace $0x8000004B  }
0xb3: {  	_ =	swait.ge [sflag:s29], $0x1  }
0xb4: {  	[sflag:s29] =	ssyncadd.s32 $0xFFFFFFFF  }
0xb5: {  	_ =	strace $0x9000004B  }
0xb6: {  	_ =	sfence  }
0xb7: {  	s30 =	sld [smem:$0x0];
	_ =	sdelay $0x2  }
0xb8: {  	s31 =	sshll.u32 s1, $0xD;
	s1 =	sshrl.u32 s1, $0x2  }
0xb9: {  	s3 =	sand.u32 $0x4000, s31;
	s1 =	sadd.s32 s1, s30  }
0xba: {  	s0 =	sor.u32 s3, s0;
	s1 =	sshll.u32 s1, $0x11  }
0xbb: {  	s0 =	sor.u32 s1, s0  }
0xbc: {  	s0 =	sadd.s32 $0x8F2B, s0  }
0xbd: {  	[sflag:s0] =	ssyncadd.remote.s32 $0x1  }
0xbe: {  	_ =	sfence.sel $0xFFFF  }
0xbf: {  	[dreg:$0x0] =	wrdreg $0xFFFFFFFF;
	(pc) =	sbr.abs _section_cstart, $3  }
0xc0: {  	[dreg:$0x1] =	wrdreg $0xFFFFFFFF  }
0xc1: {  	_ =	task.clear_ibuf [dreg:s6], $0x2FFFF;
	_ =	strace $0x9FFFFFFF  }
0xc2: {  	(tm) =	ssettm $0x7FFFFFFF  }
0xc3: {  	_ =	shalt  }
tec
execute0_lowered:
.L_overlay_start_1:
0x0: {  	(tag) =	ssettag $0x1  }
0x1: {  	s0 =	srdreg.scid;
	s1 =	rddreg [dreg:$0x0]  }
0x2: {  	s2 =	rddreg [dreg:$0x1];
	s15 =	stileid.u32;
	s3 =	simm.s32 $0x0  }
0x3: {  	s24 =	simm.s32 $0xF0;
	s28 =	simm.s32 $0x9E20;
	s29 =	simm.s32 $0x40  }
0x4: {  	s30 =	simm.s32 $0x80;
	s31 =	simm.s32 $0x0;
	s6 =	smul.u32 $0x27000, s15  }
0x5: {  	s0 =	sand.u32 $0x1, s0;
	[smem:$0x7FF] =	sst s3;
	s9 =	smul.u32 $0x9C00, s15  }
0x6: {  	s5 =	sadd.s32 $0x29200, s1;
	s13 =	smul.u32 $0x270, s15;
	s4 =	sshll.u32 s0, $0x4  }
0x7: {  	_ =	strace $0x8000004A;
	s7 =	ssub.s32 $0x2, s0;
	s14 =	smul.u32 $0x138800, s0  }
0x8: {  	p0 =	sne.s32 s0, $0x0;
	s4 =	sor.u32 s15, s4;
	s8 =	sshrl.u32 s7, $0x1  }
0x9: {  	s6 =	sshrl.u32 s6, $0x2;
	s25 =	sshrl.u32 s9, $0x3;
	s15 =	smul.u32 $0x13800, s15  }
0xa: {  	s10 =	sadd.s32 $0x5000, s9;
	s13 =	sadd.s32 $0x140, s13;
	s4 =	smul.u32 $0x4E2, s4  }
0xb: {  	s16 =	ssub.s32 s7, s8;
	s6 =	sadd.s32 s6, s2;
	s11 =	sshrl.u32 s10, $0x3  }
0xc: {  	s8 =	sadd.s32 s9, s2;
	s10 =	sadd.s32 s10, s2;
	s18 =	sshll.u32 s13, $0x7  }
0xd: {  	s19 =	sshll.u32 s13, $0x6;
	s17 =	sadd.s32 $0x5000, s6;
	s15 =	sadd.s32 s15, s14  }
0xe: {  	s18 =	sadd.s32 s14, s18;
	s14 =	sadd.s32 s19, s2;
	s16 =	smax.u32 s16, $0x1  }
0xf: {  	s19 =	simm.s32 $0x50;
	s12 =	sadd.s32 s4, s1;
	s4 =	sadd.s32 $0x15800, s1  }
.Ltmp0:
0x10: {  	s1 =	sadd.s32 $0x29C00, s1;
	s15 =	sshrl.u32 s15, $0x3;
	(pc) =	sbr.rel .LBB2_1-.Ltmp0, $4  }
0x11: {  	s26 =	sshrl.u32 s18, $0x3;
	s10 =	smov.u32 @p0 s17;
	s17 =	simm.s32 $0x7  }
0x12: {  	s18 =	simm.s32 $0xC620;
	s7 =	sadd.s32 s4, s25;
	s9 =	sadd.s32 s4, s11  }
0x13: {  	s11 =	sadd.s32 $0x1C00, s12;
	s12 =	sadd.s32 $0xBA00, s12;
	s13 =	sadd.s32 s1, s15  }
0x14: {  	s15 =	sadd.s32 s1, s26;
	s25 =	simm.s32 $0x8A20;
	s26 =	simm.s32 $0x140  }
.LBB2_6:
0x15: {  	[bflag:$0x0] =	sbarrier.arrive $0xFFFF  }
0x16: {  	[tilespmem:s18], [sflag:$0x7] =	stream.linear.gather [spmem:s6], $0x5000, $0x38;
	[tilespmem:$0x1B260] =	vst v63  }
0x17: {  	_ =	swait.ge [sflag:s17], $0x5000  }
0x18: {  	[sflag:s17] =	ssyncset.done $0x0  }
0x19: {  	[sflag:s17] =	ssyncadd.s32 $0xFFFFB000  }
0x1a: {  	[hbm4b:s13+s29] =	stream.strided.scatter [tilespmem:s18], [sflag:$0x7], $0x5000, s30, s29, $0x38;
	[tilespmem:$0x1B260] =	vst v63  }
0x1b: {  	_ =	swait.ge [sflag:s17], $0x5000  }
0x1c: {  	[sflag:s17] =	ssyncset.done $0x0  }
0x1d: {  	[sflag:s17] =	ssyncadd.s32 $0xFFFFB000  }
0x1e: {  	[tilespmem:s18], [sflag:$0x7] =	stream.linear.gather [spmem:s14], $0x5000, $0x38;
	[tilespmem:$0x1B260] =	vst v63  }
0x1f: {  	s31 =	sadd.s32 $0x1, s31;
	_ =	swait.ge [sflag:s17], $0x5000  }
0x20: {  	p1 =	sne.s32 s31, s16;
	[sflag:s17] =	ssyncset.done $0x0  }
.Ltmp1:
0x21: {  	[sflag:s17] =	ssyncadd.s32 $0xFFFFB000;
	(pc) =	sbr.rel @!p1 .LBB2_7-.Ltmp1, $4  }
0x22: {  	[hbm4b:s15+s29] =	stream.strided.scatter [tilespmem:s18], [sflag:$0x7], $0x5000, s30, s29, $0x38;
	[tilespmem:$0x1B260] =	vst v63  }
0x23: {  	_ =	swait.ge [sflag:s17], $0x5000  }
0x24: {  	[sflag:s17] =	ssyncset.done $0x0  }
0x25: {  	[sflag:s17] =	ssyncadd.s32 $0xFFFFB000  }
.LBB2_1:
0x26: {  	s0 =	simm.s32 @p0 $0x0;
	s1 =	simm.s32 @p0 $0xC620  }
0x27: {  	[tilespmem:s1], [sflag:$0x7] =	stream.linear.gather @p0 [hbm4b:s5+s0], $0x5000, $0x38;
	[tilespmem:$0x1B260] =	vst v63  }
0x28: {  	s0 =	simm.s32 @p0 $0x7  }
0x29: {  	_ =	swait.ge @p0 [sflag:s0], $0x5000  }
0x2a: {  	[sflag:s0] =	ssyncset.done @p0 $0x0  }
0x2b: {  	[sflag:s0] =	ssyncadd.s32 @p0 $0xFFFFB000  }
0x2c: {  	[spmem:s6] =	stream.linear.scatter @p0 [tilespmem:s1], [sflag:$0x7], $0x5000, $0x38;
	[tilespmem:$0x1B260] =	vst v63  }
0x2d: {  	s20 =	simm.s32 @!p0 $0x7;
	s0 =	simm.s32 @!p0 $0x0;
	s1 =	simm.s32 @!p0 $0xC620  }
0x2e: {  	[tilespmem:s1], [sflag:$0x7] =	stream.linear.gather @!p0 [hbm4b:s7+s0], $0x5000, $0x38;
	[tilespmem:$0x1B260] =	vst v63  }
0x2f: {  	_ =	swait.ge @!p0 [sflag:s20], $0x5000  }
0x30: {  	[sflag:s20] =	ssyncset.done @!p0 $0x0  }
0x31: {  	[sflag:s20] =	ssyncadd.s32 @!p0 $0xFFFFB000  }
0x32: {  	[spmem:s8] =	stream.linear.scatter @!p0 [tilespmem:s1], [sflag:$0x7], $0x5000, $0x38;
	[tilespmem:$0x1B260] =	vst v63  }
0x33: {  	_ =	swait.ge @!p0 [sflag:s20], $0x5000  }
0x34: {  	[sflag:s20] =	ssyncset.done @!p0 $0x0  }
0x35: {  	[sflag:s20] =	ssyncadd.s32 @!p0 $0xFFFFB000  }
0x36: {  	[tilespmem:s1], [sflag:$0x7] =	stream.linear.gather @!p0 [hbm4b:s9+s0], $0x5000, $0x38;
	[tilespmem:$0x1B260] =	vst v63  }
0x37: {  	_ =	swait.ge [sflag:s17], $0x5000  }
0x38: {  	[sflag:s17] =	ssyncset.done $0x0  }
0x39: {  	[sflag:s17] =	ssyncadd.s32 $0xFFFFB000  }
0x3a: {  	[spmem:s10] =	stream.linear.scatter [tilespmem:s18], [sflag:$0x7], $0x5000, $0x38;
	[tilespmem:$0x1B260] =	vst v63  }
0x3b: {  	_ =	swait.ge [sflag:s17], $0x5000  }
0x3c: {  	[sflag:s17] =	ssyncset.done $0x0  }
0x3d: {  	[sflag:s17] =	ssyncadd.s32 $0xFFFFB000  }
0x3e: {  	[tilespmem:s3], [sflag:$0x7] =	stream.linear.gather [hbm4b:s11+s3], $0x2710, $0x38;
	[tilespmem:$0x1B260] =	vst v63  }
0x3f: {  	_ =	swait.ge [sflag:s17], $0x2710  }
0x40: {  	[sflag:s17] =	ssyncset.done $0x0  }
0x41: {  	s0 =	simm.s32 $0x2710;
	[sflag:s17] =	ssyncadd.s32 $0xFFFFD8F0  }
0x42: {  	[tilespmem:s0], [sflag:$0x7] =	stream.linear.gather [hbm4b:s12+s3], $0x2710, $0x38;
	[tilespmem:$0x1B260] =	vst v63  }
0x43: {  	_ =	swait.ge [sflag:s17], $0x2710  }
0x44: {  	[sflag:s17] =	ssyncset.done $0x0  }
0x45: {  	[sflag:s17] =	ssyncadd.s32 $0xFFFFD8F0  }
0x46: {  	s20 =	simm.s32 $0x4E20;
	[bflag:$0x0] =	sbarrier.arrive $0xFFFF  }
0x47: {  	[tilespmem:s20], [sflag:$0x1] =	stream.indirect.gather [hbm4b:s4+s19], $0x40, s3, s19, $0xb8;
	[tilespmem:$0x1B260] =	vst v63  }
0x48: {  	s21 =	simm.s32 $0x6220  }
0x49: {  	[tilespmem:s21], [sflag:$0x2] =	stream.indirect.gather [hbm4b:s4+s19], $0x40, s19, s19, $0xb8;
	[tilespmem:$0x1B260] =	vst v63  }
0x4a: {  	s22 =	simm.s32 $0xA0;
	s23 =	simm.s32 $0x7620  }
0x4b: {  	[tilespmem:s23], [sflag:$0x3] =	stream.indirect.gather [hbm4b:s4+s19], $0x40, s22, s19, $0xb8;
	[tilespmem:$0x1B260] =	vst v63  }
.Ltmp2:
0x4c: {  	_ = 	snop;
	(pc) =	sbr.rel .LBB2_2-.Ltmp2, $4  }
0x4d: {  	_ = 	snop  }
0x4e: {  	[tilespmem:s25], [sflag:$0x4] =	stream.indirect.gather [hbm4b:s4+s19], $0x40, s24, s19, $0xb8;
	[tilespmem:$0x1B260] =	vst v63  }
0x4f: {  	s1 =	simm.s32 $0x190;
	s20 =	simm.s32 $0x0  }
0x50: {  	[tilespmem:s28], [sflag:$0x5] =	stream.indirect.gather [hbm4b:s4+s19], $0x40, s26, s19, $0xb8;
	[tilespmem:$0x1B260] =	vst v63  }
.LBB2_4:
0x51: {  	p1 =	seq.s32 s21, $0x3  }
0x52: {  	p2 =	sgt.u32 @p1 s20, $0x77  }
0x53: {  	p2 =	por p2, !p1  }
0x54: {  	p3 =	seq.s32 @!p1 s21, $0x4;
	s22 =	simm.s32 @!p2 $0x50;
	s23 =	simm.s32 @!p2 $0x7620  }
0x55: {  	[tilespmem:s23], [sflag:$0x3] =	stream.indirect.gather @!p2 [hbm4b:s4+s22], $0x40, s1, s22, $0xb8;
	[tilespmem:$0x1B260] =	vst v63  }
0x56: {  	s22 =	simm.s32 @p1 $0x4;
	p2 =	por !p3, p1  }
0x57: {  	_ =	swait.ge @p1 [sflag:s22], $0x1400;
	p4 =	sgt.u32 @!p2 s20, $0x77  }
0x58: {  	s23 =	simm.s32 @p1 $0x8A20;
	[sflag:s22] =	ssyncset.done @p1 $0x0;
	p4 =	por @!p1 p4, !p3  }
0x59: {  	[sflag:s22] =	ssyncadd.s32 @p1 $0xFFFFEC00;
	s22 =	simm.s32 @p1 $0x50;
	p4 =	por p4, p1  }
0x5a: {  	[spmem:s2] =	stream.indirect.scatter.add.f32 @p1 [tilespmem:s23], [sflag:$0x8], $0x40, s0, s22, $0xb8;
	[tilespmem:$0x1B260] =	vst v63  }
0x5b: {  	s21 =	simm.s32 @!p4 $0x50;
	s22 =	simm.s32 @!p4 $0x8A20  }
0x5c: {  	[tilespmem:s22], [sflag:$0x4] =	stream.indirect.gather @!p4 [hbm4b:s4+s21], $0x40, s1, s21, $0xb8;
	[tilespmem:$0x1B260] =	vst v63  }
0x5d: {  	s21 =	simm.s32 @!p2 $0x5;
	p4 =	por p3, p1  }
0x5e: {  	_ =	swait.ge @!p2 [sflag:s21], $0x1400;
	p5 =	sgt.u32 @!p4 s20, $0x77  }
0x5f: {  	s22 =	simm.s32 @!p2 $0x9E20;
	[sflag:s21] =	ssyncset.done @!p2 $0x0;
	p3 =	por @!p1 p5, p3  }
0x60: {  	[sflag:s21] =	ssyncadd.s32 @!p2 $0xFFFFEC00;
	s21 =	simm.s32 @!p2 $0x50;
	p3 =	por p3, p1  }
0x61: {  	[spmem:s2] =	stream.indirect.scatter.add.f32 @!p2 [tilespmem:s22], [sflag:$0x8], $0x40, s0, s21, $0xb8;
	[tilespmem:$0x1B260] =	vst v63  }
0x62: {  	s21 =	simm.s32 @!p3 $0x50;
	s22 =	simm.s32 @!p3 $0x9E20  }
0x63: {  	[tilespmem:s22], [sflag:$0x5] =	stream.indirect.gather @!p3 [hbm4b:s4+s21], $0x40, s1, s21, $0xb8;
	[tilespmem:$0x1B260] =	vst v63  }
0x64: {  	s22 =	simm.s32 @!p4 $0x6  }
0x65: {  	s21 =	simm.s32 @!p2 $0x8;
	_ =	swait.ge @!p4 [sflag:s22], $0x1400  }
0x66: {  	s23 =	simm.s32 @!p4 $0xB220;
	s21 =	simm.s32 @p2 $0x7;
	[sflag:s22] =	ssyncset.done @!p4 $0x0  }
0x67: {  	s21 =	simm.s32 @p1 $0x8;
	[sflag:s22] =	ssyncadd.s32 @!p4 $0xFFFFEC00;
	s22 =	simm.s32 @!p4 $0x50  }
0x68: {  	[spmem:s2] =	stream.indirect.scatter.add.f32 @!p4 [tilespmem:s23], [sflag:$0x7], $0x40, s0, s22, $0xb8;
	[tilespmem:$0x1B260] =	vst v63  }
.LBB2_5:
0x69: {  	s20 =	sadd.s32 $0x1, s20  }
0x6a: {  	p1 =	sne.s32 s20, $0x7D  }
.Ltmp3:
0x6b: {  	_ = 	snop;
	(pc) =	sbr.rel @!p1 .LBB2_6-.Ltmp3, $4  }
0x6c: {  	_ = 	snop  }
0x6d: {  	_ =	swait.ge [sflag:s21], $0x1400  }
0x6e: {  	[sflag:s21] =	ssyncset.done $0x0  }
0x6f: {  	s1 =	sadd.s32 $0x50, s1;
	s0 =	sadd.s32 $0x50, s0;
	[sflag:s21] =	ssyncadd.s32 $0xFFFFEC00  }
.LBB2_2:
0x70: {  	s21 =	smul.u32 $0xAB, s20;
	_ =	sdelay $0x1  }
0x71: {  	s21 =	sshrl.u32 s21, $0xA  }
0x72: {  	s21 =	sand.u32 $0x3F, s21  }
0x73: {  	s21 =	smul.u32 $0x6, s21;
	_ =	sdelay $0x1  }
0x74: {  	s21 =	ssub.s32 s20, s21  }
0x75: {  	s21 =	sand.u32 $0xFF, s21  }
0x76: {  	p1 =	sgt.s32 s21, $0x2  }
.Ltmp4:
0x77: {  	_ = 	snop;
	(pc) =	sbr.rel @p1 .LBB2_4-.Ltmp4, $1  }
0x78: {  	_ =	sdelay $0x3  }
0x79: {  	p1 =	seq.s32 s21, $0x0  }
0x7a: {  	p2 =	sgt.u32 @p1 s20, $0x77  }
0x7b: {  	p2 =	por p2, !p1  }
0x7c: {  	p3 =	seq.s32 @!p1 s21, $0x1;
	s22 =	simm.s32 @!p2 $0x50;
	s23 =	simm.s32 @!p2 $0xB220  }
0x7d: {  	[tilespmem:s23], [sflag:$0x6] =	stream.indirect.gather @!p2 [hbm4b:s4+s22], $0x40, s1, s22, $0xb8;
	[tilespmem:$0x1B260] =	vst v63  }
0x7e: {  	s22 =	simm.s32 @p1 $0x1;
	p2 =	por !p3, p1  }
0x7f: {  	_ =	swait.ge @p1 [sflag:s22], $0x1400;
	p4 =	sgt.u32 @!p2 s20, $0x77  }
0x80: {  	s23 =	simm.s32 @p1 $0x4E20;
	[sflag:s22] =	ssyncset.done @p1 $0x0;
	p4 =	por @!p1 p4, !p3  }
0x81: {  	[sflag:s22] =	ssyncadd.s32 @p1 $0xFFFFEC00;
	s22 =	simm.s32 @p1 $0x50;
	p4 =	por p4, p1  }
0x82: {  	[spmem:s2] =	stream.indirect.scatter.add.f32 @p1 [tilespmem:s23], [sflag:$0x8], $0x40, s0, s22, $0xb8;
	[tilespmem:$0x1B260] =	vst v63  }
0x83: {  	s21 =	simm.s32 @!p4 $0x50;
	s22 =	simm.s32 @!p4 $0x4E20  }
0x84: {  	[tilespmem:s22], [sflag:$0x1] =	stream.indirect.gather @!p4 [hbm4b:s4+s21], $0x40, s1, s21, $0xb8;
	[tilespmem:$0x1B260] =	vst v63  }
0x85: {  	s21 =	simm.s32 @!p2 $0x2;
	p4 =	por p3, p1  }
0x86: {  	_ =	swait.ge @!p2 [sflag:s21], $0x1400;
	p5 =	sgt.u32 @!p4 s20, $0x77  }
0x87: {  	s22 =	simm.s32 @!p2 $0x6220;
	[sflag:s21] =	ssyncset.done @!p2 $0x0;
	p3 =	por @!p1 p5, p3  }
0x88: {  	[sflag:s21] =	ssyncadd.s32 @!p2 $0xFFFFEC00;
	s21 =	simm.s32 @!p2 $0x50;
	p3 =	por p3, p1  }
0x89: {  	[spmem:s2] =	stream.indirect.scatter.add.f32 @!p2 [tilespmem:s22], [sflag:$0x8], $0x40, s0, s21, $0xb8;
	[tilespmem:$0x1B260] =	vst v63  }
0x8a: {  	s21 =	simm.s32 @!p3 $0x50;
	s22 =	simm.s32 @!p3 $0x6220  }
0x8b: {  	[tilespmem:s22], [sflag:$0x2] =	stream.indirect.gather @!p3 [hbm4b:s4+s21], $0x40, s1, s21, $0xb8;
	[tilespmem:$0x1B260] =	vst v63  }
.Ltmp5:
0x8c: {  	s22 =	simm.s32 @!p4 $0x3;
	(pc) =	sbr.rel .LBB2_5-.Ltmp5, $4  }
0x8d: {  	s21 =	simm.s32 @!p2 $0x8;
	_ =	swait.ge @!p4 [sflag:s22], $0x1400  }
0x8e: {  	s23 =	simm.s32 @!p4 $0x7620;
	s21 =	simm.s32 @p2 $0x8;
	[sflag:s22] =	ssyncset.done @!p4 $0x0  }
0x8f: {  	s21 =	simm.s32 @p1 $0x8;
	[sflag:s22] =	ssyncadd.s32 @!p4 $0xFFFFEC00;
	s22 =	simm.s32 @!p4 $0x50  }
0x90: {  	[spmem:s2] =	stream.indirect.scatter.add.f32 @!p4 [tilespmem:s23], [sflag:$0x8], $0x40, s0, s22, $0xb8;
	[tilespmem:$0x1B260] =	vst v63  }
.LBB2_7:
0x91: {  	_ =	sfence.sel $0x180000  }
0x92: {  	[bflag:$0x0] =	sbarrier.arrive $0xFFFF  }
0x93: {  	_ =	strace $0x9000004A  }
0x94: {  	s0 =	stileid.u32;
	[bflag:$0x2] =	sbarrier.arrive $0xFFFF  }
0x95: {  	p0 =	sne.s32 s0, $0x0;
	s0 =	rddreg [dreg:$0x2]  }
0x96: {  	s0 =	sadd.s32 @!p0 $0x100000, s0  }
0x97: {  	[sflag:s0] =	ssyncadd.tile.s32 @!p0 $0x1;
	_ =	shalt  }
.Lfunc_end2:
_tile_overlayer_lowered:
.L_overlay_start_2:
0x98: {  	(tag) =	ssettag $0x2  }
0x99: {  	s0 =	rddreg [dreg:$0x0];
	s2 =	stileid.u32  }
0x9a: {  	s1 =	rddreg [dreg:$0x1];
	p0 =	sne.s32 s2, $0x0  }
0x9b: {  	s3 =	rddreg [dreg:$0x2];
	[bflag:$0x3] =	sbarrier.arrive $0xFFFF;
	s2 =	simm.s32 @!p0 $0x1C07  }
0x9c: {  	[timem:s3], [sflag:s2] =	dma.local @!p0 [hbm:s0], s1  }
0x9d: {  	s0 =	simm.s32 @!p0 $0x7  }
0x9e: {  	_ =	swait.ge @!p0 [sflag:s0], s1  }
0x9f: {  	s1 =	ssub.s32 @!p0 $0x0, s1;
	[sflag:s0] =	ssyncset.done @!p0 $0x0  }
0xa0: {  	[sflag:s0] =	ssyncadd.s32 @!p0 s1  }
0xa1: {  	[bflag:$0x3] =	sbarrier.arrive $0xFFFF  }
0xa2: {  	_ =	shalt  }

// kernel: kernel.15.cloned.1.call-start
scs
__scs_entry_jumppad:
0x0: {  	(pc) =	sbr.rel $0x88, $3  }
0x1: {  	(tag) =	ssettag $0x0;
	lr =	simm.s32 $0x1  }
0x2: {  	[smem:$0x3F99] =	sst lr;
	_ =	strace $0xD0000000  }
0x3: {  	_ = 	snop  }
0x4: {  	_ = 	snop  }
0x5: {  	_ = 	snop  }
0x6: {  	_ = 	snop  }
0x7: {  	_ = 	snop  }
__scs_overlays_trampoline_lowered:
0x8: {  	[smem:$0x3FA8] =	sst s0  }
0x9: {  	[smem:$0x3FA9] =	sst s1  }
0xa: {  	[smem:$0x3FAA] =	sst s2  }
0xb: {  	[smem:$0x3FAB] =	sst s3  }
0xc: {  	[smem:$0x3FAC] =	sst s4  }
0xd: {  	[smem:$0x3FAD] =	sst s5  }
0xe: {  	[smem:$0x3FAE] =	sst s6  }
0xf: {  	[smem:$0x3FAF] =	sst s7  }
0x10: {  	[smem:$0x3FB0] =	sst s8  }
0x11: {  	[smem:$0x3FB1] =	sst s9;
	s0 =	simm.s32 @!p0 $0x0  }
0x12: {  	s1 =	sld [smem:$0x3F97];
	s0 =	simm.s32 @p0 $0x1  }
0x13: {  	[smem:$0x3FB2] =	sst s0;
	s0 =	simm.s32 @!p1 $0x0  }
0x14: {  	s2 =	sld [smem:$0x3F96];
	s0 =	simm.s32 @p1 $0x1  }
0x15: {  	[smem:$0x3FB3] =	sst s0;
	s0 =	simm.s32 @!p2 $0x0  }
0x16: {  	s3 =	sld [smem:$0x3FDB];
	s0 =	simm.s32 @p2 $0x1  }
0x17: {  	s4 =	simm.s32 $0x1BF5;
	[smem:$0x3FB5] =	sst s0  }
0x18: {  	s0 =	sld [smem:$0x3F98];
	_ =	swait.ge [sflag:s4], $0x0  }
0x19: {  	s7 =	sld [smem:$0x3F99]  }
0x1a: {  	s8 =	sadd.s32 $0xFFFFE003, lr  }
0x1b: {  	s9 =	sadd.s32 $0xFFFFFEF7, lr;
	s5 =	simm.s32 $0xFFFFFFFF;
	p2 =	slt.u32 s8, $0xFFFFF086  }
0x1c: {  	p1 =	slt.u32 s9, $0xF7A;
	s5 =	simm.s32 @!p2 $0x0  }
0x1d: {  	s5 =	simm.s32 @p1 $0x1;
	p0 =	seq.s32 s7, s2  }
0x1e: {  	s7 =	smul.u32 @!p0 $0xF7A, s2;
	p2 =	seq.s32 @!p0 s5, $0x0  }
0x1f: {  	s9 =	smul.u32 $0xF7A, s1;
	s8 =	simm.s32 @!p0 $0x1BF5;
	p2 =	por !p2, p0  }
0x20: {  	[sflag:s8] =	ssyncset.s32 @!p0 $0xFFFFF086;
	s6 =	sadd.s32 @!p0 s3, s7;
	s7 =	simm.s32 @!p0 $0x108  }
0x21: {  	s3 =	sadd.s32 s3, s9;
	s6 =	sadd.s32 @!p0 $0x88, s6;
	s7 =	simm.s32 @p2 $0x1082  }
0x22: {  	[simem:s7], [sflag:s8] =	dma.local @!p0 [hbm:s6], $0xF7A  }
0x23: {  	s9 =	sor.u32 $0xD0000000, s2;
	s6 =	simm.s32 $0x108;
	_ =	swait.ge @!p0 [sflag:s8], $0x0  }
0x24: {  	s3 =	sadd.s32 $0x88, s3;
	s6 =	simm.s32 @!p1 $0x1082;
	[sflag:s4] =	ssyncset.s32 $0xFFFFF086  }
0x25: {  	[simem:s6], [sflag:s4] =	dma.local [hbm:s3], $0xF7A  }
0x26: {  	[smem:$0x3F99] =	sst s1;
	(tag) =	ssettag s2;
	_ =	strace s9  }
0x27: {  	s1 =	sld [smem:$0x3FA9]  }
0x28: {  	s2 =	sld [smem:$0x3FAA]  }
0x29: {  	s4 =	sld [smem:$0x3FAC]  }
0x2a: {  	p0 =	seq.s32 s5, $0x0;
	s5 =	sld [smem:$0x3FAD]  }
0x2b: {  	s6 =	sld [smem:$0x3FAE]  }
0x2c: {  	s7 =	sld [smem:$0x3FAF]  }
0x2d: {  	s3 =	simm.s32 $0x108;
	s8 =	sld [smem:$0x3FB0]  }
0x2e: {  	s3 =	simm.s32 @!p0 $0x1082;
	s9 =	sld [smem:$0x3FB1]  }
0x2f: {  	lr =	sadd.s32 s0, s3;
	s0 =	sld [smem:$0x3FA8]  }
0x30: {  	s3 =	sld [smem:$0x3FAB]  }
0x31: {  	[smem:$0x3FB4] =	sst s10  }
0x32: {  	s10 =	sld [smem:$0x3FB2];
	_ =	sdelay $0x3  }
0x33: {  	p0 =	seq.s32 s10, $0x1;
	s10 =	sld [smem:$0x3FB4];
	_ =	sdelay $0x3  }
0x34: {  	[smem:$0x3FB4] =	sst s10  }
0x35: {  	s10 =	sld [smem:$0x3FB3];
	_ =	sdelay $0x3  }
0x36: {  	p1 =	seq.s32 s10, $0x1;
	s10 =	sld [smem:$0x3FB4];
	_ =	sdelay $0x3  }
0x37: {  	[smem:$0x3FB4] =	sst s10  }
0x38: {  	s10 =	sld [smem:$0x3FB5]  }
0x39: {  	_ = 	snop;
	(pc) =	sbr.ind lr, $3  }
0x3a: {  	_ = 	snop  }
0x3b: {  	_ = 	snop  }
0x3c: {  	p2 =	seq.s32 s10, $0x1;
	s10 =	sld [smem:$0x3FB4]  }
0x3d: {  	_ =	shalt  }
0x3e: {  	_ =	shalt  }
0x3f: {  	_ =	shalt  }
0x40: {  	_ =	shalt  }
0x41: {  	_ =	shalt  }
0x42: {  	_ =	shalt  }
0x43: {  	_ =	shalt  }
0x44: {  	_ =	shalt  }
0x45: {  	_ =	shalt  }
0x46: {  	_ =	shalt  }
0x47: {  	_ =	shalt  }
0x48: {  	_ =	shalt  }
0x49: {  	_ =	shalt  }
0x4a: {  	_ =	shalt  }
0x4b: {  	_ =	shalt  }
0x4c: {  	_ =	shalt  }
0x4d: {  	_ =	shalt  }
0x4e: {  	_ =	shalt  }
0x4f: {  	_ =	shalt  }
0x50: {  	_ =	shalt  }
0x51: {  	_ =	shalt  }
0x52: {  	_ =	shalt  }
0x53: {  	_ =	shalt  }
0x54: {  	_ =	shalt  }
0x55: {  	_ =	shalt  }
0x56: {  	_ =	shalt  }
0x57: {  	_ =	shalt  }
0x58: {  	_ =	shalt  }
0x59: {  	_ =	shalt  }
0x5a: {  	_ =	shalt  }
0x5b: {  	_ =	shalt  }
0x5c: {  	_ =	shalt  }
0x5d: {  	_ =	shalt  }
0x5e: {  	_ =	shalt  }
0x5f: {  	_ =	shalt  }
0x60: {  	_ =	shalt  }
0x61: {  	_ =	shalt  }
0x62: {  	_ =	shalt  }
0x63: {  	_ =	shalt  }
0x64: {  	_ =	shalt  }
0x65: {  	_ =	shalt  }
0x66: {  	_ =	shalt  }
0x67: {  	_ =	shalt  }
0x68: {  	_ =	shalt  }
0x69: {  	_ =	shalt  }
0x6a: {  	_ =	shalt  }
0x6b: {  	_ =	shalt  }
0x6c: {  	_ =	shalt  }
0x6d: {  	_ =	shalt  }
0x6e: {  	_ =	shalt  }
0x6f: {  	_ =	shalt  }
0x70: {  	_ =	shalt  }
0x71: {  	_ =	shalt  }
0x72: {  	_ =	shalt  }
0x73: {  	_ =	shalt  }
0x74: {  	_ =	shalt  }
0x75: {  	_ =	shalt  }
0x76: {  	_ =	shalt  }
0x77: {  	_ =	shalt  }
0x78: {  	_ =	shalt  }
0x79: {  	_ =	shalt  }
0x7a: {  	_ =	shalt  }
0x7b: {  	_ =	shalt  }
0x7c: {  	_ =	shalt  }
0x7d: {  	_ =	shalt  }
0x7e: {  	_ =	shalt  }
0x7f: {  	_ =	shalt  }
0x80: {  	_ =	shalt  }
0x81: {  	_ =	shalt  }
0x82: {  	_ =	shalt  }
0x83: {  	_ =	shalt  }
0x84: {  	_ =	shalt  }
0x85: {  	_ =	shalt  }
0x86: {  	_ =	shalt  }
0x87: {  	_ =	shalt  }
.Lfunc_end0:
.L_simem_size_0:
called_computation.2_lowered:
.L_overlay_start_0:
0x88: {  	s2 =	sld [smem:$0x3FD9]  }
0x89: {  	s3 =	sld [smem:$0x3FFE];
	_ =	sdelay $0x1  }
0x8a: {  	s1 =	srdreg.scid  }
0x8b: {  	s0 =	sand.u32 $0x1, s1  }
0x8c: {  	s16 =	sshll.u32 s0, $0xA;
	s2 =	sadd.s32 s3, s2  }
0x8d: {  	s2 =	sadd.s32 s2, s16  }
0x8e: {  	[smem:$0x3FC0] =	sst s2  }
0x8f: {  	_ = 	snop  }
0x90: {  	(tm) =	ssettm $0x1  }
0x91: {  	s17 =	sld [smem:$0x3FFB];
	_ =	sdelay $0x3  }
0x92: {  	_ =	strace s17  }
0x93: {  	s2 =	sld [smem:$0x3FFC];
	_ =	sdelay $0x3  }
0x94: {  	_ =	strace s2  }
0x95: {  	s2 =	sld [smem:$0x3FFD];
	_ =	sdelay $0x3  }
0x96: {  	_ =	strace s2  }
0x97: {  	_ =	strace $0x8FFFFFFF  }
0x98: {  	s18 =	sld [smem:$0x3FDB];
	_ =	sdelay $0x1  }
0x99: {  	s19 =	simm.s32 $_scs_section_size  }
0x9a: {  	s4 =	simm.s32 $_size__tile_overlayer_lowered;
	s5 =	simm.s32 $_tile_overlayer_lowered  }
0x9b: {  	s22 =	simm.s32 $0x1BFF;
	s21 =	sshll.u32 s5, $0x1;
	s2 =	sadd.s32 s19, s18  }
0x9c: {  	s6 =	simm.s32 $0x0;
	s20 =	sshll.u32 s4, $0x1;
	s4 =	sadd.s32 s21, s2  }
0x9d: {  	[timem:s6], [sflag:s22] =	dma.local [hbm:s4], s20  }
0x9e: {  	_ =	swait.ge [sflag:s22], s20  }
0x9f: {  	s3 =	ssub.s32 $0x0, s20;
	[sflag:s22] =	ssyncset.done $0x0  }
0xa0: {  	[sflag:s22] =	ssyncadd.s32 s3;
	_ =	sdelay $0x1  }
0xa1: {  	s23 =	simm.s32 $0x1B8B  }
0xa2: {  	_ =	swait.ge [sflag:s23], $0x1  }
0xa3: {  	[sflag:s23] =	ssyncset.done $0x0  }
0xa4: {  	s25 =	simm.s32 $0x1B8E;
	s24 =	sld [smem:$0x3FFE];
	[sflag:s23] =	ssyncadd.s32 $0xFFFFFFFF  }
0xa5: {  	s26 =	simm.s32 $execute0_lowered;
	[smem:$0x3FD2] =	sst s25  }
0xa6: {  	s4 =	sshll.u32 s26, $0x1;
	_ =	strace $0x8000004C;
	[dreg:$0x1] =	wrdreg $0xFFFFFFFF  }
0xa7: {  	s28 =	simm.s32 $_size_execute0_lowered;
	s2 =	sadd.s32 s2, s4;
	[dreg:$0x0] =	wrdreg $0x0  }
0xa8: {  	s4 =	sshll.u32 s28, $0x1;
	[dreg:$0x2] =	wrdreg s2  }
0xa9: {  	[dreg:$0x3] =	wrdreg s4  }
0xaa: {  	[dreg:$0x4] =	wrdreg $0xC0  }
0xab: {  	_ =	task [dreg:s6], $0x5FFFF  }
0xac: {  	[dreg:$0x1] =	wrdreg $0xFFFFFFFF  }
0xad: {  	[dreg:$0x0] =	wrdreg $0x60  }
0xae: {  	[dreg:$0x2] =	wrdreg s24  }
0xaf: {  	[dreg:$0x3] =	wrdreg $0x116200  }
0xb0: {  	[dreg:$0x4] =	wrdreg $0x9  }
0xb1: {  	_ =	task.clear_ibuf [dreg:s6], $0x5FFFF;
	_ =	strace $0x9000004C  }
0xb2: {  	s29 =	simm.s32 $0x9;
	_ =	strace $0x8000004E  }
0xb3: {  	_ =	swait.ge [sflag:s29], $0x1  }
0xb4: {  	[sflag:s29] =	ssyncadd.s32 $0xFFFFFFFF  }
0xb5: {  	_ =	strace $0x9000004E  }
0xb6: {  	_ =	sfence  }
0xb7: {  	s30 =	sld [smem:$0x0];
	_ =	sdelay $0x2  }
0xb8: {  	s31 =	sshll.u32 s1, $0xD;
	s1 =	sshrl.u32 s1, $0x2  }
0xb9: {  	s3 =	sand.u32 $0x4000, s31;
	s1 =	sadd.s32 s1, s30  }
0xba: {  	s0 =	sor.u32 s3, s0;
	s1 =	sshll.u32 s1, $0x11  }
0xbb: {  	s0 =	sor.u32 s1, s0  }
0xbc: {  	s0 =	sadd.s32 $0x8F2B, s0  }
0xbd: {  	[sflag:s0] =	ssyncadd.remote.s32 $0x1  }
0xbe: {  	_ =	sfence.sel $0xFFFF  }
0xbf: {  	[dreg:$0x0] =	wrdreg $0xFFFFFFFF;
	(pc) =	sbr.abs _section_cstart, $3  }
0xc0: {  	[dreg:$0x1] =	wrdreg $0xFFFFFFFF  }
0xc1: {  	_ =	task.clear_ibuf [dreg:s6], $0x2FFFF;
	_ =	strace $0x9FFFFFFF  }
0xc2: {  	(tm) =	ssettm $0x7FFFFFFF  }
0xc3: {  	_ =	shalt  }
tec
execute0_lowered:
.L_overlay_start_1:
0x0: {  	(tag) =	ssettag $0x1  }
0x1: {  	s0 =	srdreg.scid;
	s1 =	rddreg [dreg:$0x0]  }
0x2: {  	s2 =	rddreg [dreg:$0x1];
	s15 =	stileid.u32;
	s3 =	simm.s32 $0x0  }
0x3: {  	s24 =	simm.s32 $0xF0;
	s28 =	simm.s32 $0x9E20;
	s29 =	simm.s32 $0x40  }
0x4: {  	s30 =	simm.s32 $0x80;
	s31 =	simm.s32 $0x0;
	s6 =	smul.u32 $0x27000, s15  }
0x5: {  	s0 =	sand.u32 $0x1, s0;
	[smem:$0x7FF] =	sst s3;
	s9 =	smul.u32 $0x9C00, s15  }
0x6: {  	s5 =	sadd.s32 $0x29200, s1;
	s13 =	smul.u32 $0x270, s15;
	s4 =	sshll.u32 s0, $0x4  }
0x7: {  	_ =	strace $0x8000004D;
	s7 =	ssub.s32 $0x2, s0;
	s14 =	smul.u32 $0x138800, s0  }
0x8: {  	p0 =	sne.s32 s0, $0x0;
	s4 =	sor.u32 s15, s4;
	s8 =	sshrl.u32 s7, $0x1  }
0x9: {  	s6 =	sshrl.u32 s6, $0x2;
	s25 =	sshrl.u32 s9, $0x3;
	s15 =	smul.u32 $0x13800, s15  }
0xa: {  	s10 =	sadd.s32 $0x5000, s9;
	s13 =	sadd.s32 $0x140, s13;
	s4 =	smul.u32 $0x4E2, s4  }
0xb: {  	s16 =	ssub.s32 s7, s8;
	s6 =	sadd.s32 s6, s2;
	s11 =	sshrl.u32 s10, $0x3  }
0xc: {  	s8 =	sadd.s32 s9, s2;
	s10 =	sadd.s32 s10, s2;
	s18 =	sshll.u32 s13, $0x7  }
0xd: {  	s19 =	sshll.u32 s13, $0x6;
	s17 =	sadd.s32 $0x5000, s6;
	s15 =	sadd.s32 s15, s14  }
0xe: {  	s18 =	sadd.s32 s14, s18;
	s14 =	sadd.s32 s19, s2;
	s16 =	smax.u32 s16, $0x1  }
0xf: {  	s19 =	simm.s32 $0x50;
	s12 =	sadd.s32 s4, s1;
	s4 =	sadd.s32 $0x15800, s1  }
.Ltmp0:
0x10: {  	s1 =	sadd.s32 $0x29C00, s1;
	s15 =	sshrl.u32 s15, $0x3;
	(pc) =	sbr.rel .LBB2_1-.Ltmp0, $4  }
0x11: {  	s26 =	sshrl.u32 s18, $0x3;
	s10 =	smov.u32 @p0 s17;
	s17 =	simm.s32 $0x7  }
0x12: {  	s18 =	simm.s32 $0xC620;
	s7 =	sadd.s32 s4, s25;
	s9 =	sadd.s32 s4, s11  }
0x13: {  	s11 =	sadd.s32 $0x1C00, s12;
	s12 =	sadd.s32 $0xBA00, s12;
	s13 =	sadd.s32 s1, s15  }
0x14: {  	s15 =	sadd.s32 s1, s26;
	s25 =	simm.s32 $0x8A20;
	s26 =	simm.s32 $0x140  }
.LBB2_6:
0x15: {  	[bflag:$0x0] =	sbarrier.arrive $0xFFFF  }
0x16: {  	[tilespmem:s18], [sflag:$0x7] =	stream.linear.gather [spmem:s6], $0x5000, $0x38;
	[tilespmem:$0x1B260] =	vst v63  }
0x17: {  	_ =	swait.ge [sflag:s17], $0x5000  }
0x18: {  	[sflag:s17] =	ssyncset.done $0x0  }
0x19: {  	[sflag:s17] =	ssyncadd.s32 $0xFFFFB000  }
0x1a: {  	[hbm4b:s13+s29] =	stream.strided.scatter [tilespmem:s18], [sflag:$0x7], $0x5000, s30, s29, $0x38;
	[tilespmem:$0x1B260] =	vst v63  }
0x1b: {  	_ =	swait.ge [sflag:s17], $0x5000  }
0x1c: {  	[sflag:s17] =	ssyncset.done $0x0  }
0x1d: {  	[sflag:s17] =	ssyncadd.s32 $0xFFFFB000  }
0x1e: {  	[tilespmem:s18], [sflag:$0x7] =	stream.linear.gather [spmem:s14], $0x5000, $0x38;
	[tilespmem:$0x1B260] =	vst v63  }
0x1f: {  	s31 =	sadd.s32 $0x1, s31;
	_ =	swait.ge [sflag:s17], $0x5000  }
0x20: {  	p1 =	sne.s32 s31, s16;
	[sflag:s17] =	ssyncset.done $0x0  }
.Ltmp1:
0x21: {  	[sflag:s17] =	ssyncadd.s32 $0xFFFFB000;
	(pc) =	sbr.rel @!p1 .LBB2_7-.Ltmp1, $4  }
0x22: {  	[hbm4b:s15+s29] =	stream.strided.scatter [tilespmem:s18], [sflag:$0x7], $0x5000, s30, s29, $0x38;
	[tilespmem:$0x1B260] =	vst v63  }
0x23: {  	_ =	swait.ge [sflag:s17], $0x5000  }
0x24: {  	[sflag:s17] =	ssyncset.done $0x0  }
0x25: {  	[sflag:s17] =	ssyncadd.s32 $0xFFFFB000  }
.LBB2_1:
0x26: {  	s0 =	simm.s32 @p0 $0x0;
	s1 =	simm.s32 @p0 $0xC620  }
0x27: {  	[tilespmem:s1], [sflag:$0x7] =	stream.linear.gather @p0 [hbm4b:s5+s0], $0x5000, $0x38;
	[tilespmem:$0x1B260] =	vst v63  }
0x28: {  	s0 =	simm.s32 @p0 $0x7  }
0x29: {  	_ =	swait.ge @p0 [sflag:s0], $0x5000  }
0x2a: {  	[sflag:s0] =	ssyncset.done @p0 $0x0  }
0x2b: {  	[sflag:s0] =	ssyncadd.s32 @p0 $0xFFFFB000  }
0x2c: {  	[spmem:s6] =	stream.linear.scatter @p0 [tilespmem:s1], [sflag:$0x7], $0x5000, $0x38;
	[tilespmem:$0x1B260] =	vst v63  }
0x2d: {  	s20 =	simm.s32 @!p0 $0x7;
	s0 =	simm.s32 @!p0 $0x0;
	s1 =	simm.s32 @!p0 $0xC620  }
0x2e: {  	[tilespmem:s1], [sflag:$0x7] =	stream.linear.gather @!p0 [hbm4b:s7+s0], $0x5000, $0x38;
	[tilespmem:$0x1B260] =	vst v63  }
0x2f: {  	_ =	swait.ge @!p0 [sflag:s20], $0x5000  }
0x30: {  	[sflag:s20] =	ssyncset.done @!p0 $0x0  }
0x31: {  	[sflag:s20] =	ssyncadd.s32 @!p0 $0xFFFFB000  }
0x32: {  	[spmem:s8] =	stream.linear.scatter @!p0 [tilespmem:s1], [sflag:$0x7], $0x5000, $0x38;
	[tilespmem:$0x1B260] =	vst v63  }
0x33: {  	_ =	swait.ge @!p0 [sflag:s20], $0x5000  }
0x34: {  	[sflag:s20] =	ssyncset.done @!p0 $0x0  }
0x35: {  	[sflag:s20] =	ssyncadd.s32 @!p0 $0xFFFFB000  }
0x36: {  	[tilespmem:s1], [sflag:$0x7] =	stream.linear.gather @!p0 [hbm4b:s9+s0], $0x5000, $0x38;
	[tilespmem:$0x1B260] =	vst v63  }
0x37: {  	_ =	swait.ge [sflag:s17], $0x5000  }
0x38: {  	[sflag:s17] =	ssyncset.done $0x0  }
0x39: {  	[sflag:s17] =	ssyncadd.s32 $0xFFFFB000  }
0x3a: {  	[spmem:s10] =	stream.linear.scatter [tilespmem:s18], [sflag:$0x7], $0x5000, $0x38;
	[tilespmem:$0x1B260] =	vst v63  }
0x3b: {  	_ =	swait.ge [sflag:s17], $0x5000  }
0x3c: {  	[sflag:s17] =	ssyncset.done $0x0  }
0x3d: {  	[sflag:s17] =	ssyncadd.s32 $0xFFFFB000  }
0x3e: {  	[tilespmem:s3], [sflag:$0x7] =	stream.linear.gather [hbm4b:s11+s3], $0x2710, $0x38;
	[tilespmem:$0x1B260] =	vst v63  }
0x3f: {  	_ =	swait.ge [sflag:s17], $0x2710  }
0x40: {  	[sflag:s17] =	ssyncset.done $0x0  }
0x41: {  	s0 =	simm.s32 $0x2710;
	[sflag:s17] =	ssyncadd.s32 $0xFFFFD8F0  }
0x42: {  	[tilespmem:s0], [sflag:$0x7] =	stream.linear.gather [hbm4b:s12+s3], $0x2710, $0x38;
	[tilespmem:$0x1B260] =	vst v63  }
0x43: {  	_ =	swait.ge [sflag:s17], $0x2710  }
0x44: {  	[sflag:s17] =	ssyncset.done $0x0  }
0x45: {  	[sflag:s17] =	ssyncadd.s32 $0xFFFFD8F0  }
0x46: {  	s20 =	simm.s32 $0x4E20;
	[bflag:$0x0] =	sbarrier.arrive $0xFFFF  }
0x47: {  	[tilespmem:s20], [sflag:$0x1] =	stream.indirect.gather [hbm4b:s4+s19], $0x40, s3, s19, $0xb8;
	[tilespmem:$0x1B260] =	vst v63  }
0x48: {  	s21 =	simm.s32 $0x6220  }
0x49: {  	[tilespmem:s21], [sflag:$0x2] =	stream.indirect.gather [hbm4b:s4+s19], $0x40, s19, s19, $0xb8;
	[tilespmem:$0x1B260] =	vst v63  }
0x4a: {  	s22 =	simm.s32 $0xA0;
	s23 =	simm.s32 $0x7620  }
0x4b: {  	[tilespmem:s23], [sflag:$0x3] =	stream.indirect.gather [hbm4b:s4+s19], $0x40, s22, s19, $0xb8;
	[tilespmem:$0x1B260] =	vst v63  }
.Ltmp2:
0x4c: {  	_ = 	snop;
	(pc) =	sbr.rel .LBB2_2-.Ltmp2, $4  }
0x4d: {  	_ = 	snop  }
0x4e: {  	[tilespmem:s25], [sflag:$0x4] =	stream.indirect.gather [hbm4b:s4+s19], $0x40, s24, s19, $0xb8;
	[tilespmem:$0x1B260] =	vst v63  }
0x4f: {  	s1 =	simm.s32 $0x190;
	s20 =	simm.s32 $0x0  }
0x50: {  	[tilespmem:s28], [sflag:$0x5] =	stream.indirect.gather [hbm4b:s4+s19], $0x40, s26, s19, $0xb8;
	[tilespmem:$0x1B260] =	vst v63  }
.LBB2_4:
0x51: {  	p1 =	seq.s32 s21, $0x3  }
0x52: {  	p2 =	sgt.u32 @p1 s20, $0x77  }
0x53: {  	p2 =	por p2, !p1  }
0x54: {  	p3 =	seq.s32 @!p1 s21, $0x4;
	s22 =	simm.s32 @!p2 $0x50;
	s23 =	simm.s32 @!p2 $0x7620  }
0x55: {  	[tilespmem:s23], [sflag:$0x3] =	stream.indirect.gather @!p2 [hbm4b:s4+s22], $0x40, s1, s22, $0xb8;
	[tilespmem:$0x1B260] =	vst v63  }
0x56: {  	s22 =	simm.s32 @p1 $0x4;
	p2 =	por !p3, p1  }
0x57: {  	_ =	swait.ge @p1 [sflag:s22], $0x1400;
	p4 =	sgt.u32 @!p2 s20, $0x77  }
0x58: {  	s23 =	simm.s32 @p1 $0x8A20;
	[sflag:s22] =	ssyncset.done @p1 $0x0;
	p4 =	por @!p1 p4, !p3  }
0x59: {  	[sflag:s22] =	ssyncadd.s32 @p1 $0xFFFFEC00;
	s22 =	simm.s32 @p1 $0x50;
	p4 =	por p4, p1  }
0x5a: {  	[spmem:s2] =	stream.indirect.scatter.add.f32 @p1 [tilespmem:s23], [sflag:$0x8], $0x40, s0, s22, $0xb8;
	[tilespmem:$0x1B260] =	vst v63  }
0x5b: {  	s21 =	simm.s32 @!p4 $0x50;
	s22 =	simm.s32 @!p4 $0x8A20  }
0x5c: {  	[tilespmem:s22], [sflag:$0x4] =	stream.indirect.gather @!p4 [hbm4b:s4+s21], $0x40, s1, s21, $0xb8;
	[tilespmem:$0x1B260] =	vst v63  }
0x5d: {  	s21 =	simm.s32 @!p2 $0x5;
	p4 =	por p3, p1  }
0x5e: {  	_ =	swait.ge @!p2 [sflag:s21], $0x1400;
	p5 =	sgt.u32 @!p4 s20, $0x77  }
0x5f: {  	s22 =	simm.s32 @!p2 $0x9E20;
	[sflag:s21] =	ssyncset.done @!p2 $0x0;
	p3 =	por @!p1 p5, p3  }
0x60: {  	[sflag:s21] =	ssyncadd.s32 @!p2 $0xFFFFEC00;
	s21 =	simm.s32 @!p2 $0x50;
	p3 =	por p3, p1  }
0x61: {  	[spmem:s2] =	stream.indirect.scatter.add.f32 @!p2 [tilespmem:s22], [sflag:$0x8], $0x40, s0, s21, $0xb8;
	[tilespmem:$0x1B260] =	vst v63  }
0x62: {  	s21 =	simm.s32 @!p3 $0x50;
	s22 =	simm.s32 @!p3 $0x9E20  }
0x63: {  	[tilespmem:s22], [sflag:$0x5] =	stream.indirect.gather @!p3 [hbm4b:s4+s21], $0x40, s1, s21, $0xb8;
	[tilespmem:$0x1B260] =	vst v63  }
0x64: {  	s22 =	simm.s32 @!p4 $0x6  }
0x65: {  	s21 =	simm.s32 @!p2 $0x8;
	_ =	swait.ge @!p4 [sflag:s22], $0x1400  }
0x66: {  	s23 =	simm.s32 @!p4 $0xB220;
	s21 =	simm.s32 @p2 $0x7;
	[sflag:s22] =	ssyncset.done @!p4 $0x0  }
0x67: {  	s21 =	simm.s32 @p1 $0x8;
	[sflag:s22] =	ssyncadd.s32 @!p4 $0xFFFFEC00;
	s22 =	simm.s32 @!p4 $0x50  }
0x68: {  	[spmem:s2] =	stream.indirect.scatter.add.f32 @!p4 [tilespmem:s23], [sflag:$0x7], $0x40, s0, s22, $0xb8;
	[tilespmem:$0x1B260] =	vst v63  }
.LBB2_5:
0x69: {  	s20 =	sadd.s32 $0x1, s20  }
0x6a: {  	p1 =	sne.s32 s20, $0x7D  }
.Ltmp3:
0x6b: {  	_ = 	snop;
	(pc) =	sbr.rel @!p1 .LBB2_6-.Ltmp3, $4  }
0x6c: {  	_ = 	snop  }
0x6d: {  	_ =	swait.ge [sflag:s21], $0x1400  }
0x6e: {  	[sflag:s21] =	ssyncset.done $0x0  }
0x6f: {  	s1 =	sadd.s32 $0x50, s1;
	s0 =	sadd.s32 $0x50, s0;
	[sflag:s21] =	ssyncadd.s32 $0xFFFFEC00  }
.LBB2_2:
0x70: {  	s21 =	smul.u32 $0xAB, s20;
	_ =	sdelay $0x1  }
0x71: {  	s21 =	sshrl.u32 s21, $0xA  }
0x72: {  	s21 =	sand.u32 $0x3F, s21  }
0x73: {  	s21 =	smul.u32 $0x6, s21;
	_ =	sdelay $0x1  }
0x74: {  	s21 =	ssub.s32 s20, s21  }
0x75: {  	s21 =	sand.u32 $0xFF, s21  }
0x76: {  	p1 =	sgt.s32 s21, $0x2  }
.Ltmp4:
0x77: {  	_ = 	snop;
	(pc) =	sbr.rel @p1 .LBB2_4-.Ltmp4, $1  }
0x78: {  	_ =	sdelay $0x3  }
0x79: {  	p1 =	seq.s32 s21, $0x0  }
0x7a: {  	p2 =	sgt.u32 @p1 s20, $0x77  }
0x7b: {  	p2 =	por p2, !p1  }
0x7c: {  	p3 =	seq.s32 @!p1 s21, $0x1;
	s22 =	simm.s32 @!p2 $0x50;
	s23 =	simm.s32 @!p2 $0xB220  }
0x7d: {  	[tilespmem:s23], [sflag:$0x6] =	stream.indirect.gather @!p2 [hbm4b:s4+s22], $0x40, s1, s22, $0xb8;
	[tilespmem:$0x1B260] =	vst v63  }
0x7e: {  	s22 =	simm.s32 @p1 $0x1;
	p2 =	por !p3, p1  }
0x7f: {  	_ =	swait.ge @p1 [sflag:s22], $0x1400;
	p4 =	sgt.u32 @!p2 s20, $0x77  }
0x80: {  	s23 =	simm.s32 @p1 $0x4E20;
	[sflag:s22] =	ssyncset.done @p1 $0x0;
	p4 =	por @!p1 p4, !p3  }
0x81: {  	[sflag:s22] =	ssyncadd.s32 @p1 $0xFFFFEC00;
	s22 =	simm.s32 @p1 $0x50;
	p4 =	por p4, p1  }
0x82: {  	[spmem:s2] =	stream.indirect.scatter.add.f32 @p1 [tilespmem:s23], [sflag:$0x8], $0x40, s0, s22, $0xb8;
	[tilespmem:$0x1B260] =	vst v63  }
0x83: {  	s21 =	simm.s32 @!p4 $0x50;
	s22 =	simm.s32 @!p4 $0x4E20  }
0x84: {  	[tilespmem:s22], [sflag:$0x1] =	stream.indirect.gather @!p4 [hbm4b:s4+s21], $0x40, s1, s21, $0xb8;
	[tilespmem:$0x1B260] =	vst v63  }
0x85: {  	s21 =	simm.s32 @!p2 $0x2;
	p4 =	por p3, p1  }
0x86: {  	_ =	swait.ge @!p2 [sflag:s21], $0x1400;
	p5 =	sgt.u32 @!p4 s20, $0x77  }
0x87: {  	s22 =	simm.s32 @!p2 $0x6220;
	[sflag:s21] =	ssyncset.done @!p2 $0x0;
	p3 =	por @!p1 p5, p3  }
0x88: {  	[sflag:s21] =	ssyncadd.s32 @!p2 $0xFFFFEC00;
	s21 =	simm.s32 @!p2 $0x50;
	p3 =	por p3, p1  }
0x89: {  	[spmem:s2] =	stream.indirect.scatter.add.f32 @!p2 [tilespmem:s22], [sflag:$0x8], $0x40, s0, s21, $0xb8;
	[tilespmem:$0x1B260] =	vst v63  }
0x8a: {  	s21 =	simm.s32 @!p3 $0x50;
	s22 =	simm.s32 @!p3 $0x6220  }
0x8b: {  	[tilespmem:s22], [sflag:$0x2] =	stream.indirect.gather @!p3 [hbm4b:s4+s21], $0x40, s1, s21, $0xb8;
	[tilespmem:$0x1B260] =	vst v63  }
.Ltmp5:
0x8c: {  	s22 =	simm.s32 @!p4 $0x3;
	(pc) =	sbr.rel .LBB2_5-.Ltmp5, $4  }
0x8d: {  	s21 =	simm.s32 @!p2 $0x8;
	_ =	swait.ge @!p4 [sflag:s22], $0x1400  }
0x8e: {  	s23 =	simm.s32 @!p4 $0x7620;
	s21 =	simm.s32 @p2 $0x8;
	[sflag:s22] =	ssyncset.done @!p4 $0x0  }
0x8f: {  	s21 =	simm.s32 @p1 $0x8;
	[sflag:s22] =	ssyncadd.s32 @!p4 $0xFFFFEC00;
	s22 =	simm.s32 @!p4 $0x50  }
0x90: {  	[spmem:s2] =	stream.indirect.scatter.add.f32 @!p4 [tilespmem:s23], [sflag:$0x8], $0x40, s0, s22, $0xb8;
	[tilespmem:$0x1B260] =	vst v63  }
.LBB2_7:
0x91: {  	_ =	sfence.sel $0x180000  }
0x92: {  	[bflag:$0x0] =	sbarrier.arrive $0xFFFF  }
0x93: {  	_ =	strace $0x9000004D  }
0x94: {  	s0 =	stileid.u32;
	[bflag:$0x2] =	sbarrier.arrive $0xFFFF  }
0x95: {  	p0 =	sne.s32 s0, $0x0;
	s0 =	rddreg [dreg:$0x2]  }
0x96: {  	s0 =	sadd.s32 @!p0 $0x100000, s0  }
0x97: {  	[sflag:s0] =	ssyncadd.tile.s32 @!p0 $0x1;
	_ =	shalt  }
.Lfunc_end2:
_tile_overlayer_lowered:
.L_overlay_start_2:
0x98: {  	(tag) =	ssettag $0x2  }
0x99: {  	s0 =	rddreg [dreg:$0x0];
	s2 =	stileid.u32  }
0x9a: {  	s1 =	rddreg [dreg:$0x1];
	p0 =	sne.s32 s2, $0x0  }
0x9b: {  	s3 =	rddreg [dreg:$0x2];
	[bflag:$0x3] =	sbarrier.arrive $0xFFFF;
	s2 =	simm.s32 @!p0 $0x1C07  }
0x9c: {  	[timem:s3], [sflag:s2] =	dma.local @!p0 [hbm:s0], s1  }
0x9d: {  	s0 =	simm.s32 @!p0 $0x7  }
0x9e: {  	_ =	swait.ge @!p0 [sflag:s0], s1  }
0x9f: {  	s1 =	ssub.s32 @!p0 $0x0, s1;
	[sflag:s0] =	ssyncset.done @!p0 $0x0  }
0xa0: {  	[sflag:s0] =	ssyncadd.s32 @!p0 s1  }
0xa1: {  	[bflag:$0x3] =	sbarrier.arrive $0xFFFF  }
0xa2: {  	_ =	shalt  }

// kernel: kernel.9.cloned.1.call-start
scs
__scs_entry_jumppad:
0x0: {  	(pc) =	sbr.rel $0x88, $3  }
0x1: {  	(tag) =	ssettag $0x0;
	lr =	simm.s32 $0x1  }
0x2: {  	[smem:$0x3F99] =	sst lr;
	_ =	strace $0xD0000000  }
0x3: {  	_ = 	snop  }
0x4: {  	_ = 	snop  }
0x5: {  	_ = 	snop  }
0x6: {  	_ = 	snop  }
0x7: {  	_ = 	snop  }
__scs_overlays_trampoline_lowered:
0x8: {  	[smem:$0x3FA8] =	sst s0  }
0x9: {  	[smem:$0x3FA9] =	sst s1  }
0xa: {  	[smem:$0x3FAA] =	sst s2  }
0xb: {  	[smem:$0x3FAB] =	sst s3  }
0xc: {  	[smem:$0x3FAC] =	sst s4  }
0xd: {  	[smem:$0x3FAD] =	sst s5  }
0xe: {  	[smem:$0x3FAE] =	sst s6  }
0xf: {  	[smem:$0x3FAF] =	sst s7  }
0x10: {  	[smem:$0x3FB0] =	sst s8  }
0x11: {  	[smem:$0x3FB1] =	sst s9;
	s0 =	simm.s32 @!p0 $0x0  }
0x12: {  	s1 =	sld [smem:$0x3F97];
	s0 =	simm.s32 @p0 $0x1  }
0x13: {  	[smem:$0x3FB2] =	sst s0;
	s0 =	simm.s32 @!p1 $0x0  }
0x14: {  	s2 =	sld [smem:$0x3F96];
	s0 =	simm.s32 @p1 $0x1  }
0x15: {  	[smem:$0x3FB3] =	sst s0;
	s0 =	simm.s32 @!p2 $0x0  }
0x16: {  	s3 =	sld [smem:$0x3FDB];
	s0 =	simm.s32 @p2 $0x1  }
0x17: {  	s4 =	simm.s32 $0x1BF5;
	[smem:$0x3FB5] =	sst s0  }
0x18: {  	s0 =	sld [smem:$0x3F98];
	_ =	swait.ge [sflag:s4], $0x0  }
0x19: {  	s7 =	sld [smem:$0x3F99]  }
0x1a: {  	s8 =	sadd.s32 $0xFFFFE003, lr  }
0x1b: {  	s9 =	sadd.s32 $0xFFFFFEF7, lr;
	s5 =	simm.s32 $0xFFFFFFFF;
	p2 =	slt.u32 s8, $0xFFFFF086  }
0x1c: {  	p1 =	slt.u32 s9, $0xF7A;
	s5 =	simm.s32 @!p2 $0x0  }
0x1d: {  	s5 =	simm.s32 @p1 $0x1;
	p0 =	seq.s32 s7, s2  }
0x1e: {  	s7 =	smul.u32 @!p0 $0xF7A, s2;
	p2 =	seq.s32 @!p0 s5, $0x0  }
0x1f: {  	s9 =	smul.u32 $0xF7A, s1;
	s8 =	simm.s32 @!p0 $0x1BF5;
	p2 =	por !p2, p0  }
0x20: {  	[sflag:s8] =	ssyncset.s32 @!p0 $0xFFFFF086;
	s6 =	sadd.s32 @!p0 s3, s7;
	s7 =	simm.s32 @!p0 $0x108  }
0x21: {  	s3 =	sadd.s32 s3, s9;
	s6 =	sadd.s32 @!p0 $0x88, s6;
	s7 =	simm.s32 @p2 $0x1082  }
0x22: {  	[simem:s7], [sflag:s8] =	dma.local @!p0 [hbm:s6], $0xF7A  }
0x23: {  	s9 =	sor.u32 $0xD0000000, s2;
	s6 =	simm.s32 $0x108;
	_ =	swait.ge @!p0 [sflag:s8], $0x0  }
0x24: {  	s3 =	sadd.s32 $0x88, s3;
	s6 =	simm.s32 @!p1 $0x1082;
	[sflag:s4] =	ssyncset.s32 $0xFFFFF086  }
0x25: {  	[simem:s6], [sflag:s4] =	dma.local [hbm:s3], $0xF7A  }
0x26: {  	[smem:$0x3F99] =	sst s1;
	(tag) =	ssettag s2;
	_ =	strace s9  }
0x27: {  	s1 =	sld [smem:$0x3FA9]  }
0x28: {  	s2 =	sld [smem:$0x3FAA]  }
0x29: {  	s4 =	sld [smem:$0x3FAC]  }
0x2a: {  	p0 =	seq.s32 s5, $0x0;
	s5 =	sld [smem:$0x3FAD]  }
0x2b: {  	s6 =	sld [smem:$0x3FAE]  }
0x2c: {  	s7 =	sld [smem:$0x3FAF]  }
0x2d: {  	s3 =	simm.s32 $0x108;
	s8 =	sld [smem:$0x3FB0]  }
0x2e: {  	s3 =	simm.s32 @!p0 $0x1082;
	s9 =	sld [smem:$0x3FB1]  }
0x2f: {  	lr =	sadd.s32 s0, s3;
	s0 =	sld [smem:$0x3FA8]  }
0x30: {  	s3 =	sld [smem:$0x3FAB]  }
0x31: {  	[smem:$0x3FB4] =	sst s10  }
0x32: {  	s10 =	sld [smem:$0x3FB2];
	_ =	sdelay $0x3  }
0x33: {  	p0 =	seq.s32 s10, $0x1;
	s10 =	sld [smem:$0x3FB4];
	_ =	sdelay $0x3  }
0x34: {  	[smem:$0x3FB4] =	sst s10  }
0x35: {  	s10 =	sld [smem:$0x3FB3];
	_ =	sdelay $0x3  }
0x36: {  	p1 =	seq.s32 s10, $0x1;
	s10 =	sld [smem:$0x3FB4];
	_ =	sdelay $0x3  }
0x37: {  	[smem:$0x3FB4] =	sst s10  }
0x38: {  	s10 =	sld [smem:$0x3FB5]  }
0x39: {  	_ = 	snop;
	(pc) =	sbr.ind lr, $3  }
0x3a: {  	_ = 	snop  }
0x3b: {  	_ = 	snop  }
0x3c: {  	p2 =	seq.s32 s10, $0x1;
	s10 =	sld [smem:$0x3FB4]  }
0x3d: {  	_ =	shalt  }
0x3e: {  	_ =	shalt  }
0x3f: {  	_ =	shalt  }
0x40: {  	_ =	shalt  }
0x41: {  	_ =	shalt  }
0x42: {  	_ =	shalt  }
0x43: {  	_ =	shalt  }
0x44: {  	_ =	shalt  }
0x45: {  	_ =	shalt  }
0x46: {  	_ =	shalt  }
0x47: {  	_ =	shalt  }
0x48: {  	_ =	shalt  }
0x49: {  	_ =	shalt  }
0x4a: {  	_ =	shalt  }
0x4b: {  	_ =	shalt  }
0x4c: {  	_ =	shalt  }
0x4d: {  	_ =	shalt  }
0x4e: {  	_ =	shalt  }
0x4f: {  	_ =	shalt  }
0x50: {  	_ =	shalt  }
0x51: {  	_ =	shalt  }
0x52: {  	_ =	shalt  }
0x53: {  	_ =	shalt  }
0x54: {  	_ =	shalt  }
0x55: {  	_ =	shalt  }
0x56: {  	_ =	shalt  }
0x57: {  	_ =	shalt  }
0x58: {  	_ =	shalt  }
0x59: {  	_ =	shalt  }
0x5a: {  	_ =	shalt  }
0x5b: {  	_ =	shalt  }
0x5c: {  	_ =	shalt  }
0x5d: {  	_ =	shalt  }
0x5e: {  	_ =	shalt  }
0x5f: {  	_ =	shalt  }
0x60: {  	_ =	shalt  }
0x61: {  	_ =	shalt  }
0x62: {  	_ =	shalt  }
0x63: {  	_ =	shalt  }
0x64: {  	_ =	shalt  }
0x65: {  	_ =	shalt  }
0x66: {  	_ =	shalt  }
0x67: {  	_ =	shalt  }
0x68: {  	_ =	shalt  }
0x69: {  	_ =	shalt  }
0x6a: {  	_ =	shalt  }
0x6b: {  	_ =	shalt  }
0x6c: {  	_ =	shalt  }
0x6d: {  	_ =	shalt  }
0x6e: {  	_ =	shalt  }
0x6f: {  	_ =	shalt  }
0x70: {  	_ =	shalt  }
0x71: {  	_ =	shalt  }
0x72: {  	_ =	shalt  }
0x73: {  	_ =	shalt  }
0x74: {  	_ =	shalt  }
0x75: {  	_ =	shalt  }
0x76: {  	_ =	shalt  }
0x77: {  	_ =	shalt  }
0x78: {  	_ =	shalt  }
0x79: {  	_ =	shalt  }
0x7a: {  	_ =	shalt  }
0x7b: {  	_ =	shalt  }
0x7c: {  	_ =	shalt  }
0x7d: {  	_ =	shalt  }
0x7e: {  	_ =	shalt  }
0x7f: {  	_ =	shalt  }
0x80: {  	_ =	shalt  }
0x81: {  	_ =	shalt  }
0x82: {  	_ =	shalt  }
0x83: {  	_ =	shalt  }
0x84: {  	_ =	shalt  }
0x85: {  	_ =	shalt  }
0x86: {  	_ =	shalt  }
0x87: {  	_ =	shalt  }
.Lfunc_end0:
.L_simem_size_0:
called_computation_lowered:
.L_overlay_start_0:
0x88: {  	s2 =	sld [smem:$0x3FD9]  }
0x89: {  	s3 =	sld [smem:$0x3FFE];
	_ =	sdelay $0x1  }
0x8a: {  	s1 =	srdreg.scid  }
0x8b: {  	s0 =	sand.u32 $0x1, s1  }
0x8c: {  	s16 =	sshll.u32 s0, $0xA;
	s2 =	sadd.s32 s3, s2  }
0x8d: {  	s2 =	sadd.s32 s2, s16  }
0x8e: {  	[smem:$0x3FC0] =	sst s2  }
0x8f: {  	_ = 	snop  }
0x90: {  	(tm) =	ssettm $0x1  }
0x91: {  	s17 =	sld [smem:$0x3FFB];
	_ =	sdelay $0x3  }
0x92: {  	_ =	strace s17  }
0x93: {  	s2 =	sld [smem:$0x3FFC];
	_ =	sdelay $0x3  }
0x94: {  	_ =	strace s2  }
0x95: {  	s2 =	sld [smem:$0x3FFD];
	_ =	sdelay $0x3  }
0x96: {  	_ =	strace s2  }
0x97: {  	_ =	strace $0x8FFFFFFF  }
0x98: {  	s18 =	sld [smem:$0x3FDB];
	_ =	sdelay $0x1  }
0x99: {  	s19 =	simm.s32 $_scs_section_size  }
0x9a: {  	s4 =	simm.s32 $_size__tile_overlayer_lowered;
	s5 =	simm.s32 $_tile_overlayer_lowered  }
0x9b: {  	s22 =	simm.s32 $0x1BFF;
	s21 =	sshll.u32 s5, $0x1;
	s2 =	sadd.s32 s19, s18  }
0x9c: {  	s6 =	simm.s32 $0x0;
	s20 =	sshll.u32 s4, $0x1;
	s4 =	sadd.s32 s21, s2  }
0x9d: {  	[timem:s6], [sflag:s22] =	dma.local [hbm:s4], s20  }
0x9e: {  	_ =	swait.ge [sflag:s22], s20  }
0x9f: {  	s3 =	ssub.s32 $0x0, s20;
	[sflag:s22] =	ssyncset.done $0x0  }
0xa0: {  	[sflag:s22] =	ssyncadd.s32 s3;
	_ =	sdelay $0x1  }
0xa1: {  	s23 =	simm.s32 $0x1B8B  }
0xa2: {  	_ =	swait.ge [sflag:s23], $0x1  }
0xa3: {  	[sflag:s23] =	ssyncset.done $0x0  }
0xa4: {  	s25 =	simm.s32 $0x1B8E;
	s24 =	sld [smem:$0x3FFE];
	[sflag:s23] =	ssyncadd.s32 $0xFFFFFFFF  }
0xa5: {  	s26 =	simm.s32 $execute0_lowered;
	[smem:$0x3FD2] =	sst s25  }
0xa6: {  	s4 =	sshll.u32 s26, $0x1;
	_ =	strace $0x80000046;
	[dreg:$0x1] =	wrdreg $0xFFFFFFFF  }
0xa7: {  	s28 =	simm.s32 $_size_execute0_lowered;
	s2 =	sadd.s32 s2, s4;
	[dreg:$0x0] =	wrdreg $0x0  }
0xa8: {  	s4 =	sshll.u32 s28, $0x1;
	[dreg:$0x2] =	wrdreg s2  }
0xa9: {  	[dreg:$0x3] =	wrdreg s4  }
0xaa: {  	[dreg:$0x4] =	wrdreg $0xC0  }
0xab: {  	_ =	task [dreg:s6], $0x5FFFF  }
0xac: {  	[dreg:$0x1] =	wrdreg $0xFFFFFFFF  }
0xad: {  	[dreg:$0x0] =	wrdreg $0x60  }
0xae: {  	[dreg:$0x2] =	wrdreg s24  }
0xaf: {  	[dreg:$0x3] =	wrdreg $0x43000  }
0xb0: {  	[dreg:$0x4] =	wrdreg $0x9  }
0xb1: {  	_ =	task.clear_ibuf [dreg:s6], $0x5FFFF;
	_ =	strace $0x90000046  }
0xb2: {  	s29 =	simm.s32 $0x9;
	_ =	strace $0x80000048  }
0xb3: {  	_ =	swait.ge [sflag:s29], $0x1  }
0xb4: {  	[sflag:s29] =	ssyncadd.s32 $0xFFFFFFFF  }
0xb5: {  	_ =	strace $0x90000048  }
0xb6: {  	_ =	sfence  }
0xb7: {  	s30 =	sld [smem:$0x0];
	_ =	sdelay $0x2  }
0xb8: {  	s31 =	sshll.u32 s1, $0xD;
	s1 =	sshrl.u32 s1, $0x2  }
0xb9: {  	s3 =	sand.u32 $0x4000, s31;
	s1 =	sadd.s32 s1, s30  }
0xba: {  	s0 =	sor.u32 s3, s0;
	s1 =	sshll.u32 s1, $0x11  }
0xbb: {  	s0 =	sor.u32 s1, s0  }
0xbc: {  	s0 =	sadd.s32 $0x8F2B, s0  }
0xbd: {  	[sflag:s0] =	ssyncadd.remote.s32 $0x1  }
0xbe: {  	_ =	sfence.sel $0xFFFF  }
0xbf: {  	[dreg:$0x0] =	wrdreg $0xFFFFFFFF;
	(pc) =	sbr.abs _section_cstart, $3  }
0xc0: {  	[dreg:$0x1] =	wrdreg $0xFFFFFFFF  }
0xc1: {  	_ =	task.clear_ibuf [dreg:s6], $0x2FFFF;
	_ =	strace $0x9FFFFFFF  }
0xc2: {  	(tm) =	ssettm $0x7FFFFFFF  }
0xc3: {  	_ =	shalt  }
tec
execute0_lowered:
.L_overlay_start_1:
0x0: {  	(tag) =	ssettag $0x1  }
0x1: {  	s4 =	rddreg [dreg:$0x0]  }
0x2: {  	s2 =	rddreg [dreg:$0x1]  }
0x3: {  	s0 =	rddreg [dreg:$0x2]  }
0x4: {  	s1 =	stileid.u32;
	s5 =	srdreg.scid;
	s3 =	simm.s32 $0x0  }
0x5: {  	s11 =	simm.s32 $0x4000;
	s12 =	simm.s32 $0x0;
	s5 =	sand.u32 $0x1, s5  }
0x6: {  	s6 =	smul.u32 $0x270, s1;
	[smem:$0x7FF] =	sst s3;
	s8 =	sshll.u32 s1, $0xB  }
0x7: {  	s7 =	smul.u32 $0x2710, s5;
	_ =	strace $0x80000047;
	s9 =	ssub.s32 $0x2, s5  }
0x8: {  	s8 =	sadd.s32 s8, s4;
	s5 =	sshll.u32 s5, $0xF;
	s10 =	sshrl.u32 s9, $0x1  }
0x9: {  	s5 =	sadd.s32 s5, s8;
	s8 =	simm.s32 $0x4080;
	s7 =	sadd.s32 s6, s7  }
0xa: {  	s9 =	ssub.s32 s9, s10;
	s5 =	sadd.s32 $0x15800, s5;
	s7 =	sshrl.u32 s7, $0x3  }
0xb: {  	s10 =	simm.s32 $0x50;
	s7 =	sadd.s32 s7, s4;
	s4 =	sadd.s32 s6, s2  }
0xc: {  	v0 =	vimm.f32 $0.0e+00;
	v1 =	vimm.f32 $1.000000000e+00;
	s6 =	sadd.s32 $0x25800, s7;
	s7 =	smax.u32 s9, $0x1;
	s9 =	simm.s32 $0x1  }
.LBB2_1:
0xd: {  	[tilespmem:$0x4080] =	vst v0  }
0xe: {  	[tilespmem:$0x4090] =	vst v0  }
0xf: {  	[tilespmem:$0x40A0] =	vst v0  }
0x10: {  	[tilespmem:$0x40B0] =	vst v0  }
0x11: {  	[tilespmem:$0x40C0] =	vst v0  }
0x12: {  	[tilespmem:$0x40D0] =	vst v0  }
0x13: {  	[tilespmem:$0x40E0] =	vst v0  }
0x14: {  	[tilespmem:$0x40F0] =	vst v0  }
0x15: {  	[tilespmem:$0x4100] =	vst v0  }
0x16: {  	[tilespmem:$0x4110] =	vst v0  }
0x17: {  	[tilespmem:$0x4120] =	vst v0  }
0x18: {  	[tilespmem:$0x4130] =	vst v0  }
0x19: {  	[tilespmem:$0x4140] =	vst v0  }
0x1a: {  	[tilespmem:$0x4150] =	vst v0  }
0x1b: {  	[tilespmem:$0x4160] =	vst v0  }
0x1c: {  	[tilespmem:$0x4170] =	vst v0  }
0x1d: {  	[tilespmem:$0x4180] =	vst v0  }
0x1e: {  	[tilespmem:$0x4190] =	vst v0  }
0x1f: {  	[tilespmem:$0x41A0] =	vst v0  }
0x20: {  	[tilespmem:$0x41B0] =	vst v0  }
0x21: {  	[tilespmem:$0x41C0] =	vst v0  }
0x22: {  	[tilespmem:$0x41D0] =	vst v0  }
0x23: {  	[tilespmem:$0x41E0] =	vst v0  }
0x24: {  	[tilespmem:$0x41F0] =	vst v0  }
0x25: {  	[tilespmem:$0x4200] =	vst v0  }
0x26: {  	[tilespmem:$0x4210] =	vst v0  }
0x27: {  	[tilespmem:$0x4220] =	vst v0  }
0x28: {  	[tilespmem:$0x4230] =	vst v0  }
0x29: {  	[tilespmem:$0x4240] =	vst v0  }
0x2a: {  	[tilespmem:$0x4250] =	vst v0  }
0x2b: {  	[tilespmem:$0x4260] =	vst v0  }
0x2c: {  	[tilespmem:$0x4270] =	vst v0  }
0x2d: {  	[tilespmem:$0x4280] =	vst v0  }
0x2e: {  	[tilespmem:$0x4290] =	vst v0  }
0x2f: {  	[tilespmem:$0x42A0] =	vst v0  }
0x30: {  	[tilespmem:$0x42B0] =	vst v0  }
0x31: {  	[tilespmem:$0x42C0] =	vst v0  }
0x32: {  	[tilespmem:$0x42D0] =	vst v0  }
0x33: {  	[tilespmem:$0x42E0] =	vst v0  }
0x34: {  	[tilespmem:$0x42F0] =	vst v0  }
0x35: {  	[tilespmem:$0x4000] =	vst v1  }
0x36: {  	[tilespmem:$0x4010] =	vst v1  }
0x37: {  	[tilespmem:$0x4020] =	vst v1  }
0x38: {  	[tilespmem:$0x4030] =	vst v1  }
0x39: {  	[tilespmem:$0x4040] =	vst v1  }
0x3a: {  	[spmem:s4] =	stream.linear.scatter [tilespmem:s8], [sflag:$0x1], $0x280, $0x38;
	[tilespmem:$0x4578] =	vst v63  }
0x3b: {  	_ =	swait.ge [sflag:s9], $0x280  }
0x3c: {  	[sflag:s9] =	ssyncset.done $0x0  }
0x3d: {  	[sflag:s9] =	ssyncadd.s32 $0xFFFFFD80  }
0x3e: {  	[tilespmem:s3], [sflag:$0x1] =	stream.linear.gather [hbm4b:s5+s3], $0x3E80, $0x38;
	[tilespmem:$0x4578] =	vst v63  }
0x3f: {  	_ =	swait.ge [sflag:s9], $0x3E80  }
0x40: {  	[sflag:s9] =	ssyncset.done $0x0  }
0x41: {  	[sflag:s9] =	ssyncadd.s32 $0xFFFFC180  }
0x42: {  	s13 =	simm.s32 $0x0;
	[bflag:$0x0] =	sbarrier.arrive $0xFFFF  }
0x43: {  	[spmem:s2] =	stream.indirect.scatter.add.f32 [tilespmem:s11], [sflag:$0x1], $0x1, s13, s10, $0xb8;
	[tilespmem:$0x4578] =	vst v63  }
0x44: {  	_ =	swait.ge [sflag:s9], $0x50  }
0x45: {  	s13 =	simm.s32 $0x200;
	[sflag:s9] =	ssyncset.done $0x0  }
.LBB2_2:
0x46: {  	s14 =	sshra.s32 s13, $0x2;
	[sflag:s9] =	ssyncadd.s32 $0xFFFFFFB0;
	p0 =	sne.s32 s13, $0xF800  }
0x47: {  	[spmem:s2] =	stream.indirect.scatter.add.f32 [tilespmem:s11], [sflag:$0x1], $0x1, s14, s10, $0xb8;
	[tilespmem:$0x4578] =	vst v63  }
.Ltmp0:
0x48: {  	_ = 	snop;
	(pc) =	sbr.rel @p0 .LBB2_2-.Ltmp0, $4  }
0x49: {  	_ = 	snop  }
0x4a: {  	s13 =	sadd.s32 $0x200, s13  }
0x4b: {  	_ =	swait.ge [sflag:s9], $0x50  }
0x4c: {  	[sflag:s9] =	ssyncset.done $0x0  }
0x4d: {  	[sflag:s9] =	ssyncadd.s32 $0xFFFFFFB0  }
0x4e: {  	[bflag:$0x0] =	sbarrier.arrive $0xFFFF  }
0x4f: {  	[tilespmem:s8], [sflag:$0x1] =	stream.linear.gather [spmem:s4], $0x280, $0x38;
	[tilespmem:$0x4578] =	vst v63  }
0x50: {  	s12 =	sadd.s32 $0x1, s12;
	_ =	swait.ge [sflag:s9], $0x280  }
0x51: {  	p0 =	sne.s32 s12, s7;
	[sflag:s9] =	ssyncset.done $0x0  }
.Ltmp1:
0x52: {  	[sflag:s9] =	ssyncadd.s32 $0xFFFFFD80;
	(pc) =	sbr.rel @p0 .LBB2_1-.Ltmp1, $4  }
0x53: {  	[hbm4b:s6+s3] =	stream.linear.scatter [tilespmem:s8], [sflag:$0x1], $0x280, $0x38;
	[tilespmem:$0x4578] =	vst v63  }
0x54: {  	_ =	swait.ge [sflag:s9], $0x280  }
0x55: {  	[sflag:s9] =	ssyncset.done $0x0  }
0x56: {  	[sflag:s9] =	ssyncadd.s32 $0xFFFFFD80  }
0x57: {  	_ =	sfence.sel $0x180000  }
0x58: {  	[bflag:$0x0] =	sbarrier.arrive $0xFFFF  }
0x59: {  	p0 =	sne.s32 s1, $0x0;
	_ =	strace $0x90000047  }
0x5a: {  	s0 =	sadd.s32 @!p0 $0x100000, s0;
	[bflag:$0x2] =	sbarrier.arrive $0xFFFF  }
0x5b: {  	[sflag:s0] =	ssyncadd.tile.s32 @!p0 $0x1;
	_ =	shalt  }
.Lfunc_end2:
_tile_overlayer_lowered:
.L_overlay_start_2:
0x5c: {  	(tag) =	ssettag $0x2  }
0x5d: {  	s0 =	rddreg [dreg:$0x0];
	s2 =	stileid.u32  }
0x5e: {  	s1 =	rddreg [dreg:$0x1];
	p0 =	sne.s32 s2, $0x0  }
0x5f: {  	s3 =	rddreg [dreg:$0x2];
	[bflag:$0x3] =	sbarrier.arrive $0xFFFF;
	s2 =	simm.s32 @!p0 $0x1C01  }
0x60: {  	[timem:s3], [sflag:s2] =	dma.local @!p0 [hbm:s0], s1  }
0x61: {  	s0 =	simm.s32 @!p0 $0x1  }
0x62: {  	_ =	swait.ge @!p0 [sflag:s0], s1  }
0x63: {  	s1 =	ssub.s32 @!p0 $0x0, s1;
	[sflag:s0] =	ssyncset.done @!p0 $0x0  }
0x64: {  	[sflag:s0] =	ssyncadd.s32 @!p0 s1  }
0x65: {  	[bflag:$0x3] =	sbarrier.arrive $0xFFFF  }
0x66: {  	_ =	shalt  }

</sc_bundles>
